<compile_context>
chip_gen: v7x
topology: tpu7x:2x2x1
jax: 0.10.2.dev20260603
libtpu: 0.0.44.dev20260713+nightly
codegen_flags: <defaults>
</compile_context>

<pallas_src>
import functools

import jax
import jax.numpy as jnp
from jax import lax
from jax.experimental import pallas as pl
from jax.experimental.pallas import tpu as pltpu
from jax.experimental.pallas import tpu_sc as plsc

N_RAYS = 65536
N_PTS = 128
N_IMP = 64
ALPHA = 10.0
BETA = 0.1

NC = 2
NS = 16
NW = NC * NS
RAYS_PER_TILE = N_RAYS // NW
BLK = 16
NBLK = RAYS_PER_TILE // BLK


def _sc_body(d_hbm, sdf_hbm, u_hbm, out_hbm, d_v, sdf_v, cdf_v, out_v, u_v):
    wid = lax.axis_index("c") * NS + lax.axis_index("s")
    iota = lax.iota(jnp.int32, BLK)
    zeros_i = jnp.zeros((BLK,), jnp.int32)

    pltpu.sync_copy(u_hbm, u_v)

    def block_body(b, _):
        base = wid * RAYS_PER_TILE + b * BLK
        pltpu.sync_copy(d_hbm.at[pl.ds(base, BLK), :], d_v)
        pltpu.sync_copy(sdf_hbm.at[pl.ds(base, BLK), :], sdf_v)

        d0 = plsc.load_gather(d_v, [iota, zeros_i])

        def cdf_body(i, carry):
            run, dcur = carry
            plsc.store_scatter(cdf_v, [jnp.full((BLK,), i, jnp.int32), iota],
                               1.0 - jnp.exp(-run))
            dnext = plsc.load_gather(d_v, [iota, jnp.full((BLK,), i + 1, jnp.int32)])
            s = plsc.load_gather(sdf_v, [iota, jnp.full((BLK,), i, jnp.int32)])
            e = 0.5 * jnp.exp(-jnp.abs(s) * (1.0 / BETA))
            sigma = ALPHA * jnp.where(s >= 0, e, 1.0 - e)
            return run + sigma * (dnext - dcur), dnext

        lax.fori_loop(0, N_PTS - 1, cdf_body,
                      (jnp.zeros((BLK,), jnp.float32), d0))

        def q_body(qc, _):
            for j in range(16):
                q = qc * 16 + j
                qv = jnp.full((BLK,), q, jnp.int32)
                uq = plsc.load_gather(u_v, [qv])
                lo = jnp.zeros((BLK,), jnp.int32)
                hi = jnp.full((BLK,), N_PTS - 1, jnp.int32)
                for _step in range(7):
                    mid = lax.shift_right_logical(lo + hi, 1)
                    cm = plsc.load_gather(cdf_v, [mid, iota])
                    pred = cm < uq
                    lo = jnp.where(pred, mid + 1, lo)
                    hi = jnp.where(pred, hi, mid)
                below = jnp.maximum(lo - 1, 0)
                above = jnp.minimum(lo, N_PTS - 2)
                cdf0 = plsc.load_gather(cdf_v, [below, iota])
                cdf1 = plsc.load_gather(cdf_v, [above, iota])
                b0 = plsc.load_gather(d_v, [iota, below])
                b1 = plsc.load_gather(d_v, [iota, above])
                denom = cdf1 - cdf0
                denom = jnp.where(denom < 1e-5, 1.0, denom)
                t = (uq - cdf0) / denom
                plsc.store_scatter(out_v, [iota, qv], b0 + t * (b1 - b0))
            return 0

        lax.fori_loop(0, 4, q_body, 0)
        pltpu.sync_copy(out_v, out_hbm.at[pl.ds(base, BLK), :])
        return 0

    lax.fori_loop(0, NBLK, block_body, 0)


@jax.jit
def kernel(d_vals, sdf):
    u = jnp.linspace(0.0, 1.0, N_IMP, dtype=d_vals.dtype)
    mesh = plsc.VectorSubcoreMesh(core_axis_name="c", subcore_axis_name="s")
    fn = pl.kernel(
        _sc_body,
        out_type=jax.ShapeDtypeStruct((N_RAYS, N_IMP), jnp.float32),
        mesh=mesh,
        compiler_params=pltpu.CompilerParams(needs_layout_passes=False),
        scratch_types=[
            pltpu.VMEM((BLK, N_PTS), jnp.float32),
            pltpu.VMEM((BLK, N_PTS), jnp.float32),
            pltpu.VMEM((N_PTS, BLK), jnp.float32),
            pltpu.VMEM((BLK, N_IMP), jnp.float32),
            pltpu.VMEM((N_IMP,), jnp.float32),
        ],
    )
    return fn(d_vals, sdf, u)

# --- scband reference (transcript-rebuilt; emitter-appended) ---
"""Pipeline reference for scband-single-renderer-32693291057835 (READ-ONLY COPY).

The authoritative reference and input builder live on the scoring server;
editing this copy changes nothing except your own understanding.
"""

import jax, jax.numpy as jnp
import numpy as np

N_RAYS = 65536
N_PTS = 128
N_IMPORTANCE = 64
BETA_NET = 0.1
ALPHA_NET = 10.0
NEAR = 0.0
FAR = 6.0


def sdf_to_sigma(sdf, alpha, beta):
    # Section 3.1: sdf -> density
    exp = 0.5 * jnp.exp(-jnp.abs(sdf) / beta)
    psi = jnp.where(sdf >= 0, exp, 1.0 - exp)
    return alpha * psi


def sample_cdf(bins, cdf, N_importance, eps=1e-5):
    # deterministic (det=True) inverse-CDF sampling, faithful to rend_util.sample_cdf
    u = jnp.linspace(0.0, 1.0, N_importance, dtype=bins.dtype)
    u = jnp.broadcast_to(u, (*cdf.shape[:-1], N_importance))
    cdf_s = jax.lax.stop_gradient(cdf)  # torch uses cdf.detach() for searchsorted
    inds = jax.vmap(lambda c, q: jnp.searchsorted(c, q, side='left'))(cdf_s, u)
    below = jnp.maximum(inds - 1, 0)
    above = jnp.minimum(inds, cdf.shape[-1] - 1)
    cdf_g0 = jnp.take_along_axis(cdf, below, axis=-1)
    cdf_g1 = jnp.take_along_axis(cdf, above, axis=-1)
    bins_g0 = jnp.take_along_axis(bins, below, axis=-1)
    bins_g1 = jnp.take_along_axis(bins, above, axis=-1)
    denom = cdf_g1 - cdf_g0
    denom = jnp.where(denom < eps, jnp.ones_like(denom), denom)
    t = (u - cdf_g0) / denom
    samples = bins_g0 + t * (bins_g1 - bins_g0)
    return samples


def setup_inputs(seed: int = 0) -> dict:
    key = jax.random.key(seed)
    k1, k2 = jax.random.split(key)
    # d_vals: sorted sample depths along each ray in [near, far]
    u = jax.random.uniform(k1, (N_RAYS, N_PTS), dtype=jnp.float32)
    d_vals = NEAR + (FAR - NEAR) * jnp.sort(u, axis=-1)
    # sdf values queried at those depths
    sdf = jax.random.normal(k2, (N_RAYS, N_PTS), dtype=jnp.float32) * 0.5
    return {"d_vals": d_vals, "sdf": sdf}


def reference(d_vals, sdf):
    # opacity_invert_cdf_sample from fine_sample (Section 3.4):
    # sdf -> sigma -> transmittance cumsum -> opacity CDF -> inverse-CDF sample
    sigma = sdf_to_sigma(sdf, ALPHA_NET, BETA_NET)
    delta_i = d_vals[..., 1:] - d_vals[..., :-1]
    R_t = jnp.concatenate(
        [jnp.zeros((*sdf.shape[:-1], 1), dtype=sdf.dtype),
         jnp.cumsum(sigma[..., :-1] * delta_i, axis=-1)], axis=-1)[..., :-1]
    opacity_approx = 1.0 - jnp.exp(-R_t)
    fine_dvals = sample_cdf(d_vals, opacity_approx, N_IMPORTANCE)
    return fine_dvals

if __name__ == "__main__":
    import jax
    _d = setup_inputs()
    print(jax.jit(kernel)(*tuple(_d.values())))

</pallas_src>

<mosaic_0001>
#map = affine_map<(d0, d1) -> (0, 0)>
#map1 = affine_map<(d0, d1) -> (0)>
module attributes {stable_mosaic.version = 14 : i64} {
  func.func @_sc_body(%arg0: i32, %arg1: i32, %arg2: memref<65536x128xf32, #tpu.memory_space<hbm>>, %arg3: memref<65536x128xf32, #tpu.memory_space<hbm>>, %arg4: memref<64xf32, #tpu.memory_space<hbm>>, %arg5: memref<65536x64xf32, #tpu.memory_space<hbm>>, %arg6: memref<16x128xf32, #tpu.memory_space<vmem>>, %arg7: memref<16x128xf32, #tpu.memory_space<vmem>>, %arg8: memref<128x16xf32, #tpu.memory_space<vmem>>, %arg9: memref<16x64xf32, #tpu.memory_space<vmem>>, %arg10: memref<64xf32, #tpu.memory_space<vmem>>) attributes {dimension_semantics = [#tpu.dimension_semantics<core_parallel>, #tpu.dimension_semantics<subcore_parallel>], iteration_bounds = array<i64: 2, 16>, scalar_prefetch = 0 : i64, scratch_operands = 5 : i64, tpu.core_type = #tpu.core_type<sc_vector_subcore>, window_params = [{transform_indices = #map}, {transform_indices = #map}, {transform_indices = #map1}, {transform_indices = #map}]} {
    %mul3A = arith.constant 16 : i32
    %mul3A_0 = arith.muli %arg0, %mul3A : i32
    %add3A = arith.addi %mul3A_0, %arg1 : i32
    %iota3A = tpu.iota {dimensions = array<i32: 0>} : vector<16xi32>
    %broadcast_in_dim3A = arith.constant 0 : i32
    %broadcast_in_dim3A_1 = vector.broadcast %broadcast_in_dim3A : i32 to vector<16xi32>
    "tpu.region"() ({
      %run_scoped3A = tpu.sem_alloc : memref<!tpu.dma_semaphore, #tpu.memory_space<semaphore_mem>>
      tpu.enqueue_dma source(%arg4 : memref<64xf32, #tpu.memory_space<hbm>>) target(%arg10 : memref<64xf32, #tpu.memory_space<vmem>>) target_semaphore(%run_scoped3A : memref<!tpu.dma_semaphore, #tpu.memory_space<semaphore_mem>>)
      tpu.wait_dma2 semaphore(%run_scoped3A : memref<!tpu.dma_semaphore, #tpu.memory_space<semaphore_mem>>) src(%arg4 : memref<64xf32, #tpu.memory_space<hbm>>) dst(%arg10 : memref<64xf32, #tpu.memory_space<vmem>>)
      tpu.yield
    }) : () -> ()
    %scan3A = arith.constant 0 : i32
    %scan3A_2 = arith.constant 0 : i32
    %scan3A_3 = arith.constant 128 : i32
    %scan3A_4 = arith.addi %scan3A_2, %scan3A_3 : i32
    %scan3A_5 = arith.constant 1 : i32
    %scan3A_6 = scf.for %scan3A_8 = %scan3A_2 to %scan3A_4 step %scan3A_5 iter_args(%scan3A_9 = %scan3A) -> (i32)  : i32 {
      %mul3A_10 = arith.constant 2048 : i32
      %mul3A_11 = arith.muli %add3A, %mul3A_10 : i32
      %mul3A_12 = arith.constant 16 : i32
      %mul3A_13 = arith.muli %scan3A_8, %mul3A_12 : i32
      %add3A_14 = arith.addi %mul3A_11, %mul3A_13 : i32
      "tpu.region"() ({
        %run_scoped3A = tpu.sem_alloc : memref<!tpu.dma_semaphore, #tpu.memory_space<semaphore_mem>>
        %dma_start3A = arith.constant 0 : i32
        %dma_start3A_31 = tpu.memref_slice %arg2[%add3A_14, %dma_start3A] : memref<65536x128xf32, #tpu.memory_space<hbm>> -> memref<16x128xf32, #tpu.memory_space<hbm>>
        %dma_start3A_32 = arith.constant 0 : i32
        %dma_start3A_33 = tpu.memref_slice %arg2[%add3A_14, %dma_start3A_32] : memref<65536x128xf32, #tpu.memory_space<hbm>> -> memref<16x128xf32, #tpu.memory_space<hbm>>
        tpu.enqueue_dma source(%dma_start3A_33 : memref<16x128xf32, #tpu.memory_space<hbm>>) target(%arg6 : memref<16x128xf32, #tpu.memory_space<vmem>>) target_semaphore(%run_scoped3A : memref<!tpu.dma_semaphore, #tpu.memory_space<semaphore_mem>>)
        %dma_wait3A = arith.constant 0 : i32
        %dma_wait3A_34 = tpu.memref_slice %arg2[%add3A_14, %dma_wait3A] : memref<65536x128xf32, #tpu.memory_space<hbm>> -> memref<16x128xf32, #tpu.memory_space<hbm>>
        %dma_wait3A_35 = arith.constant 0 : i32
        %dma_wait3A_36 = tpu.memref_slice %arg2[%add3A_14, %dma_wait3A_35] : memref<65536x128xf32, #tpu.memory_space<hbm>> -> memref<16x128xf32, #tpu.memory_space<hbm>>
        tpu.wait_dma2 semaphore(%run_scoped3A : memref<!tpu.dma_semaphore, #tpu.memory_space<semaphore_mem>>) src(%dma_wait3A_36 : memref<16x128xf32, #tpu.memory_space<hbm>>) dst(%arg6 : memref<16x128xf32, #tpu.memory_space<vmem>>)
        tpu.yield
      }) : () -> ()
      "tpu.region"() ({
        %run_scoped3A = tpu.sem_alloc : memref<!tpu.dma_semaphore, #tpu.memory_space<semaphore_mem>>
        %dma_start3A = arith.constant 0 : i32
        %dma_start3A_31 = tpu.memref_slice %arg3[%add3A_14, %dma_start3A] : memref<65536x128xf32, #tpu.memory_space<hbm>> -> memref<16x128xf32, #tpu.memory_space<hbm>>
        %dma_start3A_32 = arith.constant 0 : i32
        %dma_start3A_33 = tpu.memref_slice %arg3[%add3A_14, %dma_start3A_32] : memref<65536x128xf32, #tpu.memory_space<hbm>> -> memref<16x128xf32, #tpu.memory_space<hbm>>
        tpu.enqueue_dma source(%dma_start3A_33 : memref<16x128xf32, #tpu.memory_space<hbm>>) target(%arg7 : memref<16x128xf32, #tpu.memory_space<vmem>>) target_semaphore(%run_scoped3A : memref<!tpu.dma_semaphore, #tpu.memory_space<semaphore_mem>>)
        %dma_wait3A = arith.constant 0 : i32
        %dma_wait3A_34 = tpu.memref_slice %arg3[%add3A_14, %dma_wait3A] : memref<65536x128xf32, #tpu.memory_space<hbm>> -> memref<16x128xf32, #tpu.memory_space<hbm>>
        %dma_wait3A_35 = arith.constant 0 : i32
        %dma_wait3A_36 = tpu.memref_slice %arg3[%add3A_14, %dma_wait3A_35] : memref<65536x128xf32, #tpu.memory_space<hbm>> -> memref<16x128xf32, #tpu.memory_space<hbm>>
        tpu.wait_dma2 semaphore(%run_scoped3A : memref<!tpu.dma_semaphore, #tpu.memory_space<semaphore_mem>>) src(%dma_wait3A_36 : memref<16x128xf32, #tpu.memory_space<hbm>>) dst(%arg7 : memref<16x128xf32, #tpu.memory_space<vmem>>)
        tpu.yield
      }) : () -> ()
      %gather3A = tpu.vector_load_idx %arg6[%iota3A, %broadcast_in_dim3A_1] : memref<16x128xf32, #tpu.memory_space<vmem>>[vector<16xi32>, vector<16xi32>], vector<16xf32>,
      %broadcast_in_dim3A_15 = arith.constant 0.000000e+00 : f32
      %broadcast_in_dim3A_16 = vector.broadcast %broadcast_in_dim3A_15 : f32 to vector<16xf32>
      %scan3A_17 = arith.constant 0 : i32
      %scan3A_18 = arith.constant 127 : i32
      %scan3A_19 = arith.addi %scan3A_17, %scan3A_18 : i32
      %scan3A_20 = arith.constant 1 : i32
      %scan3A_21:2 = scf.for %scan3A_31 = %scan3A_17 to %scan3A_19 step %scan3A_20 iter_args(%scan3A_32 = %broadcast_in_dim3A_16, %scan3A_33 = %gather3A) -> (vector<16xf32>, vector<16xf32>)  : i32 {
        %broadcast_in_dim3A_34 = vector.broadcast %scan3A_31 : i32 to vector<16xi32>
        %neg3A = arith.constant 0.000000e+00 : f32
        %neg3A_35 = vector.broadcast %neg3A : f32 to vector<16xf32>
        %neg3A_36 = arith.subf %neg3A_35, %scan3A_32 : vector<16xf32>
        %exp3A = math.exp %neg3A_36 : vector<16xf32>
        %sub3A = arith.constant 1.000000e+00 : f32
        %sub3A_37 = vector.broadcast %sub3A : f32 to vector<16xf32>
        %sub3A_38 = arith.subf %sub3A_37, %exp3A : vector<16xf32>
        tpu.vector_store_idx %arg8[%broadcast_in_dim3A_34, %iota3A], %sub3A_38 : memref<128x16xf32, #tpu.memory_space<vmem>>[vector<16xi32>, vector<16xi32>], vector<16xf32>,
        %add3A_39 = arith.constant 1 : i32
        %add3A_40 = arith.addi %scan3A_31, %add3A_39 : i32
        %broadcast_in_dim3A_41 = vector.broadcast %add3A_40 : i32 to vector<16xi32>
        %gather3A_42 = tpu.vector_load_idx %arg6[%iota3A, %broadcast_in_dim3A_41] : memref<16x128xf32, #tpu.memory_space<vmem>>[vector<16xi32>, vector<16xi32>], vector<16xf32>,
        %broadcast_in_dim3A_43 = vector.broadcast %scan3A_31 : i32 to vector<16xi32>
        %gather3A_44 = tpu.vector_load_idx %arg7[%iota3A, %broadcast_in_dim3A_43] : memref<16x128xf32, #tpu.memory_space<vmem>>[vector<16xi32>, vector<16xi32>], vector<16xf32>,
        %abs3A = math.absf %gather3A_44 : vector<16xf32>
        %neg3A_45 = arith.constant 0.000000e+00 : f32
        %neg3A_46 = vector.broadcast %neg3A_45 : f32 to vector<16xf32>
        %neg3A_47 = arith.subf %neg3A_46, %abs3A : vector<16xf32>
        %mul3A_48 = arith.constant 1.000000e+01 : f32
        %mul3A_49 = vector.broadcast %mul3A_48 : f32 to vector<16xf32>
        %mul3A_50 = arith.mulf %neg3A_47, %mul3A_49 : vector<16xf32>
        %exp3A_51 = math.exp %mul3A_50 : vector<16xf32>
        %mul3A_52 = arith.constant 5.000000e-01 : f32
        %mul3A_53 = vector.broadcast %mul3A_52 : f32 to vector<16xf32>
        %mul3A_54 = arith.mulf %mul3A_53, %exp3A_51 : vector<16xf32>
        %ge3A = arith.constant 0.000000e+00 : f32
        %ge3A_55 = vector.broadcast %ge3A : f32 to vector<16xf32>
        %ge3A_56 = arith.cmpf oge, %gather3A_44, %ge3A_55 : vector<16xf32>
        %sub3A_57 = arith.constant 1.000000e+00 : f32
        %sub3A_58 = vector.broadcast %sub3A_57 : f32 to vector<16xf32>
        %sub3A_59 = arith.subf %sub3A_58, %mul3A_54 : vector<16xf32>
        %select_n3A = arith.select %ge3A_56, %mul3A_54, %sub3A_59 : vector<16xi1>, vector<16xf32>
        %mul3A_60 = arith.constant 1.000000e+01 : f32
        %mul3A_61 = vector.broadcast %mul3A_60 : f32 to vector<16xf32>
        %mul3A_62 = arith.mulf %mul3A_61, %select_n3A : vector<16xf32>
        %sub3A_63 = arith.subf %gather3A_42, %scan3A_33 : vector<16xf32>
        %mul3A_64 = arith.mulf %mul3A_62, %sub3A_63 : vector<16xf32>
        %add3A_65 = arith.addf %scan3A_32, %mul3A_64 : vector<16xf32>
        scf.yield %add3A_65, %gather3A_42 : vector<16xf32>, vector<16xf32>
      }
      %scan3A_22 = arith.constant 127 : i32
      %scan3A_23 = arith.constant 0 : i32
      %scan3A_24 = arith.constant 0 : i32
      %scan3A_25 = arith.constant 4 : i32
      %scan3A_26 = arith.addi %scan3A_24, %scan3A_25 : i32
      %scan3A_27 = arith.constant 1 : i32
      %scan3A_28 = scf.for %scan3A_31 = %scan3A_24 to %scan3A_26 step %scan3A_27 iter_args(%scan3A_32 = %scan3A_23) -> (i32)  : i32 {
        %mul3A_33 = arith.constant 16 : i32
        %mul3A_34 = arith.muli %scan3A_31, %mul3A_33 : i32
        %add3A_35 = arith.constant 0 : i32
        %add3A_36 = arith.addi %mul3A_34, %add3A_35 : i32
        %broadcast_in_dim3A_37 = vector.broadcast %add3A_36 : i32 to vector<16xi32>
        %gather3A_38 = tpu.vector_load_idx %arg10[%broadcast_in_dim3A_37] : memref<64xf32, #tpu.memory_space<vmem>>[vector<16xi32>], vector<16xf32>,
        %broadcast_in_dim3A_39 = arith.constant 0 : i32
        %broadcast_in_dim3A_40 = vector.broadcast %broadcast_in_dim3A_39 : i32 to vector<16xi32>
        %broadcast_in_dim3A_41 = arith.constant 127 : i32
        %broadcast_in_dim3A_42 = vector.broadcast %broadcast_in_dim3A_41 : i32 to vector<16xi32>
        %add3A_43 = arith.addi %broadcast_in_dim3A_40, %broadcast_in_dim3A_42 : vector<16xi32>
        %shift_right_logical3A = arith.constant 1 : i32
        %shift_right_logical3A_44 = vector.broadcast %shift_right_logical3A : i32 to vector<16xi32>
        %shift_right_logical3A_45 = arith.shrui %add3A_43, %shift_right_logical3A_44 : vector<16xi32>
        %gather3A_46 = tpu.vector_load_idx %arg8[%shift_right_logical3A_45, %iota3A] : memref<128x16xf32, #tpu.memory_space<vmem>>[vector<16xi32>, vector<16xi32>], vector<16xf32>,
        %lt3A = arith.cmpf olt, %gather3A_46, %gather3A_38 : vector<16xf32>
        %add3A_47 = arith.constant 1 : i32
        %add3A_48 = vector.broadcast %add3A_47 : i32 to vector<16xi32>
        %add3A_49 = arith.addi %shift_right_logical3A_45, %add3A_48 : vector<16xi32>
        %select_n3A = arith.select %lt3A, %add3A_49, %broadcast_in_dim3A_40 : vector<16xi1>, vector<16xi32>
        %select_n3A_50 = arith.select %lt3A, %broadcast_in_dim3A_42, %shift_right_logical3A_45 : vector<16xi1>, vector<16xi32>
        %add3A_51 = arith.addi %select_n3A, %select_n3A_50 : vector<16xi32>
        %shift_right_logical3A_52 = arith.constant 1 : i32
        %shift_right_logical3A_53 = vector.broadcast %shift_right_logical3A_52 : i32 to vector<16xi32>
        %shift_right_logical3A_54 = arith.shrui %add3A_51, %shift_right_logical3A_53 : vector<16xi32>
        %gather3A_55 = tpu.vector_load_idx %arg8[%shift_right_logical3A_54, %iota3A] : memref<128x16xf32, #tpu.memory_space<vmem>>[vector<16xi32>, vector<16xi32>], vector<16xf32>,
        %lt3A_56 = arith.cmpf olt, %gather3A_55, %gather3A_38 : vector<16xf32>
        %add3A_57 = arith.constant 1 : i32
        %add3A_58 = vector.broadcast %add3A_57 : i32 to vector<16xi32>
        %add3A_59 = arith.addi %shift_right_logical3A_54, %add3A_58 : vector<16xi32>
        %select_n3A_60 = arith.select %lt3A_56, %add3A_59, %select_n3A : vector<16xi1>, vector<16xi32>
        %select_n3A_61 = arith.select %lt3A_56, %select_n3A_50, %shift_right_logical3A_54 : vector<16xi1>, vector<16xi32>
        %add3A_62 = arith.addi %select_n3A_60, %select_n3A_61 : vector<16xi32>
        %shift_right_logical3A_63 = arith.constant 1 : i32
        %shift_right_logical3A_64 = vector.broadcast %shift_right_logical3A_63 : i32 to vector<16xi32>
        %shift_right_logical3A_65 = arith.shrui %add3A_62, %shift_right_logical3A_64 : vector<16xi32>
        %gather3A_66 = tpu.vector_load_idx %arg8[%shift_right_logical3A_65, %iota3A] : memref<128x16xf32, #tpu.memory_space<vmem>>[vector<16xi32>, vector<16xi32>], vector<16xf32>,
        %lt3A_67 = arith.cmpf olt, %gather3A_66, %gather3A_38 : vector<16xf32>
        %add3A_68 = arith.constant 1 : i32
        %add3A_69 = vector.broadcast %add3A_68 : i32 to vector<16xi32>
        %add3A_70 = arith.addi %shift_right_logical3A_65, %add3A_69 : vector<16xi32>
        %select_n3A_71 = arith.select %lt3A_67, %add3A_70, %select_n3A_60 : vector<16xi1>, vector<16xi32>
        %select_n3A_72 = arith.select %lt3A_67, %select_n3A_61, %shift_right_logical3A_65 : vector<16xi1>, vector<16xi32>
        %add3A_73 = arith.addi %select_n3A_71, %select_n3A_72 : vector<16xi32>
        %shift_right_logical3A_74 = arith.constant 1 : i32
        %shift_right_logical3A_75 = vector.broadcast %shift_right_logical3A_74 : i32 to vector<16xi32>
        %shift_right_logical3A_76 = arith.shrui %add3A_73, %shift_right_logical3A_75 : vector<16xi32>
        %gather3A_77 = tpu.vector_load_idx %arg8[%shift_right_logical3A_76, %iota3A] : memref<128x16xf32, #tpu.memory_space<vmem>>[vector<16xi32>, vector<16xi32>], vector<16xf32>,
        %lt3A_78 = arith.cmpf olt, %gather3A_77, %gather3A_38 : vector<16xf32>
        %add3A_79 = arith.constant 1 : i32
        %add3A_80 = vector.broadcast %add3A_79 : i32 to vector<16xi32>
        %add3A_81 = arith.addi %shift_right_logical3A_76, %add3A_80 : vector<16xi32>
        %select_n3A_82 = arith.select %lt3A_78, %add3A_81, %select_n3A_71 : vector<16xi1>, vector<16xi32>
        %select_n3A_83 = arith.select %lt3A_78, %select_n3A_72, %shift_right_logical3A_76 : vector<16xi1>, vector<16xi32>
        %add3A_84 = arith.addi %select_n3A_82, %select_n3A_83 : vector<16xi32>
        %shift_right_logical3A_85 = arith.constant 1 : i32
        %shift_right_logical3A_86 = vector.broadcast %shift_right_logical3A_85 : i32 to vector<16xi32>
        %shift_right_logical3A_87 = arith.shrui %add3A_84, %shift_right_logical3A_86 : vector<16xi32>
        %gather3A_88 = tpu.vector_load_idx %arg8[%shift_right_logical3A_87, %iota3A] : memref<128x16xf32, #tpu.memory_space<vmem>>[vector<16xi32>, vector<16xi32>], vector<16xf32>,
        %lt3A_89 = arith.cmpf olt, %gather3A_88, %gather3A_38 : vector<16xf32>
        %add3A_90 = arith.constant 1 : i32
        %add3A_91 = vector.broadcast %add3A_90 : i32 to vector<16xi32>
        %add3A_92 = arith.addi %shift_right_logical3A_87, %add3A_91 : vector<16xi32>
        %select_n3A_93 = arith.select %lt3A_89, %add3A_92, %select_n3A_82 : vector<16xi1>, vector<16xi32>
        %select_n3A_94 = arith.select %lt3A_89, %select_n3A_83, %shift_right_logical3A_87 : vector<16xi1>, vector<16xi32>
        %add3A_95 = arith.addi %select_n3A_93, %select_n3A_94 : vector<16xi32>
        %shift_right_logical3A_96 = arith.constant 1 : i32
        %shift_right_logical3A_97 = vector.broadcast %shift_right_logical3A_96 : i32 to vector<16xi32>
        %shift_right_logical3A_98 = arith.shrui %add3A_95, %shift_right_logical3A_97 : vector<16xi32>
        %gather3A_99 = tpu.vector_load_idx %arg8[%shift_right_logical3A_98, %iota3A] : memref<128x16xf32, #tpu.memory_space<vmem>>[vector<16xi32>, vector<16xi32>], vector<16xf32>,
        %lt3A_100 = arith.cmpf olt, %gather3A_99, %gather3A_38 : vector<16xf32>
        %add3A_101 = arith.constant 1 : i32
        %add3A_102 = vector.broadcast %add3A_101 : i32 to vector<16xi32>
        %add3A_103 = arith.addi %shift_right_logical3A_98, %add3A_102 : vector<16xi32>
        %select_n3A_104 = arith.select %lt3A_100, %add3A_103, %select_n3A_93 : vector<16xi1>, vector<16xi32>
        %select_n3A_105 = arith.select %lt3A_100, %select_n3A_94, %shift_right_logical3A_98 : vector<16xi1>, vector<16xi32>
        %add3A_106 = arith.addi %select_n3A_104, %select_n3A_105 : vector<16xi32>
        %shift_right_logical3A_107 = arith.constant 1 : i32
        %shift_right_logical3A_108 = vector.broadcast %shift_right_logical3A_107 : i32 to vector<16xi32>
        %shift_right_logical3A_109 = arith.shrui %add3A_106, %shift_right_logical3A_108 : vector<16xi32>
        %gather3A_110 = tpu.vector_load_idx %arg8[%shift_right_logical3A_109, %iota3A] : memref<128x16xf32, #tpu.memory_space<vmem>>[vector<16xi32>, vector<16xi32>], vector<16xf32>,
        %lt3A_111 = arith.cmpf olt, %gather3A_110, %gather3A_38 : vector<16xf32>
        %add3A_112 = arith.constant 1 : i32
        %add3A_113 = vector.broadcast %add3A_112 : i32 to vector<16xi32>
        %add3A_114 = arith.addi %shift_right_logical3A_109, %add3A_113 : vector<16xi32>
        %select_n3A_115 = arith.select %lt3A_111, %add3A_114, %select_n3A_104 : vector<16xi1>, vector<16xi32>
        %select_n3A_116 = arith.select %lt3A_111, %select_n3A_105, %shift_right_logical3A_109 : vector<16xi1>, vector<16xi32>
        %sub3A = arith.constant 1 : i32
        %sub3A_117 = vector.broadcast %sub3A : i32 to vector<16xi32>
        %sub3A_118 = arith.subi %select_n3A_115, %sub3A_117 : vector<16xi32>
        %max3A = arith.constant 0 : i32
        %max3A_119 = vector.broadcast %max3A : i32 to vector<16xi32>
        %max3A_120 = arith.maxsi %sub3A_118, %max3A_119 : vector<16xi32>
        %min3A = arith.constant 126 : i32
        %min3A_121 = vector.broadcast %min3A : i32 to vector<16xi32>
        %min3A_122 = arith.minsi %select_n3A_115, %min3A_121 : vector<16xi32>
        %gather3A_123 = tpu.vector_load_idx %arg8[%max3A_120, %iota3A] : memref<128x16xf32, #tpu.memory_space<vmem>>[vector<16xi32>, vector<16xi32>], vector<16xf32>,
        %gather3A_124 = tpu.vector_load_idx %arg8[%min3A_122, %iota3A] : memref<128x16xf32, #tpu.memory_space<vmem>>[vector<16xi32>, vector<16xi32>], vector<16xf32>,
        %gather3A_125 = tpu.vector_load_idx %arg6[%iota3A, %max3A_120] : memref<16x128xf32, #tpu.memory_space<vmem>>[vector<16xi32>, vector<16xi32>], vector<16xf32>,
        %gather3A_126 = tpu.vector_load_idx %arg6[%iota3A, %min3A_122] : memref<16x128xf32, #tpu.memory_space<vmem>>[vector<16xi32>, vector<16xi32>], vector<16xf32>,
        %sub3A_127 = arith.subf %gather3A_124, %gather3A_123 : vector<16xf32>
        %lt3A_128 = arith.constant 9.99999974E-6 : f32
        %lt3A_129 = vector.broadcast %lt3A_128 : f32 to vector<16xf32>
        %lt3A_130 = arith.cmpf olt, %sub3A_127, %lt3A_129 : vector<16xf32>
        %jit3A = arith.constant 1.000000e+00 : f32
        %broadcast_in_dim3A_131 = vector.broadcast %jit3A : f32 to vector<16xf32>
        %select_n3A_132 = arith.select %lt3A_130, %broadcast_in_dim3A_131, %sub3A_127 : vector<16xi1>, vector<16xf32>
        %sub3A_133 = arith.subf %gather3A_38, %gather3A_123 : vector<16xf32>
        %div3A = arith.divf %sub3A_133, %select_n3A_132 : vector<16xf32>
        %sub3A_134 = arith.subf %gather3A_126, %gather3A_125 : vector<16xf32>
        %mul3A_135 = arith.mulf %div3A, %sub3A_134 : vector<16xf32>
        %add3A_136 = arith.addf %gather3A_125, %mul3A_135 : vector<16xf32>
        tpu.vector_store_idx %arg9[%iota3A, %broadcast_in_dim3A_37], %add3A_136 : memref<16x64xf32, #tpu.memory_space<vmem>>[vector<16xi32>, vector<16xi32>], vector<16xf32>,
        %mul3A_137 = arith.constant 16 : i32
        %mul3A_138 = arith.muli %scan3A_31, %mul3A_137 : i32
        %add3A_139 = arith.constant 1 : i32
        %add3A_140 = arith.addi %mul3A_138, %add3A_139 : i32
        %broadcast_in_dim3A_141 = vector.broadcast %add3A_140 : i32 to vector<16xi32>
        %gather3A_142 = tpu.vector_load_idx %arg10[%broadcast_in_dim3A_141] : memref<64xf32, #tpu.memory_space<vmem>>[vector<16xi32>], vector<16xf32>,
        %broadcast_in_dim3A_143 = arith.constant 0 : i32
        %broadcast_in_dim3A_144 = vector.broadcast %broadcast_in_dim3A_143 : i32 to vector<16xi32>
        %broadcast_in_dim3A_145 = arith.constant 127 : i32
        %broadcast_in_dim3A_146 = vector.broadcast %broadcast_in_dim3A_145 : i32 to vector<16xi32>
        %add3A_147 = arith.addi %broadcast_in_dim3A_144, %broadcast_in_dim3A_146 : vector<16xi32>
        %shift_right_logical3A_148 = arith.constant 1 : i32
        %shift_right_logical3A_149 = vector.broadcast %shift_right_logical3A_148 : i32 to vector<16xi32>
        %shift_right_logical3A_150 = arith.shrui %add3A_147, %shift_right_logical3A_149 : vector<16xi32>
        %gather3A_151 = tpu.vector_load_idx %arg8[%shift_right_logical3A_150, %iota3A] : memref<128x16xf32, #tpu.memory_space<vmem>>[vector<16xi32>, vector<16xi32>], vector<16xf32>,
        %lt3A_152 = arith.cmpf olt, %gather3A_151, %gather3A_142 : vector<16xf32>
        %add3A_153 = arith.constant 1 : i32
        %add3A_154 = vector.broadcast %add3A_153 : i32 to vector<16xi32>
        %add3A_155 = arith.addi %shift_right_logical3A_150, %add3A_154 : vector<16xi32>
        %select_n3A_156 = arith.select %lt3A_152, %add3A_155, %broadcast_in_dim3A_144 : vector<16xi1>, vector<16xi32>
        %select_n3A_157 = arith.select %lt3A_152, %broadcast_in_dim3A_146, %shift_right_logical3A_150 : vector<16xi1>, vector<16xi32>
        %add3A_158 = arith.addi %select_n3A_156, %select_n3A_157 : vector<16xi32>
        %shift_right_logical3A_159 = arith.constant 1 : i32
        %shift_right_logical3A_160 = vector.broadcast %shift_right_logical3A_159 : i32 to vector<16xi32>
        %shift_right_logical3A_161 = arith.shrui %add3A_158, %shift_right_logical3A_160 : vector<16xi32>
        %gather3A_162 = tpu.vector_load_idx %arg8[%shift_right_logical3A_161, %iota3A] : memref<128x16xf32, #tpu.memory_space<vmem>>[vector<16xi32>, vector<16xi32>], vector<16xf32>,
        %lt3A_163 = arith.cmpf olt, %gather3A_162, %gather3A_142 : vector<16xf32>
        %add3A_164 = arith.constant 1 : i32
        %add3A_165 = vector.broadcast %add3A_164 : i32 to vector<16xi32>
        %add3A_166 = arith.addi %shift_right_logical3A_161, %add3A_165 : vector<16xi32>
        %select_n3A_167 = arith.select %lt3A_163, %add3A_166, %select_n3A_156 : vector<16xi1>, vector<16xi32>
        %select_n3A_168 = arith.select %lt3A_163, %select_n3A_157, %shift_right_logical3A_161 : vector<16xi1>, vector<16xi32>
        %add3A_169 = arith.addi %select_n3A_167, %select_n3A_168 : vector<16xi32>
        %shift_right_logical3A_170 = arith.constant 1 : i32
        %shift_right_logical3A_171 = vector.broadcast %shift_right_logical3A_170 : i32 to vector<16xi32>
        %shift_right_logical3A_172 = arith.shrui %add3A_169, %shift_right_logical3A_171 : vector<16xi32>
        %gather3A_173 = tpu.vector_load_idx %arg8[%shift_right_logical3A_172, %iota3A] : memref<128x16xf32, #tpu.memory_space<vmem>>[vector<16xi32>, vector<16xi32>], vector<16xf32>,
        %lt3A_174 = arith.cmpf olt, %gather3A_173, %gather3A_142 : vector<16xf32>
        %add3A_175 = arith.constant 1 : i32
        %add3A_176 = vector.broadcast %add3A_175 : i32 to vector<16xi32>
        %add3A_177 = arith.addi %shift_right_logical3A_172, %add3A_176 : vector<16xi32>
        %select_n3A_178 = arith.select %lt3A_174, %add3A_177, %select_n3A_167 : vector<16xi1>, vector<16xi32>
        %select_n3A_179 = arith.select %lt3A_174, %select_n3A_168, %shift_right_logical3A_172 : vector<16xi1>, vector<16xi32>
        %add3A_180 = arith.addi %select_n3A_178, %select_n3A_179 : vector<16xi32>
        %shift_right_logical3A_181 = arith.constant 1 : i32
        %shift_right_logical3A_182 = vector.broadcast %shift_right_logical3A_181 : i32 to vector<16xi32>
        %shift_right_logical3A_183 = arith.shrui %add3A_180, %shift_right_logical3A_182 : vector<16xi32>
        %gather3A_184 = tpu.vector_load_idx %arg8[%shift_right_logical3A_183, %iota3A] : memref<128x16xf32, #tpu.memory_space<vmem>>[vector<16xi32>, vector<16xi32>], vector<16xf32>,
        %lt3A_185 = arith.cmpf olt, %gather3A_184, %gather3A_142 : vector<16xf32>
        %add3A_186 = arith.constant 1 : i32
        %add3A_187 = vector.broadcast %add3A_186 : i32 to vector<16xi32>
        %add3A_188 = arith.addi %shift_right_logical3A_183, %add3A_187 : vector<16xi32>
        %select_n3A_189 = arith.select %lt3A_185, %add3A_188, %select_n3A_178 : vector<16xi1>, vector<16xi32>
        %select_n3A_190 = arith.select %lt3A_185, %select_n3A_179, %shift_right_logical3A_183 : vector<16xi1>, vector<16xi32>
        %add3A_191 = arith.addi %select_n3A_189, %select_n3A_190 : vector<16xi32>
        %shift_right_logical3A_192 = arith.constant 1 : i32
        %shift_right_logical3A_193 = vector.broadcast %shift_right_logical3A_192 : i32 to vector<16xi32>
        %shift_right_logical3A_194 = arith.shrui %add3A_191, %shift_right_logical3A_193 : vector<16xi32>
        %gather3A_195 = tpu.vector_load_idx %arg8[%shift_right_logical3A_194, %iota3A] : memref<128x16xf32, #tpu.memory_space<vmem>>[vector<16xi32>, vector<16xi32>], vector<16xf32>,
        %lt3A_196 = arith.cmpf olt, %gather3A_195, %gather3A_142 : vector<16xf32>
        %add3A_197 = arith.constant 1 : i32
        %add3A_198 = vector.broadcast %add3A_197 : i32 to vector<16xi32>
        %add3A_199 = arith.addi %shift_right_logical3A_194, %add3A_198 : vector<16xi32>
        %select_n3A_200 = arith.select %lt3A_196, %add3A_199, %select_n3A_189 : vector<16xi1>, vector<16xi32>
        %select_n3A_201 = arith.select %lt3A_196, %select_n3A_190, %shift_right_logical3A_194 : vector<16xi1>, vector<16xi32>
        %add3A_202 = arith.addi %select_n3A_200, %select_n3A_201 : vector<16xi32>
        %shift_right_logical3A_203 = arith.constant 1 : i32
        %shift_right_logical3A_204 = vector.broadcast %shift_right_logical3A_203 : i32 to vector<16xi32>
        %shift_right_logical3A_205 = arith.shrui %add3A_202, %shift_right_logical3A_204 : vector<16xi32>
        %gather3A_206 = tpu.vector_load_idx %arg8[%shift_right_logical3A_205, %iota3A] : memref<128x16xf32, #tpu.memory_space<vmem>>[vector<16xi32>, vector<16xi32>], vector<16xf32>,
        %lt3A_207 = arith.cmpf olt, %gather3A_206, %gather3A_142 : vector<16xf32>
        %add3A_208 = arith.constant 1 : i32
        %add3A_209 = vector.broadcast %add3A_208 : i32 to vector<16xi32>
        %add3A_210 = arith.addi %shift_right_logical3A_205, %add3A_209 : vector<16xi32>
        %select_n3A_211 = arith.select %lt3A_207, %add3A_210, %select_n3A_200 : vector<16xi1>, vector<16xi32>
        %select_n3A_212 = arith.select %lt3A_207, %select_n3A_201, %shift_right_logical3A_205 : vector<16xi1>, vector<16xi32>
        %add3A_213 = arith.addi %select_n3A_211, %select_n3A_212 : vector<16xi32>
        %shift_right_logical3A_214 = arith.constant 1 : i32
        %shift_right_logical3A_215 = vector.broadcast %shift_right_logical3A_214 : i32 to vector<16xi32>
        %shift_right_logical3A_216 = arith.shrui %add3A_213, %shift_right_logical3A_215 : vector<16xi32>
        %gather3A_217 = tpu.vector_load_idx %arg8[%shift_right_logical3A_216, %iota3A] : memref<128x16xf32, #tpu.memory_space<vmem>>[vector<16xi32>, vector<16xi32>], vector<16xf32>,
        %lt3A_218 = arith.cmpf olt, %gather3A_217, %gather3A_142 : vector<16xf32>
        %add3A_219 = arith.constant 1 : i32
        %add3A_220 = vector.broadcast %add3A_219 : i32 to vector<16xi32>
        %add3A_221 = arith.addi %shift_right_logical3A_216, %add3A_220 : vector<16xi32>
        %select_n3A_222 = arith.select %lt3A_218, %add3A_221, %select_n3A_211 : vector<16xi1>, vector<16xi32>
        %select_n3A_223 = arith.select %lt3A_218, %select_n3A_212, %shift_right_logical3A_216 : vector<16xi1>, vector<16xi32>
        %sub3A_224 = arith.constant 1 : i32
        %sub3A_225 = vector.broadcast %sub3A_224 : i32 to vector<16xi32>
        %sub3A_226 = arith.subi %select_n3A_222, %sub3A_225 : vector<16xi32>
        %max3A_227 = arith.constant 0 : i32
        %max3A_228 = vector.broadcast %max3A_227 : i32 to vector<16xi32>
        %max3A_229 = arith.maxsi %sub3A_226, %max3A_228 : vector<16xi32>
        %min3A_230 = arith.constant 126 : i32
        %min3A_231 = vector.broadcast %min3A_230 : i32 to vector<16xi32>
        %min3A_232 = arith.minsi %select_n3A_222, %min3A_231 : vector<16xi32>
        %gather3A_233 = tpu.vector_load_idx %arg8[%max3A_229, %iota3A] : memref<128x16xf32, #tpu.memory_space<vmem>>[vector<16xi32>, vector<16xi32>], vector<16xf32>,
        %gather3A_234 = tpu.vector_load_idx %arg8[%min3A_232, %iota3A] : memref<128x16xf32, #tpu.memory_space<vmem>>[vector<16xi32>, vector<16xi32>], vector<16xf32>,
        %gather3A_235 = tpu.vector_load_idx %arg6[%iota3A, %max3A_229] : memref<16x128xf32, #tpu.memory_space<vmem>>[vector<16xi32>, vector<16xi32>], vector<16xf32>,
        %gather3A_236 = tpu.vector_load_idx %arg6[%iota3A, %min3A_232] : memref<16x128xf32, #tpu.memory_space<vmem>>[vector<16xi32>, vector<16xi32>], vector<16xf32>,
        %sub3A_237 = arith.subf %gather3A_234, %gather3A_233 : vector<16xf32>
        %lt3A_238 = arith.constant 9.99999974E-6 : f32
        %lt3A_239 = vector.broadcast %lt3A_238 : f32 to vector<16xf32>
        %lt3A_240 = arith.cmpf olt, %sub3A_237, %lt3A_239 : vector<16xf32>
        %jit3A_241 = arith.constant 1.000000e+00 : f32
        %broadcast_in_dim3A_242 = vector.broadcast %jit3A_241 : f32 to vector<16xf32>
        %select_n3A_243 = arith.select %lt3A_240, %broadcast_in_dim3A_242, %sub3A_237 : vector<16xi1>, vector<16xf32>
        %sub3A_244 = arith.subf %gather3A_142, %gather3A_233 : vector<16xf32>
        %div3A_245 = arith.divf %sub3A_244, %select_n3A_243 : vector<16xf32>
        %sub3A_246 = arith.subf %gather3A_236, %gather3A_235 : vector<16xf32>
        %mul3A_247 = arith.mulf %div3A_245, %sub3A_246 : vector<16xf32>
        %add3A_248 = arith.addf %gather3A_235, %mul3A_247 : vector<16xf32>
        tpu.vector_store_idx %arg9[%iota3A, %broadcast_in_dim3A_141], %add3A_248 : memref<16x64xf32, #tpu.memory_space<vmem>>[vector<16xi32>, vector<16xi32>], vector<16xf32>,
        %mul3A_249 = arith.constant 16 : i32
        %mul3A_250 = arith.muli %scan3A_31, %mul3A_249 : i32
        %add3A_251 = arith.constant 2 : i32
        %add3A_252 = arith.addi %mul3A_250, %add3A_251 : i32
        %broadcast_in_dim3A_253 = vector.broadcast %add3A_252 : i32 to vector<16xi32>
        %gather3A_254 = tpu.vector_load_idx %arg10[%broadcast_in_dim3A_253] : memref<64xf32, #tpu.memory_space<vmem>>[vector<16xi32>], vector<16xf32>,
        %broadcast_in_dim3A_255 = arith.constant 0 : i32
        %broadcast_in_dim3A_256 = vector.broadcast %broadcast_in_dim3A_255 : i32 to vector<16xi32>
        %broadcast_in_dim3A_257 = arith.constant 127 : i32
        %broadcast_in_dim3A_258 = vector.broadcast %broadcast_in_dim3A_257 : i32 to vector<16xi32>
        %add3A_259 = arith.addi %broadcast_in_dim3A_256, %broadcast_in_dim3A_258 : vector<16xi32>
        %shift_right_logical3A_260 = arith.constant 1 : i32
        %shift_right_logical3A_261 = vector.broadcast %shift_right_logical3A_260 : i32 to vector<16xi32>
        %shift_right_logical3A_262 = arith.shrui %add3A_259, %shift_right_logical3A_261 : vector<16xi32>
        %gather3A_263 = tpu.vector_load_idx %arg8[%shift_right_logical3A_262, %iota3A] : memref<128x16xf32, #tpu.memory_space<vmem>>[vector<16xi32>, vector<16xi32>], vector<16xf32>,
        %lt3A_264 = arith.cmpf olt, %gather3A_263, %gather3A_254 : vector<16xf32>
        %add3A_265 = arith.constant 1 : i32
        %add3A_266 = vector.broadcast %add3A_265 : i32 to vector<16xi32>
        %add3A_267 = arith.addi %shift_right_logical3A_262, %add3A_266 : vector<16xi32>
        %select_n3A_268 = arith.select %lt3A_264, %add3A_267, %broadcast_in_dim3A_256 : vector<16xi1>, vector<16xi32>
        %select_n3A_269 = arith.select %lt3A_264, %broadcast_in_dim3A_258, %shift_right_logical3A_262 : vector<16xi1>, vector<16xi32>
        %add3A_270 = arith.addi %select_n3A_268, %select_n3A_269 : vector<16xi32>
        %shift_right_logical3A_271 = arith.constant 1 : i32
        %shift_right_logical3A_272 = vector.broadcast %shift_right_logical3A_271 : i32 to vector<16xi32>
        %shift_right_logical3A_273 = arith.shrui %add3A_270, %shift_right_logical3A_272 : vector<16xi32>
        %gather3A_274 = tpu.vector_load_idx %arg8[%shift_right_logical3A_273, %iota3A] : memref<128x16xf32, #tpu.memory_space<vmem>>[vector<16xi32>, vector<16xi32>], vector<16xf32>,
        %lt3A_275 = arith.cmpf olt, %gather3A_274, %gather3A_254 : vector<16xf32>
        %add3A_276 = arith.constant 1 : i32
        %add3A_277 = vector.broadcast %add3A_276 : i32 to vector<16xi32>
        %add3A_278 = arith.addi %shift_right_logical3A_273, %add3A_277 : vector<16xi32>
        %select_n3A_279 = arith.select %lt3A_275, %add3A_278, %select_n3A_268 : vector<16xi1>, vector<16xi32>
        %select_n3A_280 = arith.select %lt3A_275, %select_n3A_269, %shift_right_logical3A_273 : vector<16xi1>, vector<16xi32>
        %add3A_281 = arith.addi %select_n3A_279, %select_n3A_280 : vector<16xi32>
        %shift_right_logical3A_282 = arith.constant 1 : i32
        %shift_right_logical3A_283 = vector.broadcast %shift_right_logical3A_282 : i32 to vector<16xi32>
        %shift_right_logical3A_284 = arith.shrui %add3A_281, %shift_right_logical3A_283 : vector<16xi32>
        %gather3A_285 = tpu.vector_load_idx %arg8[%shift_right_logical3A_284, %iota3A] : memref<128x16xf32, #tpu.memory_space<vmem>>[vector<16xi32>, vector<16xi32>], vector<16xf32>,
        %lt3A_286 = arith.cmpf olt, %gather3A_285, %gather3A_254 : vector<16xf32>
        %add3A_287 = arith.constant 1 : i32
        %add3A_288 = vector.broadcast %add3A_287 : i32 to vector<16xi32>
        %add3A_289 = arith.addi %shift_right_logical3A_284, %add3A_288 : vector<16xi32>
        %select_n3A_290 = arith.select %lt3A_286, %add3A_289, %select_n3A_279 : vector<16xi1>, vector<16xi32>
        %select_n3A_291 = arith.select %lt3A_286, %select_n3A_280, %shift_right_logical3A_284 : vector<16xi1>, vector<16xi32>
        %add3A_292 = arith.addi %select_n3A_290, %select_n3A_291 : vector<16xi32>
        %shift_right_logical3A_293 = arith.constant 1 : i32
        %shift_right_logical3A_294 = vector.broadcast %shift_right_logical3A_293 : i32 to vector<16xi32>
        %shift_right_logical3A_295 = arith.shrui %add3A_292, %shift_right_logical3A_294 : vector<16xi32>
        %gather3A_296 = tpu.vector_load_idx %arg8[%shift_right_logical3A_295, %iota3A] : memref<128x16xf32, #tpu.memory_space<vmem>>[vector<16xi32>, vector<16xi32>], vector<16xf32>,
        %lt3A_297 = arith.cmpf olt, %gather3A_296, %gather3A_254 : vector<16xf32>
        %add3A_298 = arith.constant 1 : i32
        %add3A_299 = vector.broadcast %add3A_298 : i32 to vector<16xi32>
        %add3A_300 = arith.addi %shift_right_logical3A_295, %add3A_299 : vector<16xi32>
        %select_n3A_301 = arith.select %lt3A_297, %add3A_300, %select_n3A_290 : vector<16xi1>, vector<16xi32>
        %select_n3A_302 = arith.select %lt3A_297, %select_n3A_291, %shift_right_logical3A_295 : vector<16xi1>, vector<16xi32>
        %add3A_303 = arith.addi %select_n3A_301, %select_n3A_302 : vector<16xi32>
        %shift_right_logical3A_304 = arith.constant 1 : i32
        %shift_right_logical3A_305 = vector.broadcast %shift_right_logical3A_304 : i32 to vector<16xi32>
        %shift_right_logical3A_306 = arith.shrui %add3A_303, %shift_right_logical3A_305 : vector<16xi32>
        %gather3A_307 = tpu.vector_load_idx %arg8[%shift_right_logical3A_306, %iota3A] : memref<128x16xf32, #tpu.memory_space<vmem>>[vector<16xi32>, vector<16xi32>], vector<16xf32>,
        %lt3A_308 = arith.cmpf olt, %gather3A_307, %gather3A_254 : vector<16xf32>
        %add3A_309 = arith.constant 1 : i32
        %add3A_310 = vector.broadcast %add3A_309 : i32 to vector<16xi32>
        %add3A_311 = arith.addi %shift_right_logical3A_306, %add3A_310 : vector<16xi32>
        %select_n3A_312 = arith.select %lt3A_308, %add3A_311, %select_n3A_301 : vector<16xi1>, vector<16xi32>
        %select_n3A_313 = arith.select %lt3A_308, %select_n3A_302, %shift_right_logical3A_306 : vector<16xi1>, vector<16xi32>
        %add3A_314 = arith.addi %select_n3A_312, %select_n3A_313 : vector<16xi32>
        %shift_right_logical3A_315 = arith.constant 1 : i32
        %shift_right_logical3A_316 = vector.broadcast %shift_right_logical3A_315 : i32 to vector<16xi32>
        %shift_right_logical3A_317 = arith.shrui %add3A_314, %shift_right_logical3A_316 : vector<16xi32>
        %gather3A_318 = tpu.vector_load_idx %arg8[%shift_right_logical3A_317, %iota3A] : memref<128x16xf32, #tpu.memory_space<vmem>>[vector<16xi32>, vector<16xi32>], vector<16xf32>,
        %lt3A_319 = arith.cmpf olt, %gather3A_318, %gather3A_254 : vector<16xf32>
        %add3A_320 = arith.constant 1 : i32
        %add3A_321 = vector.broadcast %add3A_320 : i32 to vector<16xi32>
        %add3A_322 = arith.addi %shift_right_logical3A_317, %add3A_321 : vector<16xi32>
        %select_n3A_323 = arith.select %lt3A_319, %add3A_322, %select_n3A_312 : vector<16xi1>, vector<16xi32>
        %select_n3A_324 = arith.select %lt3A_319, %select_n3A_313, %shift_right_logical3A_317 : vector<16xi1>, vector<16xi32>
        %add3A_325 = arith.addi %select_n3A_323, %select_n3A_324 : vector<16xi32>
        %shift_right_logical3A_326 = arith.constant 1 : i32
        %shift_right_logical3A_327 = vector.broadcast %shift_right_logical3A_326 : i32 to vector<16xi32>
        %shift_right_logical3A_328 = arith.shrui %add3A_325, %shift_right_logical3A_327 : vector<16xi32>
        %gather3A_329 = tpu.vector_load_idx %arg8[%shift_right_logical3A_328, %iota3A] : memref<128x16xf32, #tpu.memory_space<vmem>>[vector<16xi32>, vector<16xi32>], vector<16xf32>,
        %lt3A_330 = arith.cmpf olt, %gather3A_329, %gather3A_254 : vector<16xf32>
        %add3A_331 = arith.constant 1 : i32
        %add3A_332 = vector.broadcast %add3A_331 : i32 to vector<16xi32>
        %add3A_333 = arith.addi %shift_right_logical3A_328, %add3A_332 : vector<16xi32>
        %select_n3A_334 = arith.select %lt3A_330, %add3A_333, %select_n3A_323 : vector<16xi1>, vector<16xi32>
        %select_n3A_335 = arith.select %lt3A_330, %select_n3A_324, %shift_right_logical3A_328 : vector<16xi1>, vector<16xi32>
        %sub3A_336 = arith.constant 1 : i32
        %sub3A_337 = vector.broadcast %sub3A_336 : i32 to vector<16xi32>
        %sub3A_338 = arith.subi %select_n3A_334, %sub3A_337 : vector<16xi32>
        %max3A_339 = arith.constant 0 : i32
        %max3A_340 = vector.broadcast %max3A_339 : i32 to vector<16xi32>
        %max3A_341 = arith.maxsi %sub3A_338, %max3A_340 : vector<16xi32>
        %min3A_342 = arith.constant 126 : i32
        %min3A_343 = vector.broadcast %min3A_342 : i32 to vector<16xi32>
        %min3A_344 = arith.minsi %select_n3A_334, %min3A_343 : vector<16xi32>
        %gather3A_345 = tpu.vector_load_idx %arg8[%max3A_341, %iota3A] : memref<128x16xf32, #tpu.memory_space<vmem>>[vector<16xi32>, vector<16xi32>], vector<16xf32>,
        %gather3A_346 = tpu.vector_load_idx %arg8[%min3A_344, %iota3A] : memref<128x16xf32, #tpu.memory_space<vmem>>[vector<16xi32>, vector<16xi32>], vector<16xf32>,
        %gather3A_347 = tpu.vector_load_idx %arg6[%iota3A, %max3A_341] : memref<16x128xf32, #tpu.memory_space<vmem>>[vector<16xi32>, vector<16xi32>], vector<16xf32>,
        %gather3A_348 = tpu.vector_load_idx %arg6[%iota3A, %min3A_344] : memref<16x128xf32, #tpu.memory_space<vmem>>[vector<16xi32>, vector<16xi32>], vector<16xf32>,
        %sub3A_349 = arith.subf %gather3A_346, %gather3A_345 : vector<16xf32>
        %lt3A_350 = arith.constant 9.99999974E-6 : f32
        %lt3A_351 = vector.broadcast %lt3A_350 : f32 to vector<16xf32>
        %lt3A_352 = arith.cmpf olt, %sub3A_349, %lt3A_351 : vector<16xf32>
        %jit3A_353 = arith.constant 1.000000e+00 : f32
        %broadcast_in_dim3A_354 = vector.broadcast %jit3A_353 : f32 to vector<16xf32>
        %select_n3A_355 = arith.select %lt3A_352, %broadcast_in_dim3A_354, %sub3A_349 : vector<16xi1>, vector<16xf32>
        %sub3A_356 = arith.subf %gather3A_254, %gather3A_345 : vector<16xf32>
        %div3A_357 = arith.divf %sub3A_356, %select_n3A_355 : vector<16xf32>
        %sub3A_358 = arith.subf %gather3A_348, %gather3A_347 : vector<16xf32>
        %mul3A_359 = arith.mulf %div3A_357, %sub3A_358 : vector<16xf32>
        %add3A_360 = arith.addf %gather3A_347, %mul3A_359 : vector<16xf32>
        tpu.vector_store_idx %arg9[%iota3A, %broadcast_in_dim3A_253], %add3A_360 : memref<16x64xf32, #tpu.memory_space<vmem>>[vector<16xi32>, vector<16xi32>], vector<16xf32>,
        %mul3A_361 = arith.constant 16 : i32
        %mul3A_362 = arith.muli %scan3A_31, %mul3A_361 : i32
        %add3A_363 = arith.constant 3 : i32
        %add3A_364 = arith.addi %mul3A_362, %add3A_363 : i32
        %broadcast_in_dim3A_365 = vector.broadcast %add3A_364 : i32 to vector<16xi32>
        %gather3A_366 = tpu.vector_load_idx %arg10[%broadcast_in_dim3A_365] : memref<64xf32, #tpu.memory_space<vmem>>[vector<16xi32>], vector<16xf32>,
        %broadcast_in_dim3A_367 = arith.constant 0 : i32
        %broadcast_in_dim3A_368 = vector.broadcast %broadcast_in_dim3A_367 : i32 to vector<16xi32>
        %broadcast_in_dim3A_369 = arith.constant 127 : i32
        %broadcast_in_dim3A_370 = vector.broadcast %broadcast_in_dim3A_369 : i32 to vector<16xi32>
        %add3A_371 = arith.addi %broadcast_in_dim3A_368, %broadcast_in_dim3A_370 : vector<16xi32>
        %shift_right_logical3A_372 = arith.constant 1 : i32
        %shift_right_logical3A_373 = vector.broadcast %shift_right_logical3A_372 : i32 to vector<16xi32>
        %shift_right_logical3A_374 = arith.shrui %add3A_371, %shift_right_logical3A_373 : vector<16xi32>
        %gather3A_375 = tpu.vector_load_idx %arg8[%shift_right_logical3A_374, %iota3A] : memref<128x16xf32, #tpu.memory_space<vmem>>[vector<16xi32>, vector<16xi32>], vector<16xf32>,
        %lt3A_376 = arith.cmpf olt, %gather3A_375, %gather3A_366 : vector<16xf32>
        %add3A_377 = arith.constant 1 : i32
        %add3A_378 = vector.broadcast %add3A_377 : i32 to vector<16xi32>
        %add3A_379 = arith.addi %shift_right_logical3A_374, %add3A_378 : vector<16xi32>
        %select_n3A_380 = arith.select %lt3A_376, %add3A_379, %broadcast_in_dim3A_368 : vector<16xi1>, vector<16xi32>
        %select_n3A_381 = arith.select %lt3A_376, %broadcast_in_dim3A_370, %shift_right_logical3A_374 : vector<16xi1>, vector<16xi32>
        %add3A_382 = arith.addi %select_n3A_380, %select_n3A_381 : vector<16xi32>
        %shift_right_logical3A_383 = arith.constant 1 : i32
        %shift_right_logical3A_384 = vector.broadcast %shift_right_logical3A_383 : i32 to vector<16xi32>
        %shift_right_logical3A_385 = arith.shrui %add3A_382, %shift_right_logical3A_384 : vector<16xi32>
        %gather3A_386 = tpu.vector_load_idx %arg8[%shift_right_logical3A_385, %iota3A] : memref<128x16xf32, #tpu.memory_space<vmem>>[vector<16xi32>, vector<16xi32>], vector<16xf32>,
        %lt3A_387 = arith.cmpf olt, %gather3A_386, %gather3A_366 : vector<16xf32>
        %add3A_388 = arith.constant 1 : i32
        %add3A_389 = vector.broadcast %add3A_388 : i32 to vector<16xi32>
        %add3A_390 = arith.addi %shift_right_logical3A_385, %add3A_389 : vector<16xi32>
        %select_n3A_391 = arith.select %lt3A_387, %add3A_390, %select_n3A_380 : vector<16xi1>, vector<16xi32>
        %select_n3A_392 = arith.select %lt3A_387, %select_n3A_381, %shift_right_logical3A_385 : vector<16xi1>, vector<16xi32>
        %add3A_393 = arith.addi %select_n3A_391, %select_n3A_392 : vector<16xi32>
        %shift_right_logical3A_394 = arith.constant 1 : i32
        %shift_right_logical3A_395 = vector.broadcast %shift_right_logical3A_394 : i32 to vector<16xi32>
        %shift_right_logical3A_396 = arith.shrui %add3A_393, %shift_right_logical3A_395 : vector<16xi32>
        %gather3A_397 = tpu.vector_load_idx %arg8[%shift_right_logical3A_396, %iota3A] : memref<128x16xf32, #tpu.memory_space<vmem>>[vector<16xi32>, vector<16xi32>], vector<16xf32>,
        %lt3A_398 = arith.cmpf olt, %gather3A_397, %gather3A_366 : vector<16xf32>
        %add3A_399 = arith.constant 1 : i32
        %add3A_400 = vector.broadcast %add3A_399 : i32 to vector<16xi32>
        %add3A_401 = arith.addi %shift_right_logical3A_396, %add3A_400 : vector<16xi32>
        %select_n3A_402 = arith.select %lt3A_398, %add3A_401, %select_n3A_391 : vector<16xi1>, vector<16xi32>
        %select_n3A_403 = arith.select %lt3A_398, %select_n3A_392, %shift_right_logical3A_396 : vector<16xi1>, vector<16xi32>
        %add3A_404 = arith.addi %select_n3A_402, %select_n3A_403 : vector<16xi32>
        %shift_right_logical3A_405 = arith.constant 1 : i32
        %shift_right_logical3A_406 = vector.broadcast %shift_right_logical3A_405 : i32 to vector<16xi32>
        %shift_right_logical3A_407 = arith.shrui %add3A_404, %shift_right_logical3A_406 : vector<16xi32>
        %gather3A_408 = tpu.vector_load_idx %arg8[%shift_right_logical3A_407, %iota3A] : memref<128x16xf32, #tpu.memory_space<vmem>>[vector<16xi32>, vector<16xi32>], vector<16xf32>,
        %lt3A_409 = arith.cmpf olt, %gather3A_408, %gather3A_366 : vector<16xf32>
        %add3A_410 = arith.constant 1 : i32
        %add3A_411 = vector.broadcast %add3A_410 : i32 to vector<16xi32>
        %add3A_412 = arith.addi %shift_right_logical3A_407, %add3A_411 : vector<16xi32>
        %select_n3A_413 = arith.select %lt3A_409, %add3A_412, %select_n3A_402 : vector<16xi1>, vector<16xi32>
        %select_n3A_414 = arith.select %lt3A_409, %select_n3A_403, %shift_right_logical3A_407 : vector<16xi1>, vector<16xi32>
        %add3A_415 = arith.addi %select_n3A_413, %select_n3A_414 : vector<16xi32>
        %shift_right_logical3A_416 = arith.constant 1 : i32
        %shift_right_logical3A_417 = vector.broadcast %shift_right_logical3A_416 : i32 to vector<16xi32>
        %shift_right_logical3A_418 = arith.shrui %add3A_415, %shift_right_logical3A_417 : vector<16xi32>
        %gather3A_419 = tpu.vector_load_idx %arg8[%shift_right_logical3A_418, %iota3A] : memref<128x16xf32, #tpu.memory_space<vmem>>[vector<16xi32>, vector<16xi32>], vector<16xf32>,
        %lt3A_420 = arith.cmpf olt, %gather3A_419, %gather3A_366 : vector<16xf32>
        %add3A_421 = arith.constant 1 : i32
        %add3A_422 = vector.broadcast %add3A_421 : i32 to vector<16xi32>
        %add3A_423 = arith.addi %shift_right_logical3A_418, %add3A_422 : vector<16xi32>
        %select_n3A_424 = arith.select %lt3A_420, %add3A_423, %select_n3A_413 : vector<16xi1>, vector<16xi32>
        %select_n3A_425 = arith.select %lt3A_420, %select_n3A_414, %shift_right_logical3A_418 : vector<16xi1>, vector<16xi32>
        %add3A_426 = arith.addi %select_n3A_424, %select_n3A_425 : vector<16xi32>
        %shift_right_logical3A_427 = arith.constant 1 : i32
        %shift_right_logical3A_428 = vector.broadcast %shift_right_logical3A_427 : i32 to vector<16xi32>
        %shift_right_logical3A_429 = arith.shrui %add3A_426, %shift_right_logical3A_428 : vector<16xi32>
        %gather3A_430 = tpu.vector_load_idx %arg8[%shift_right_logical3A_429, %iota3A] : memref<128x16xf32, #tpu.memory_space<vmem>>[vector<16xi32>, vector<16xi32>], vector<16xf32>,
        %lt3A_431 = arith.cmpf olt, %gather3A_430, %gather3A_366 : vector<16xf32>
        %add3A_432 = arith.constant 1 : i32
        %add3A_433 = vector.broadcast %add3A_432 : i32 to vector<16xi32>
        %add3A_434 = arith.addi %shift_right_logical3A_429, %add3A_433 : vector<16xi32>
        %select_n3A_435 = arith.select %lt3A_431, %add3A_434, %select_n3A_424 : vector<16xi1>, vector<16xi32>
        %select_n3A_436 = arith.select %lt3A_431, %select_n3A_425, %shift_right_logical3A_429 : vector<16xi1>, vector<16xi32>
        %add3A_437 = arith.addi %select_n3A_435, %select_n3A_436 : vector<16xi32>
        %shift_right_logical3A_438 = arith.constant 1 : i32
        %shift_right_logical3A_439 = vector.broadcast %shift_right_logical3A_438 : i32 to vector<16xi32>
        %shift_right_logical3A_440 = arith.shrui %add3A_437, %shift_right_logical3A_439 : vector<16xi32>
        %gather3A_441 = tpu.vector_load_idx %arg8[%shift_right_logical3A_440, %iota3A] : memref<128x16xf32, #tpu.memory_space<vmem>>[vector<16xi32>, vector<16xi32>], vector<16xf32>,
        %lt3A_442 = arith.cmpf olt, %gather3A_441, %gather3A_366 : vector<16xf32>
        %add3A_443 = arith.constant 1 : i32
        %add3A_444 = vector.broadcast %add3A_443 : i32 to vector<16xi32>
        %add3A_445 = arith.addi %shift_right_logical3A_440, %add3A_444 : vector<16xi32>
        %select_n3A_446 = arith.select %lt3A_442, %add3A_445, %select_n3A_435 : vector<16xi1>, vector<16xi32>
        %select_n3A_447 = arith.select %lt3A_442, %select_n3A_436, %shift_right_logical3A_440 : vector<16xi1>, vector<16xi32>
        %sub3A_448 = arith.constant 1 : i32
        %sub3A_449 = vector.broadcast %sub3A_448 : i32 to vector<16xi32>
        %sub3A_450 = arith.subi %select_n3A_446, %sub3A_449 : vector<16xi32>
        %max3A_451 = arith.constant 0 : i32
        %max3A_452 = vector.broadcast %max3A_451 : i32 to vector<16xi32>
        %max3A_453 = arith.maxsi %sub3A_450, %max3A_452 : vector<16xi32>
        %min3A_454 = arith.constant 126 : i32
        %min3A_455 = vector.broadcast %min3A_454 : i32 to vector<16xi32>
        %min3A_456 = arith.minsi %select_n3A_446, %min3A_455 : vector<16xi32>
        %gather3A_457 = tpu.vector_load_idx %arg8[%max3A_453, %iota3A] : memref<128x16xf32, #tpu.memory_space<vmem>>[vector<16xi32>, vector<16xi32>], vector<16xf32>,
        %gather3A_458 = tpu.vector_load_idx %arg8[%min3A_456, %iota3A] : memref<128x16xf32, #tpu.memory_space<vmem>>[vector<16xi32>, vector<16xi32>], vector<16xf32>,
        %gather3A_459 = tpu.vector_load_idx %arg6[%iota3A, %max3A_453] : memref<16x128xf32, #tpu.memory_space<vmem>>[vector<16xi32>, vector<16xi32>], vector<16xf32>,
        %gather3A_460 = tpu.vector_load_idx %arg6[%iota3A, %min3A_456] : memref<16x128xf32, #tpu.memory_space<vmem>>[vector<16xi32>, vector<16xi32>], vector<16xf32>,
        %sub3A_461 = arith.subf %gather3A_458, %gather3A_457 : vector<16xf32>
        %lt3A_462 = arith.constant 9.99999974E-6 : f32
        %lt3A_463 = vector.broadcast %lt3A_462 : f32 to vector<16xf32>
        %lt3A_464 = arith.cmpf olt, %sub3A_461, %lt3A_463 : vector<16xf32>
        %jit3A_465 = arith.constant 1.000000e+00 : f32
        %broadcast_in_dim3A_466 = vector.broadcast %jit3A_465 : f32 to vector<16xf32>
        %select_n3A_467 = arith.select %lt3A_464, %broadcast_in_dim3A_466, %sub3A_461 : vector<16xi1>, vector<16xf32>
        %sub3A_468 = arith.subf %gather3A_366, %gather3A_457 : vector<16xf32>
        %div3A_469 = arith.divf %sub3A_468, %select_n3A_467 : vector<16xf32>
        %sub3A_470 = arith.subf %gather3A_460, %gather3A_459 : vector<16xf32>
        %mul3A_471 = arith.mulf %div3A_469, %sub3A_470 : vector<16xf32>
        %add3A_472 = arith.addf %gather3A_459, %mul3A_471 : vector<16xf32>
        tpu.vector_store_idx %arg9[%iota3A, %broadcast_in_dim3A_365], %add3A_472 : memref<16x64xf32, #tpu.memory_space<vmem>>[vector<16xi32>, vector<16xi32>], vector<16xf32>,
        %mul3A_473 = arith.constant 16 : i32
        %mul3A_474 = arith.muli %scan3A_31, %mul3A_473 : i32
        %add3A_475 = arith.constant 4 : i32
        %add3A_476 = arith.addi %mul3A_474, %add3A_475 : i32
        %broadcast_in_dim3A_477 = vector.broadcast %add3A_476 : i32 to vector<16xi32>
        %gather3A_478 = tpu.vector_load_idx %arg10[%broadcast_in_dim3A_477] : memref<64xf32, #tpu.memory_space<vmem>>[vector<16xi32>], vector<16xf32>,
        %broadcast_in_dim3A_479 = arith.constant 0 : i32
        %broadcast_in_dim3A_480 = vector.broadcast %broadcast_in_dim3A_479 : i32 to vector<16xi32>
        %broadcast_in_dim3A_481 = arith.constant 127 : i32
        %broadcast_in_dim3A_482 = vector.broadcast %broadcast_in_dim3A_481 : i32 to vector<16xi32>
        %add3A_483 = arith.addi %broadcast_in_dim3A_480, %broadcast_in_dim3A_482 : vector<16xi32>
        %shift_right_logical3A_484 = arith.constant 1 : i32
        %shift_right_logical3A_485 = vector.broadcast %shift_right_logical3A_484 : i32 to vector<16xi32>
        %shift_right_logical3A_486 = arith.shrui %add3A_483, %shift_right_logical3A_485 : vector<16xi32>
        %gather3A_487 = tpu.vector_load_idx %arg8[%shift_right_logical3A_486, %iota3A] : memref<128x16xf32, #tpu.memory_space<vmem>>[vector<16xi32>, vector<16xi32>], vector<16xf32>,
        %lt3A_488 = arith.cmpf olt, %gather3A_487, %gather3A_478 : vector<16xf32>
        %add3A_489 = arith.constant 1 : i32
        %add3A_490 = vector.broadcast %add3A_489 : i32 to vector<16xi32>
        %add3A_491 = arith.addi %shift_right_logical3A_486, %add3A_490 : vector<16xi32>
        %select_n3A_492 = arith.select %lt3A_488, %add3A_491, %broadcast_in_dim3A_480 : vector<16xi1>, vector<16xi32>
        %select_n3A_493 = arith.select %lt3A_488, %broadcast_in_dim3A_482, %shift_right_logical3A_486 : vector<16xi1>, vector<16xi32>
        %add3A_494 = arith.addi %select_n3A_492, %select_n3A_493 : vector<16xi32>
        %shift_right_logical3A_495 = arith.constant 1 : i32
        %shift_right_logical3A_496 = vector.broadcast %shift_right_logical3A_495 : i32 to vector<16xi32>
        %shift_right_logical3A_497 = arith.shrui %add3A_494, %shift_right_logical3A_496 : vector<16xi32>
        %gather3A_498 = tpu.vector_load_idx %arg8[%shift_right_logical3A_497, %iota3A] : memref<128x16xf32, #tpu.memory_space<vmem>>[vector<16xi32>, vector<16xi32>], vector<16xf32>,
        %lt3A_499 = arith.cmpf olt, %gather3A_498, %gather3A_478 : vector<16xf32>
        %add3A_500 = arith.constant 1 : i32
        %add3A_501 = vector.broadcast %add3A_500 : i32 to vector<16xi32>
        %add3A_502 = arith.addi %shift_right_logical3A_497, %add3A_501 : vector<16xi32>
        %select_n3A_503 = arith.select %lt3A_499, %add3A_502, %select_n3A_492 : vector<16xi1>, vector<16xi32>
        %select_n3A_504 = arith.select %lt3A_499, %select_n3A_493, %shift_right_logical3A_497 : vector<16xi1>, vector<16xi32>
        %add3A_505 = arith.addi %select_n3A_503, %select_n3A_504 : vector<16xi32>
        %shift_right_logical3A_506 = arith.constant 1 : i32
        %shift_right_logical3A_507 = vector.broadcast %shift_right_logical3A_506 : i32 to vector<16xi32>
        %shift_right_logical3A_508 = arith.shrui %add3A_505, %shift_right_logical3A_507 : vector<16xi32>
        %gather3A_509 = tpu.vector_load_idx %arg8[%shift_right_logical3A_508, %iota3A] : memref<128x16xf32, #tpu.memory_space<vmem>>[vector<16xi32>, vector<16xi32>], vector<16xf32>,
        %lt3A_510 = arith.cmpf olt, %gather3A_509, %gather3A_478 : vector<16xf32>
        %add3A_511 = arith.constant 1 : i32
        %add3A_512 = vector.broadcast %add3A_511 : i32 to vector<16xi32>
        %add3A_513 = arith.addi %shift_right_logical3A_508, %add3A_512 : vector<16xi32>
        %select_n3A_514 = arith.select %lt3A_510, %add3A_513, %select_n3A_503 : vector<16xi1>, vector<16xi32>
        %select_n3A_515 = arith.select %lt3A_510, %select_n3A_504, %shift_right_logical3A_508 : vector<16xi1>, vector<16xi32>
        %add3A_516 = arith.addi %select_n3A_514, %select_n3A_515 : vector<16xi32>
        %shift_right_logical3A_517 = arith.constant 1 : i32
        %shift_right_logical3A_518 = vector.broadcast %shift_right_logical3A_517 : i32 to vector<16xi32>
        %shift_right_logical3A_519 = arith.shrui %add3A_516, %shift_right_logical3A_518 : vector<16xi32>
        %gather3A_520 = tpu.vector_load_idx %arg8[%shift_right_logical3A_519, %iota3A] : memref<128x16xf32, #tpu.memory_space<vmem>>[vector<16xi32>, vector<16xi32>], vector<16xf32>,
        %lt3A_521 = arith.cmpf olt, %gather3A_520, %gather3A_478 : vector<16xf32>
        %add3A_522 = arith.constant 1 : i32
        %add3A_523 = vector.broadcast %add3A_522 : i32 to vector<16xi32>
        %add3A_524 = arith.addi %shift_right_logical3A_519, %add3A_523 : vector<16xi32>
        %select_n3A_525 = arith.select %lt3A_521, %add3A_524, %select_n3A_514 : vector<16xi1>, vector<16xi32>
        %select_n3A_526 = arith.select %lt3A_521, %select_n3A_515, %shift_right_logical3A_519 : vector<16xi1>, vector<16xi32>
        %add3A_527 = arith.addi %select_n3A_525, %select_n3A_526 : vector<16xi32>
        %shift_right_logical3A_528 = arith.constant 1 : i32
        %shift_right_logical3A_529 = vector.broadcast %shift_right_logical3A_528 : i32 to vector<16xi32>
        %shift_right_logical3A_530 = arith.shrui %add3A_527, %shift_right_logical3A_529 : vector<16xi32>
        %gather3A_531 = tpu.vector_load_idx %arg8[%shift_right_logical3A_530, %iota3A] : memref<128x16xf32, #tpu.memory_space<vmem>>[vector<16xi32>, vector<16xi32>], vector<16xf32>,
        %lt3A_532 = arith.cmpf olt, %gather3A_531, %gather3A_478 : vector<16xf32>
        %add3A_533 = arith.constant 1 : i32
        %add3A_534 = vector.broadcast %add3A_533 : i32 to vector<16xi32>
        %add3A_535 = arith.addi %shift_right_logical3A_530, %add3A_534 : vector<16xi32>
        %select_n3A_536 = arith.select %lt3A_532, %add3A_535, %select_n3A_525 : vector<16xi1>, vector<16xi32>
        %select_n3A_537 = arith.select %lt3A_532, %select_n3A_526, %shift_right_logical3A_530 : vector<16xi1>, vector<16xi32>
        %add3A_538 = arith.addi %select_n3A_536, %select_n3A_537 : vector<16xi32>
        %shift_right_logical3A_539 = arith.constant 1 : i32
        %shift_right_logical3A_540 = vector.broadcast %shift_right_logical3A_539 : i32 to vector<16xi32>
        %shift_right_logical3A_541 = arith.shrui %add3A_538, %shift_right_logical3A_540 : vector<16xi32>
        %gather3A_542 = tpu.vector_load_idx %arg8[%shift_right_logical3A_541, %iota3A] : memref<128x16xf32, #tpu.memory_space<vmem>>[vector<16xi32>, vector<16xi32>], vector<16xf32>,
        %lt3A_543 = arith.cmpf olt, %gather3A_542, %gather3A_478 : vector<16xf32>
        %add3A_544 = arith.constant 1 : i32
        %add3A_545 = vector.broadcast %add3A_544 : i32 to vector<16xi32>
        %add3A_546 = arith.addi %shift_right_logical3A_541, %add3A_545 : vector<16xi32>
        %select_n3A_547 = arith.select %lt3A_543, %add3A_546, %select_n3A_536 : vector<16xi1>, vector<16xi32>
        %select_n3A_548 = arith.select %lt3A_543, %select_n3A_537, %shift_right_logical3A_541 : vector<16xi1>, vector<16xi32>
        %add3A_549 = arith.addi %select_n3A_547, %select_n3A_548 : vector<16xi32>
        %shift_right_logical3A_550 = arith.constant 1 : i32
        %shift_right_logical3A_551 = vector.broadcast %shift_right_logical3A_550 : i32 to vector<16xi32>
        %shift_right_logical3A_552 = arith.shrui %add3A_549, %shift_right_logical3A_551 : vector<16xi32>
        %gather3A_553 = tpu.vector_load_idx %arg8[%shift_right_logical3A_552, %iota3A] : memref<128x16xf32, #tpu.memory_space<vmem>>[vector<16xi32>, vector<16xi32>], vector<16xf32>,
        %lt3A_554 = arith.cmpf olt, %gather3A_553, %gather3A_478 : vector<16xf32>
        %add3A_555 = arith.constant 1 : i32
        %add3A_556 = vector.broadcast %add3A_555 : i32 to vector<16xi32>
        %add3A_557 = arith.addi %shift_right_logical3A_552, %add3A_556 : vector<16xi32>
        %select_n3A_558 = arith.select %lt3A_554, %add3A_557, %select_n3A_547 : vector<16xi1>, vector<16xi32>
        %select_n3A_559 = arith.select %lt3A_554, %select_n3A_548, %shift_right_logical3A_552 : vector<16xi1>, vector<16xi32>
        %sub3A_560 = arith.constant 1 : i32
        %sub3A_561 = vector.broadcast %sub3A_560 : i32 to vector<16xi32>
        %sub3A_562 = arith.subi %select_n3A_558, %sub3A_561 : vector<16xi32>
        %max3A_563 = arith.constant 0 : i32
        %max3A_564 = vector.broadcast %max3A_563 : i32 to vector<16xi32>
        %max3A_565 = arith.maxsi %sub3A_562, %max3A_564 : vector<16xi32>
        %min3A_566 = arith.constant 126 : i32
        %min3A_567 = vector.broadcast %min3A_566 : i32 to vector<16xi32>
        %min3A_568 = arith.minsi %select_n3A_558, %min3A_567 : vector<16xi32>
        %gather3A_569 = tpu.vector_load_idx %arg8[%max3A_565, %iota3A] : memref<128x16xf32, #tpu.memory_space<vmem>>[vector<16xi32>, vector<16xi32>], vector<16xf32>,
        %gather3A_570 = tpu.vector_load_idx %arg8[%min3A_568, %iota3A] : memref<128x16xf32, #tpu.memory_space<vmem>>[vector<16xi32>, vector<16xi32>], vector<16xf32>,
        %gather3A_571 = tpu.vector_load_idx %arg6[%iota3A, %max3A_565] : memref<16x128xf32, #tpu.memory_space<vmem>>[vector<16xi32>, vector<16xi32>], vector<16xf32>,
        %gather3A_572 = tpu.vector_load_idx %arg6[%iota3A, %min3A_568] : memref<16x128xf32, #tpu.memory_space<vmem>>[vector<16xi32>, vector<16xi32>], vector<16xf32>,
        %sub3A_573 = arith.subf %gather3A_570, %gather3A_569 : vector<16xf32>
        %lt3A_574 = arith.constant 9.99999974E-6 : f32
        %lt3A_575 = vector.broadcast %lt3A_574 : f32 to vector<16xf32>
        %lt3A_576 = arith.cmpf olt, %sub3A_573, %lt3A_575 : vector<16xf32>
        %jit3A_577 = arith.constant 1.000000e+00 : f32
        %broadcast_in_dim3A_578 = vector.broadcast %jit3A_577 : f32 to vector<16xf32>
        %select_n3A_579 = arith.select %lt3A_576, %broadcast_in_dim3A_578, %sub3A_573 : vector<16xi1>, vector<16xf32>
        %sub3A_580 = arith.subf %gather3A_478, %gather3A_569 : vector<16xf32>
        %div3A_581 = arith.divf %sub3A_580, %select_n3A_579 : vector<16xf32>
        %sub3A_582 = arith.subf %gather3A_572, %gather3A_571 : vector<16xf32>
        %mul3A_583 = arith.mulf %div3A_581, %sub3A_582 : vector<16xf32>
        %add3A_584 = arith.addf %gather3A_571, %mul3A_583 : vector<16xf32>
        tpu.vector_store_idx %arg9[%iota3A, %broadcast_in_dim3A_477], %add3A_584 : memref<16x64xf32, #tpu.memory_space<vmem>>[vector<16xi32>, vector<16xi32>], vector<16xf32>,
        %mul3A_585 = arith.constant 16 : i32
        %mul3A_586 = arith.muli %scan3A_31, %mul3A_585 : i32
        %add3A_587 = arith.constant 5 : i32
        %add3A_588 = arith.addi %mul3A_586, %add3A_587 : i32
        %broadcast_in_dim3A_589 = vector.broadcast %add3A_588 : i32 to vector<16xi32>
        %gather3A_590 = tpu.vector_load_idx %arg10[%broadcast_in_dim3A_589] : memref<64xf32, #tpu.memory_space<vmem>>[vector<16xi32>], vector<16xf32>,
        %broadcast_in_dim3A_591 = arith.constant 0 : i32
        %broadcast_in_dim3A_592 = vector.broadcast %broadcast_in_dim3A_591 : i32 to vector<16xi32>
        %broadcast_in_dim3A_593 = arith.constant 127 : i32
        %broadcast_in_dim3A_594 = vector.broadcast %broadcast_in_dim3A_593 : i32 to vector<16xi32>
        %add3A_595 = arith.addi %broadcast_in_dim3A_592, %broadcast_in_dim3A_594 : vector<16xi32>
        %shift_right_logical3A_596 = arith.constant 1 : i32
        %shift_right_logical3A_597 = vector.broadcast %shift_right_logical3A_596 : i32 to vector<16xi32>
        %shift_right_logical3A_598 = arith.shrui %add3A_595, %shift_right_logical3A_597 : vector<16xi32>
        %gather3A_599 = tpu.vector_load_idx %arg8[%shift_right_logical3A_598, %iota3A] : memref<128x16xf32, #tpu.memory_space<vmem>>[vector<16xi32>, vector<16xi32>], vector<16xf32>,
        %lt3A_600 = arith.cmpf olt, %gather3A_599, %gather3A_590 : vector<16xf32>
        %add3A_601 = arith.constant 1 : i32
        %add3A_602 = vector.broadcast %add3A_601 : i32 to vector<16xi32>
        %add3A_603 = arith.addi %shift_right_logical3A_598, %add3A_602 : vector<16xi32>
        %select_n3A_604 = arith.select %lt3A_600, %add3A_603, %broadcast_in_dim3A_592 : vector<16xi1>, vector<16xi32>
        %select_n3A_605 = arith.select %lt3A_600, %broadcast_in_dim3A_594, %shift_right_logical3A_598 : vector<16xi1>, vector<16xi32>
        %add3A_606 = arith.addi %select_n3A_604, %select_n3A_605 : vector<16xi32>
        %shift_right_logical3A_607 = arith.constant 1 : i32
        %shift_right_logical3A_608 = vector.broadcast %shift_right_logical3A_607 : i32 to vector<16xi32>
        %shift_right_logical3A_609 = arith.shrui %add3A_606, %shift_right_logical3A_608 : vector<16xi32>
        %gather3A_610 = tpu.vector_load_idx %arg8[%shift_right_logical3A_609, %iota3A] : memref<128x16xf32, #tpu.memory_space<vmem>>[vector<16xi32>, vector<16xi32>], vector<16xf32>,
        %lt3A_611 = arith.cmpf olt, %gather3A_610, %gather3A_590 : vector<16xf32>
        %add3A_612 = arith.constant 1 : i32
        %add3A_613 = vector.broadcast %add3A_612 : i32 to vector<16xi32>
        %add3A_614 = arith.addi %shift_right_logical3A_609, %add3A_613 : vector<16xi32>
        %select_n3A_615 = arith.select %lt3A_611, %add3A_614, %select_n3A_604 : vector<16xi1>, vector<16xi32>
        %select_n3A_616 = arith.select %lt3A_611, %select_n3A_605, %shift_right_logical3A_609 : vector<16xi1>, vector<16xi32>
        %add3A_617 = arith.addi %select_n3A_615, %select_n3A_616 : vector<16xi32>
        %shift_right_logical3A_618 = arith.constant 1 : i32
        %shift_right_logical3A_619 = vector.broadcast %shift_right_logical3A_618 : i32 to vector<16xi32>
        %shift_right_logical3A_620 = arith.shrui %add3A_617, %shift_right_logical3A_619 : vector<16xi32>
        %gather3A_621 = tpu.vector_load_idx %arg8[%shift_right_logical3A_620, %iota3A] : memref<128x16xf32, #tpu.memory_space<vmem>>[vector<16xi32>, vector<16xi32>], vector<16xf32>,
        %lt3A_622 = arith.cmpf olt, %gather3A_621, %gather3A_590 : vector<16xf32>
        %add3A_623 = arith.constant 1 : i32
        %add3A_624 = vector.broadcast %add3A_623 : i32 to vector<16xi32>
        %add3A_625 = arith.addi %shift_right_logical3A_620, %add3A_624 : vector<16xi32>
        %select_n3A_626 = arith.select %lt3A_622, %add3A_625, %select_n3A_615 : vector<16xi1>, vector<16xi32>
        %select_n3A_627 = arith.select %lt3A_622, %select_n3A_616, %shift_right_logical3A_620 : vector<16xi1>, vector<16xi32>
        %add3A_628 = arith.addi %select_n3A_626, %select_n3A_627 : vector<16xi32>
        %shift_right_logical3A_629 = arith.constant 1 : i32
        %shift_right_logical3A_630 = vector.broadcast %shift_right_logical3A_629 : i32 to vector<16xi32>
        %shift_right_logical3A_631 = arith.shrui %add3A_628, %shift_right_logical3A_630 : vector<16xi32>
        %gather3A_632 = tpu.vector_load_idx %arg8[%shift_right_logical3A_631, %iota3A] : memref<128x16xf32, #tpu.memory_space<vmem>>[vector<16xi32>, vector<16xi32>], vector<16xf32>,
        %lt3A_633 = arith.cmpf olt, %gather3A_632, %gather3A_590 : vector<16xf32>
        %add3A_634 = arith.constant 1 : i32
        %add3A_635 = vector.broadcast %add3A_634 : i32 to vector<16xi32>
        %add3A_636 = arith.addi %shift_right_logical3A_631, %add3A_635 : vector<16xi32>
        %select_n3A_637 = arith.select %lt3A_633, %add3A_636, %select_n3A_626 : vector<16xi1>, vector<16xi32>
        %select_n3A_638 = arith.select %lt3A_633, %select_n3A_627, %shift_right_logical3A_631 : vector<16xi1>, vector<16xi32>
        %add3A_639 = arith.addi %select_n3A_637, %select_n3A_638 : vector<16xi32>
        %shift_right_logical3A_640 = arith.constant 1 : i32
        %shift_right_logical3A_641 = vector.broadcast %shift_right_logical3A_640 : i32 to vector<16xi32>
        %shift_right_logical3A_642 = arith.shrui %add3A_639, %shift_right_logical3A_641 : vector<16xi32>
        %gather3A_643 = tpu.vector_load_idx %arg8[%shift_right_logical3A_642, %iota3A] : memref<128x16xf32, #tpu.memory_space<vmem>>[vector<16xi32>, vector<16xi32>], vector<16xf32>,
        %lt3A_644 = arith.cmpf olt, %gather3A_643, %gather3A_590 : vector<16xf32>
        %add3A_645 = arith.constant 1 : i32
        %add3A_646 = vector.broadcast %add3A_645 : i32 to vector<16xi32>
        %add3A_647 = arith.addi %shift_right_logical3A_642, %add3A_646 : vector<16xi32>
        %select_n3A_648 = arith.select %lt3A_644, %add3A_647, %select_n3A_637 : vector<16xi1>, vector<16xi32>
        %select_n3A_649 = arith.select %lt3A_644, %select_n3A_638, %shift_right_logical3A_642 : vector<16xi1>, vector<16xi32>
        %add3A_650 = arith.addi %select_n3A_648, %select_n3A_649 : vector<16xi32>
        %shift_right_logical3A_651 = arith.constant 1 : i32
        %shift_right_logical3A_652 = vector.broadcast %shift_right_logical3A_651 : i32 to vector<16xi32>
        %shift_right_logical3A_653 = arith.shrui %add3A_650, %shift_right_logical3A_652 : vector<16xi32>
        %gather3A_654 = tpu.vector_load_idx %arg8[%shift_right_logical3A_653, %iota3A] : memref<128x16xf32, #tpu.memory_space<vmem>>[vector<16xi32>, vector<16xi32>], vector<16xf32>,
        %lt3A_655 = arith.cmpf olt, %gather3A_654, %gather3A_590 : vector<16xf32>
        %add3A_656 = arith.constant 1 : i32
        %add3A_657 = vector.broadcast %add3A_656 : i32 to vector<16xi32>
        %add3A_658 = arith.addi %shift_right_logical3A_653, %add3A_657 : vector<16xi32>
        %select_n3A_659 = arith.select %lt3A_655, %add3A_658, %select_n3A_648 : vector<16xi1>, vector<16xi32>
        %select_n3A_660 = arith.select %lt3A_655, %select_n3A_649, %shift_right_logical3A_653 : vector<16xi1>, vector<16xi32>
        %add3A_661 = arith.addi %select_n3A_659, %select_n3A_660 : vector<16xi32>
        %shift_right_logical3A_662 = arith.constant 1 : i32
        %shift_right_logical3A_663 = vector.broadcast %shift_right_logical3A_662 : i32 to vector<16xi32>
        %shift_right_logical3A_664 = arith.shrui %add3A_661, %shift_right_logical3A_663 : vector<16xi32>
        %gather3A_665 = tpu.vector_load_idx %arg8[%shift_right_logical3A_664, %iota3A] : memref<128x16xf32, #tpu.memory_space<vmem>>[vector<16xi32>, vector<16xi32>], vector<16xf32>,
        %lt3A_666 = arith.cmpf olt, %gather3A_665, %gather3A_590 : vector<16xf32>
        %add3A_667 = arith.constant 1 : i32
        %add3A_668 = vector.broadcast %add3A_667 : i32 to vector<16xi32>
        %add3A_669 = arith.addi %shift_right_logical3A_664, %add3A_668 : vector<16xi32>
        %select_n3A_670 = arith.select %lt3A_666, %add3A_669, %select_n3A_659 : vector<16xi1>, vector<16xi32>
        %select_n3A_671 = arith.select %lt3A_666, %select_n3A_660, %shift_right_logical3A_664 : vector<16xi1>, vector<16xi32>
        %sub3A_672 = arith.constant 1 : i32
        %sub3A_673 = vector.broadcast %sub3A_672 : i32 to vector<16xi32>
        %sub3A_674 = arith.subi %select_n3A_670, %sub3A_673 : vector<16xi32>
        %max3A_675 = arith.constant 0 : i32
        %max3A_676 = vector.broadcast %max3A_675 : i32 to vector<16xi32>
        %max3A_677 = arith.maxsi %sub3A_674, %max3A_676 : vector<16xi32>
        %min3A_678 = arith.constant 126 : i32
        %min3A_679 = vector.broadcast %min3A_678 : i32 to vector<16xi32>
        %min3A_680 = arith.minsi %select_n3A_670, %min3A_679 : vector<16xi32>
        %gather3A_681 = tpu.vector_load_idx %arg8[%max3A_677, %iota3A] : memref<128x16xf32, #tpu.memory_space<vmem>>[vector<16xi32>, vector<16xi32>], vector<16xf32>,
        %gather3A_682 = tpu.vector_load_idx %arg8[%min3A_680, %iota3A] : memref<128x16xf32, #tpu.memory_space<vmem>>[vector<16xi32>, vector<16xi32>], vector<16xf32>,
        %gather3A_683 = tpu.vector_load_idx %arg6[%iota3A, %max3A_677] : memref<16x128xf32, #tpu.memory_space<vmem>>[vector<16xi32>, vector<16xi32>], vector<16xf32>,
        %gather3A_684 = tpu.vector_load_idx %arg6[%iota3A, %min3A_680] : memref<16x128xf32, #tpu.memory_space<vmem>>[vector<16xi32>, vector<16xi32>], vector<16xf32>,
        %sub3A_685 = arith.subf %gather3A_682, %gather3A_681 : vector<16xf32>
        %lt3A_686 = arith.constant 9.99999974E-6 : f32
        %lt3A_687 = vector.broadcast %lt3A_686 : f32 to vector<16xf32>
        %lt3A_688 = arith.cmpf olt, %sub3A_685, %lt3A_687 : vector<16xf32>
        %jit3A_689 = arith.constant 1.000000e+00 : f32
        %broadcast_in_dim3A_690 = vector.broadcast %jit3A_689 : f32 to vector<16xf32>
        %select_n3A_691 = arith.select %lt3A_688, %broadcast_in_dim3A_690, %sub3A_685 : vector<16xi1>, vector<16xf32>
        %sub3A_692 = arith.subf %gather3A_590, %gather3A_681 : vector<16xf32>
        %div3A_693 = arith.divf %sub3A_692, %select_n3A_691 : vector<16xf32>
        %sub3A_694 = arith.subf %gather3A_684, %gather3A_683 : vector<16xf32>
        %mul3A_695 = arith.mulf %div3A_693, %sub3A_694 : vector<16xf32>
        %add3A_696 = arith.addf %gather3A_683, %mul3A_695 : vector<16xf32>
        tpu.vector_store_idx %arg9[%iota3A, %broadcast_in_dim3A_589], %add3A_696 : memref<16x64xf32, #tpu.memory_space<vmem>>[vector<16xi32>, vector<16xi32>], vector<16xf32>,
        %mul3A_697 = arith.constant 16 : i32
        %mul3A_698 = arith.muli %scan3A_31, %mul3A_697 : i32
        %add3A_699 = arith.constant 6 : i32
        %add3A_700 = arith.addi %mul3A_698, %add3A_699 : i32
        %broadcast_in_dim3A_701 = vector.broadcast %add3A_700 : i32 to vector<16xi32>
        %gather3A_702 = tpu.vector_load_idx %arg10[%broadcast_in_dim3A_701] : memref<64xf32, #tpu.memory_space<vmem>>[vector<16xi32>], vector<16xf32>,
        %broadcast_in_dim3A_703 = arith.constant 0 : i32
        %broadcast_in_dim3A_704 = vector.broadcast %broadcast_in_dim3A_703 : i32 to vector<16xi32>
        %broadcast_in_dim3A_705 = arith.constant 127 : i32
        %broadcast_in_dim3A_706 = vector.broadcast %broadcast_in_dim3A_705 : i32 to vector<16xi32>
        %add3A_707 = arith.addi %broadcast_in_dim3A_704, %broadcast_in_dim3A_706 : vector<16xi32>
        %shift_right_logical3A_708 = arith.constant 1 : i32
        %shift_right_logical3A_709 = vector.broadcast %shift_right_logical3A_708 : i32 to vector<16xi32>
        %shift_right_logical3A_710 = arith.shrui %add3A_707, %shift_right_logical3A_709 : vector<16xi32>
        %gather3A_711 = tpu.vector_load_idx %arg8[%shift_right_logical3A_710, %iota3A] : memref<128x16xf32, #tpu.memory_space<vmem>>[vector<16xi32>, vector<16xi32>], vector<16xf32>,
        %lt3A_712 = arith.cmpf olt, %gather3A_711, %gather3A_702 : vector<16xf32>
        %add3A_713 = arith.constant 1 : i32
        %add3A_714 = vector.broadcast %add3A_713 : i32 to vector<16xi32>
        %add3A_715 = arith.addi %shift_right_logical3A_710, %add3A_714 : vector<16xi32>
        %select_n3A_716 = arith.select %lt3A_712, %add3A_715, %broadcast_in_dim3A_704 : vector<16xi1>, vector<16xi32>
        %select_n3A_717 = arith.select %lt3A_712, %broadcast_in_dim3A_706, %shift_right_logical3A_710 : vector<16xi1>, vector<16xi32>
        %add3A_718 = arith.addi %select_n3A_716, %select_n3A_717 : vector<16xi32>
        %shift_right_logical3A_719 = arith.constant 1 : i32
        %shift_right_logical3A_720 = vector.broadcast %shift_right_logical3A_719 : i32 to vector<16xi32>
        %shift_right_logical3A_721 = arith.shrui %add3A_718, %shift_right_logical3A_720 : vector<16xi32>
        %gather3A_722 = tpu.vector_load_idx %arg8[%shift_right_logical3A_721, %iota3A] : memref<128x16xf32, #tpu.memory_space<vmem>>[vector<16xi32>, vector<16xi32>], vector<16xf32>,
        %lt3A_723 = arith.cmpf olt, %gather3A_722, %gather3A_702 : vector<16xf32>
        %add3A_724 = arith.constant 1 : i32
        %add3A_725 = vector.broadcast %add3A_724 : i32 to vector<16xi32>
        %add3A_726 = arith.addi %shift_right_logical3A_721, %add3A_725 : vector<16xi32>
        %select_n3A_727 = arith.select %lt3A_723, %add3A_726, %select_n3A_716 : vector<16xi1>, vector<16xi32>
        %select_n3A_728 = arith.select %lt3A_723, %select_n3A_717, %shift_right_logical3A_721 : vector<16xi1>, vector<16xi32>
        %add3A_729 = arith.addi %select_n3A_727, %select_n3A_728 : vector<16xi32>
        %shift_right_logical3A_730 = arith.constant 1 : i32
        %shift_right_logical3A_731 = vector.broadcast %shift_right_logical3A_730 : i32 to vector<16xi32>
        %shift_right_logical3A_732 = arith.shrui %add3A_729, %shift_right_logical3A_731 : vector<16xi32>
        %gather3A_733 = tpu.vector_load_idx %arg8[%shift_right_logical3A_732, %iota3A] : memref<128x16xf32, #tpu.memory_space<vmem>>[vector<16xi32>, vector<16xi32>], vector<16xf32>,
        %lt3A_734 = arith.cmpf olt, %gather3A_733, %gather3A_702 : vector<16xf32>
        %add3A_735 = arith.constant 1 : i32
        %add3A_736 = vector.broadcast %add3A_735 : i32 to vector<16xi32>
        %add3A_737 = arith.addi %shift_right_logical3A_732, %add3A_736 : vector<16xi32>
        %select_n3A_738 = arith.select %lt3A_734, %add3A_737, %select_n3A_727 : vector<16xi1>, vector<16xi32>
        %select_n3A_739 = arith.select %lt3A_734, %select_n3A_728, %shift_right_logical3A_732 : vector<16xi1>, vector<16xi32>
        %add3A_740 = arith.addi %select_n3A_738, %select_n3A_739 : vector<16xi32>
        %shift_right_logical3A_741 = arith.constant 1 : i32
        %shift_right_logical3A_742 = vector.broadcast %shift_right_logical3A_741 : i32 to vector<16xi32>
        %shift_right_logical3A_743 = arith.shrui %add3A_740, %shift_right_logical3A_742 : vector<16xi32>
        %gather3A_744 = tpu.vector_load_idx %arg8[%shift_right_logical3A_743, %iota3A] : memref<128x16xf32, #tpu.memory_space<vmem>>[vector<16xi32>, vector<16xi32>], vector<16xf32>,
        %lt3A_745 = arith.cmpf olt, %gather3A_744, %gather3A_702 : vector<16xf32>
        %add3A_746 = arith.constant 1 : i32
        %add3A_747 = vector.broadcast %add3A_746 : i32 to vector<16xi32>
        %add3A_748 = arith.addi %shift_right_logical3A_743, %add3A_747 : vector<16xi32>
        %select_n3A_749 = arith.select %lt3A_745, %add3A_748, %select_n3A_738 : vector<16xi1>, vector<16xi32>
        %select_n3A_750 = arith.select %lt3A_745, %select_n3A_739, %shift_right_logical3A_743 : vector<16xi1>, vector<16xi32>
        %add3A_751 = arith.addi %select_n3A_749, %select_n3A_750 : vector<16xi32>
        %shift_right_logical3A_752 = arith.constant 1 : i32
        %shift_right_logical3A_753 = vector.broadcast %shift_right_logical3A_752 : i32 to vector<16xi32>
        %shift_right_logical3A_754 = arith.shrui %add3A_751, %shift_right_logical3A_753 : vector<16xi32>
        %gather3A_755 = tpu.vector_load_idx %arg8[%shift_right_logical3A_754, %iota3A] : memref<128x16xf32, #tpu.memory_space<vmem>>[vector<16xi32>, vector<16xi32>], vector<16xf32>,
        %lt3A_756 = arith.cmpf olt, %gather3A_755, %gather3A_702 : vector<16xf32>
        %add3A_757 = arith.constant 1 : i32
        %add3A_758 = vector.broadcast %add3A_757 : i32 to vector<16xi32>
        %add3A_759 = arith.addi %shift_right_logical3A_754, %add3A_758 : vector<16xi32>
        %select_n3A_760 = arith.select %lt3A_756, %add3A_759, %select_n3A_749 : vector<16xi1>, vector<16xi32>
        %select_n3A_761 = arith.select %lt3A_756, %select_n3A_750, %shift_right_logical3A_754 : vector<16xi1>, vector<16xi32>
        %add3A_762 = arith.addi %select_n3A_760, %select_n3A_761 : vector<16xi32>
        %shift_right_logical3A_763 = arith.constant 1 : i32
        %shift_right_logical3A_764 = vector.broadcast %shift_right_logical3A_763 : i32 to vector<16xi32>
        %shift_right_logical3A_765 = arith.shrui %add3A_762, %shift_right_logical3A_764 : vector<16xi32>
        %gather3A_766 = tpu.vector_load_idx %arg8[%shift_right_logical3A_765, %iota3A] : memref<128x16xf32, #tpu.memory_space<vmem>>[vector<16xi32>, vector<16xi32>], vector<16xf32>,
        %lt3A_767 = arith.cmpf olt, %gather3A_766, %gather3A_702 : vector<16xf32>
        %add3A_768 = arith.constant 1 : i32
        %add3A_769 = vector.broadcast %add3A_768 : i32 to vector<16xi32>
        %add3A_770 = arith.addi %shift_right_logical3A_765, %add3A_769 : vector<16xi32>
        %select_n3A_771 = arith.select %lt3A_767, %add3A_770, %select_n3A_760 : vector<16xi1>, vector<16xi32>
        %select_n3A_772 = arith.select %lt3A_767, %select_n3A_761, %shift_right_logical3A_765 : vector<16xi1>, vector<16xi32>
        %add3A_773 = arith.addi %select_n3A_771, %select_n3A_772 : vector<16xi32>
        %shift_right_logical3A_774 = arith.constant 1 : i32
        %shift_right_logical3A_775 = vector.broadcast %shift_right_logical3A_774 : i32 to vector<16xi32>
        %shift_right_logical3A_776 = arith.shrui %add3A_773, %shift_right_logical3A_775 : vector<16xi32>
        %gather3A_777 = tpu.vector_load_idx %arg8[%shift_right_logical3A_776, %iota3A] : memref<128x16xf32, #tpu.memory_space<vmem>>[vector<16xi32>, vector<16xi32>], vector<16xf32>,
        %lt3A_778 = arith.cmpf olt, %gather3A_777, %gather3A_702 : vector<16xf32>
        %add3A_779 = arith.constant 1 : i32
        %add3A_780 = vector.broadcast %add3A_779 : i32 to vector<16xi32>
        %add3A_781 = arith.addi %shift_right_logical3A_776, %add3A_780 : vector<16xi32>
        %select_n3A_782 = arith.select %lt3A_778, %add3A_781, %select_n3A_771 : vector<16xi1>, vector<16xi32>
        %select_n3A_783 = arith.select %lt3A_778, %select_n3A_772, %shift_right_logical3A_776 : vector<16xi1>, vector<16xi32>
        %sub3A_784 = arith.constant 1 : i32
        %sub3A_785 = vector.broadcast %sub3A_784 : i32 to vector<16xi32>
        %sub3A_786 = arith.subi %select_n3A_782, %sub3A_785 : vector<16xi32>
        %max3A_787 = arith.constant 0 : i32
        %max3A_788 = vector.broadcast %max3A_787 : i32 to vector<16xi32>
        %max3A_789 = arith.maxsi %sub3A_786, %max3A_788 : vector<16xi32>
        %min3A_790 = arith.constant 126 : i32
        %min3A_791 = vector.broadcast %min3A_790 : i32 to vector<16xi32>
        %min3A_792 = arith.minsi %select_n3A_782, %min3A_791 : vector<16xi32>
        %gather3A_793 = tpu.vector_load_idx %arg8[%max3A_789, %iota3A] : memref<128x16xf32, #tpu.memory_space<vmem>>[vector<16xi32>, vector<16xi32>], vector<16xf32>,
        %gather3A_794 = tpu.vector_load_idx %arg8[%min3A_792, %iota3A] : memref<128x16xf32, #tpu.memory_space<vmem>>[vector<16xi32>, vector<16xi32>], vector<16xf32>,
        %gather3A_795 = tpu.vector_load_idx %arg6[%iota3A, %max3A_789] : memref<16x128xf32, #tpu.memory_space<vmem>>[vector<16xi32>, vector<16xi32>], vector<16xf32>,
        %gather3A_796 = tpu.vector_load_idx %arg6[%iota3A, %min3A_792] : memref<16x128xf32, #tpu.memory_space<vmem>>[vector<16xi32>, vector<16xi32>], vector<16xf32>,
        %sub3A_797 = arith.subf %gather3A_794, %gather3A_793 : vector<16xf32>
        %lt3A_798 = arith.constant 9.99999974E-6 : f32
        %lt3A_799 = vector.broadcast %lt3A_798 : f32 to vector<16xf32>
        %lt3A_800 = arith.cmpf olt, %sub3A_797, %lt3A_799 : vector<16xf32>
        %jit3A_801 = arith.constant 1.000000e+00 : f32
        %broadcast_in_dim3A_802 = vector.broadcast %jit3A_801 : f32 to vector<16xf32>
        %select_n3A_803 = arith.select %lt3A_800, %broadcast_in_dim3A_802, %sub3A_797 : vector<16xi1>, vector<16xf32>
        %sub3A_804 = arith.subf %gather3A_702, %gather3A_793 : vector<16xf32>
        %div3A_805 = arith.divf %sub3A_804, %select_n3A_803 : vector<16xf32>
        %sub3A_806 = arith.subf %gather3A_796, %gather3A_795 : vector<16xf32>
        %mul3A_807 = arith.mulf %div3A_805, %sub3A_806 : vector<16xf32>
        %add3A_808 = arith.addf %gather3A_795, %mul3A_807 : vector<16xf32>
        tpu.vector_store_idx %arg9[%iota3A, %broadcast_in_dim3A_701], %add3A_808 : memref<16x64xf32, #tpu.memory_space<vmem>>[vector<16xi32>, vector<16xi32>], vector<16xf32>,
        %mul3A_809 = arith.constant 16 : i32
        %mul3A_810 = arith.muli %scan3A_31, %mul3A_809 : i32
        %add3A_811 = arith.constant 7 : i32
        %add3A_812 = arith.addi %mul3A_810, %add3A_811 : i32
        %broadcast_in_dim3A_813 = vector.broadcast %add3A_812 : i32 to vector<16xi32>
        %gather3A_814 = tpu.vector_load_idx %arg10[%broadcast_in_dim3A_813] : memref<64xf32, #tpu.memory_space<vmem>>[vector<16xi32>], vector<16xf32>,
        %broadcast_in_dim3A_815 = arith.constant 0 : i32
        %broadcast_in_dim3A_816 = vector.broadcast %broadcast_in_dim3A_815 : i32 to vector<16xi32>
        %broadcast_in_dim3A_817 = arith.constant 127 : i32
        %broadcast_in_dim3A_818 = vector.broadcast %broadcast_in_dim3A_817 : i32 to vector<16xi32>
        %add3A_819 = arith.addi %broadcast_in_dim3A_816, %broadcast_in_dim3A_818 : vector<16xi32>
        %shift_right_logical3A_820 = arith.constant 1 : i32
        %shift_right_logical3A_821 = vector.broadcast %shift_right_logical3A_820 : i32 to vector<16xi32>
        %shift_right_logical3A_822 = arith.shrui %add3A_819, %shift_right_logical3A_821 : vector<16xi32>
        %gather3A_823 = tpu.vector_load_idx %arg8[%shift_right_logical3A_822, %iota3A] : memref<128x16xf32, #tpu.memory_space<vmem>>[vector<16xi32>, vector<16xi32>], vector<16xf32>,
        %lt3A_824 = arith.cmpf olt, %gather3A_823, %gather3A_814 : vector<16xf32>
        %add3A_825 = arith.constant 1 : i32
        %add3A_826 = vector.broadcast %add3A_825 : i32 to vector<16xi32>
        %add3A_827 = arith.addi %shift_right_logical3A_822, %add3A_826 : vector<16xi32>
        %select_n3A_828 = arith.select %lt3A_824, %add3A_827, %broadcast_in_dim3A_816 : vector<16xi1>, vector<16xi32>
        %select_n3A_829 = arith.select %lt3A_824, %broadcast_in_dim3A_818, %shift_right_logical3A_822 : vector<16xi1>, vector<16xi32>
        %add3A_830 = arith.addi %select_n3A_828, %select_n3A_829 : vector<16xi32>
        %shift_right_logical3A_831 = arith.constant 1 : i32
        %shift_right_logical3A_832 = vector.broadcast %shift_right_logical3A_831 : i32 to vector<16xi32>
        %shift_right_logical3A_833 = arith.shrui %add3A_830, %shift_right_logical3A_832 : vector<16xi32>
        %gather3A_834 = tpu.vector_load_idx %arg8[%shift_right_logical3A_833, %iota3A] : memref<128x16xf32, #tpu.memory_space<vmem>>[vector<16xi32>, vector<16xi32>], vector<16xf32>,
        %lt3A_835 = arith.cmpf olt, %gather3A_834, %gather3A_814 : vector<16xf32>
        %add3A_836 = arith.constant 1 : i32
        %add3A_837 = vector.broadcast %add3A_836 : i32 to vector<16xi32>
        %add3A_838 = arith.addi %shift_right_logical3A_833, %add3A_837 : vector<16xi32>
        %select_n3A_839 = arith.select %lt3A_835, %add3A_838, %select_n3A_828 : vector<16xi1>, vector<16xi32>
        %select_n3A_840 = arith.select %lt3A_835, %select_n3A_829, %shift_right_logical3A_833 : vector<16xi1>, vector<16xi32>
        %add3A_841 = arith.addi %select_n3A_839, %select_n3A_840 : vector<16xi32>
        %shift_right_logical3A_842 = arith.constant 1 : i32
        %shift_right_logical3A_843 = vector.broadcast %shift_right_logical3A_842 : i32 to vector<16xi32>
        %shift_right_logical3A_844 = arith.shrui %add3A_841, %shift_right_logical3A_843 : vector<16xi32>
        %gather3A_845 = tpu.vector_load_idx %arg8[%shift_right_logical3A_844, %iota3A] : memref<128x16xf32, #tpu.memory_space<vmem>>[vector<16xi32>, vector<16xi32>], vector<16xf32>,
        %lt3A_846 = arith.cmpf olt, %gather3A_845, %gather3A_814 : vector<16xf32>
        %add3A_847 = arith.constant 1 : i32
        %add3A_848 = vector.broadcast %add3A_847 : i32 to vector<16xi32>
        %add3A_849 = arith.addi %shift_right_logical3A_844, %add3A_848 : vector<16xi32>
        %select_n3A_850 = arith.select %lt3A_846, %add3A_849, %select_n3A_839 : vector<16xi1>, vector<16xi32>
        %select_n3A_851 = arith.select %lt3A_846, %select_n3A_840, %shift_right_logical3A_844 : vector<16xi1>, vector<16xi32>
        %add3A_852 = arith.addi %select_n3A_850, %select_n3A_851 : vector<16xi32>
        %shift_right_logical3A_853 = arith.constant 1 : i32
        %shift_right_logical3A_854 = vector.broadcast %shift_right_logical3A_853 : i32 to vector<16xi32>
        %shift_right_logical3A_855 = arith.shrui %add3A_852, %shift_right_logical3A_854 : vector<16xi32>
        %gather3A_856 = tpu.vector_load_idx %arg8[%shift_right_logical3A_855, %iota3A] : memref<128x16xf32, #tpu.memory_space<vmem>>[vector<16xi32>, vector<16xi32>], vector<16xf32>,
        %lt3A_857 = arith.cmpf olt, %gather3A_856, %gather3A_814 : vector<16xf32>
        %add3A_858 = arith.constant 1 : i32
        %add3A_859 = vector.broadcast %add3A_858 : i32 to vector<16xi32>
        %add3A_860 = arith.addi %shift_right_logical3A_855, %add3A_859 : vector<16xi32>
        %select_n3A_861 = arith.select %lt3A_857, %add3A_860, %select_n3A_850 : vector<16xi1>, vector<16xi32>
        %select_n3A_862 = arith.select %lt3A_857, %select_n3A_851, %shift_right_logical3A_855 : vector<16xi1>, vector<16xi32>
        %add3A_863 = arith.addi %select_n3A_861, %select_n3A_862 : vector<16xi32>
        %shift_right_logical3A_864 = arith.constant 1 : i32
        %shift_right_logical3A_865 = vector.broadcast %shift_right_logical3A_864 : i32 to vector<16xi32>
        %shift_right_logical3A_866 = arith.shrui %add3A_863, %shift_right_logical3A_865 : vector<16xi32>
        %gather3A_867 = tpu.vector_load_idx %arg8[%shift_right_logical3A_866, %iota3A] : memref<128x16xf32, #tpu.memory_space<vmem>>[vector<16xi32>, vector<16xi32>], vector<16xf32>,
        %lt3A_868 = arith.cmpf olt, %gather3A_867, %gather3A_814 : vector<16xf32>
        %add3A_869 = arith.constant 1 : i32
        %add3A_870 = vector.broadcast %add3A_869 : i32 to vector<16xi32>
        %add3A_871 = arith.addi %shift_right_logical3A_866, %add3A_870 : vector<16xi32>
        %select_n3A_872 = arith.select %lt3A_868, %add3A_871, %select_n3A_861 : vector<16xi1>, vector<16xi32>
        %select_n3A_873 = arith.select %lt3A_868, %select_n3A_862, %shift_right_logical3A_866 : vector<16xi1>, vector<16xi32>
        %add3A_874 = arith.addi %select_n3A_872, %select_n3A_873 : vector<16xi32>
        %shift_right_logical3A_875 = arith.constant 1 : i32
        %shift_right_logical3A_876 = vector.broadcast %shift_right_logical3A_875 : i32 to vector<16xi32>
        %shift_right_logical3A_877 = arith.shrui %add3A_874, %shift_right_logical3A_876 : vector<16xi32>
        %gather3A_878 = tpu.vector_load_idx %arg8[%shift_right_logical3A_877, %iota3A] : memref<128x16xf32, #tpu.memory_space<vmem>>[vector<16xi32>, vector<16xi32>], vector<16xf32>,
        %lt3A_879 = arith.cmpf olt, %gather3A_878, %gather3A_814 : vector<16xf32>
        %add3A_880 = arith.constant 1 : i32
        %add3A_881 = vector.broadcast %add3A_880 : i32 to vector<16xi32>
        %add3A_882 = arith.addi %shift_right_logical3A_877, %add3A_881 : vector<16xi32>
        %select_n3A_883 = arith.select %lt3A_879, %add3A_882, %select_n3A_872 : vector<16xi1>, vector<16xi32>
        %select_n3A_884 = arith.select %lt3A_879, %select_n3A_873, %shift_right_logical3A_877 : vector<16xi1>, vector<16xi32>
        %add3A_885 = arith.addi %select_n3A_883, %select_n3A_884 : vector<16xi32>
        %shift_right_logical3A_886 = arith.constant 1 : i32
        %shift_right_logical3A_887 = vector.broadcast %shift_right_logical3A_886 : i32 to vector<16xi32>
        %shift_right_logical3A_888 = arith.shrui %add3A_885, %shift_right_logical3A_887 : vector<16xi32>
        %gather3A_889 = tpu.vector_load_idx %arg8[%shift_right_logical3A_888, %iota3A] : memref<128x16xf32, #tpu.memory_space<vmem>>[vector<16xi32>, vector<16xi32>], vector<16xf32>,
        %lt3A_890 = arith.cmpf olt, %gather3A_889, %gather3A_814 : vector<16xf32>
        %add3A_891 = arith.constant 1 : i32
        %add3A_892 = vector.broadcast %add3A_891 : i32 to vector<16xi32>
        %add3A_893 = arith.addi %shift_right_logical3A_888, %add3A_892 : vector<16xi32>
        %select_n3A_894 = arith.select %lt3A_890, %add3A_893, %select_n3A_883 : vector<16xi1>, vector<16xi32>
        %select_n3A_895 = arith.select %lt3A_890, %select_n3A_884, %shift_right_logical3A_888 : vector<16xi1>, vector<16xi32>
        %sub3A_896 = arith.constant 1 : i32
        %sub3A_897 = vector.broadcast %sub3A_896 : i32 to vector<16xi32>
        %sub3A_898 = arith.subi %select_n3A_894, %sub3A_897 : vector<16xi32>
        %max3A_899 = arith.constant 0 : i32
        %max3A_900 = vector.broadcast %max3A_899 : i32 to vector<16xi32>
        %max3A_901 = arith.maxsi %sub3A_898, %max3A_900 : vector<16xi32>
        %min3A_902 = arith.constant 126 : i32
        %min3A_903 = vector.broadcast %min3A_902 : i32 to vector<16xi32>
        %min3A_904 = arith.minsi %select_n3A_894, %min3A_903 : vector<16xi32>
        %gather3A_905 = tpu.vector_load_idx %arg8[%max3A_901, %iota3A] : memref<128x16xf32, #tpu.memory_space<vmem>>[vector<16xi32>, vector<16xi32>], vector<16xf32>,
        %gather3A_906 = tpu.vector_load_idx %arg8[%min3A_904, %iota3A] : memref<128x16xf32, #tpu.memory_space<vmem>>[vector<16xi32>, vector<16xi32>], vector<16xf32>,
        %gather3A_907 = tpu.vector_load_idx %arg6[%iota3A, %max3A_901] : memref<16x128xf32, #tpu.memory_space<vmem>>[vector<16xi32>, vector<16xi32>], vector<16xf32>,
        %gather3A_908 = tpu.vector_load_idx %arg6[%iota3A, %min3A_904] : memref<16x128xf32, #tpu.memory_space<vmem>>[vector<16xi32>, vector<16xi32>], vector<16xf32>,
        %sub3A_909 = arith.subf %gather3A_906, %gather3A_905 : vector<16xf32>
        %lt3A_910 = arith.constant 9.99999974E-6 : f32
        %lt3A_911 = vector.broadcast %lt3A_910 : f32 to vector<16xf32>
        %lt3A_912 = arith.cmpf olt, %sub3A_909, %lt3A_911 : vector<16xf32>
        %jit3A_913 = arith.constant 1.000000e+00 : f32
        %broadcast_in_dim3A_914 = vector.broadcast %jit3A_913 : f32 to vector<16xf32>
        %select_n3A_915 = arith.select %lt3A_912, %broadcast_in_dim3A_914, %sub3A_909 : vector<16xi1>, vector<16xf32>
        %sub3A_916 = arith.subf %gather3A_814, %gather3A_905 : vector<16xf32>
        %div3A_917 = arith.divf %sub3A_916, %select_n3A_915 : vector<16xf32>
        %sub3A_918 = arith.subf %gather3A_908, %gather3A_907 : vector<16xf32>
        %mul3A_919 = arith.mulf %div3A_917, %sub3A_918 : vector<16xf32>
        %add3A_920 = arith.addf %gather3A_907, %mul3A_919 : vector<16xf32>
        tpu.vector_store_idx %arg9[%iota3A, %broadcast_in_dim3A_813], %add3A_920 : memref<16x64xf32, #tpu.memory_space<vmem>>[vector<16xi32>, vector<16xi32>], vector<16xf32>,
        %mul3A_921 = arith.constant 16 : i32
        %mul3A_922 = arith.muli %scan3A_31, %mul3A_921 : i32
        %add3A_923 = arith.constant 8 : i32
        %add3A_924 = arith.addi %mul3A_922, %add3A_923 : i32
        %broadcast_in_dim3A_925 = vector.broadcast %add3A_924 : i32 to vector<16xi32>
        %gather3A_926 = tpu.vector_load_idx %arg10[%broadcast_in_dim3A_925] : memref<64xf32, #tpu.memory_space<vmem>>[vector<16xi32>], vector<16xf32>,
        %broadcast_in_dim3A_927 = arith.constant 0 : i32
        %broadcast_in_dim3A_928 = vector.broadcast %broadcast_in_dim3A_927 : i32 to vector<16xi32>
        %broadcast_in_dim3A_929 = arith.constant 127 : i32
        %broadcast_in_dim3A_930 = vector.broadcast %broadcast_in_dim3A_929 : i32 to vector<16xi32>
        %add3A_931 = arith.addi %broadcast_in_dim3A_928, %broadcast_in_dim3A_930 : vector<16xi32>
        %shift_right_logical3A_932 = arith.constant 1 : i32
        %shift_right_logical3A_933 = vector.broadcast %shift_right_logical3A_932 : i32 to vector<16xi32>
        %shift_right_logical3A_934 = arith.shrui %add3A_931, %shift_right_logical3A_933 : vector<16xi32>
        %gather3A_935 = tpu.vector_load_idx %arg8[%shift_right_logical3A_934, %iota3A] : memref<128x16xf32, #tpu.memory_space<vmem>>[vector<16xi32>, vector<16xi32>], vector<16xf32>,
        %lt3A_936 = arith.cmpf olt, %gather3A_935, %gather3A_926 : vector<16xf32>
        %add3A_937 = arith.constant 1 : i32
        %add3A_938 = vector.broadcast %add3A_937 : i32 to vector<16xi32>
        %add3A_939 = arith.addi %shift_right_logical3A_934, %add3A_938 : vector<16xi32>
        %select_n3A_940 = arith.select %lt3A_936, %add3A_939, %broadcast_in_dim3A_928 : vector<16xi1>, vector<16xi32>
        %select_n3A_941 = arith.select %lt3A_936, %broadcast_in_dim3A_930, %shift_right_logical3A_934 : vector<16xi1>, vector<16xi32>
        %add3A_942 = arith.addi %select_n3A_940, %select_n3A_941 : vector<16xi32>
        %shift_right_logical3A_943 = arith.constant 1 : i32
        %shift_right_logical3A_944 = vector.broadcast %shift_right_logical3A_943 : i32 to vector<16xi32>
        %shift_right_logical3A_945 = arith.shrui %add3A_942, %shift_right_logical3A_944 : vector<16xi32>
        %gather3A_946 = tpu.vector_load_idx %arg8[%shift_right_logical3A_945, %iota3A] : memref<128x16xf32, #tpu.memory_space<vmem>>[vector<16xi32>, vector<16xi32>], vector<16xf32>,
        %lt3A_947 = arith.cmpf olt, %gather3A_946, %gather3A_926 : vector<16xf32>
        %add3A_948 = arith.constant 1 : i32
        %add3A_949 = vector.broadcast %add3A_948 : i32 to vector<16xi32>
        %add3A_950 = arith.addi %shift_right_logical3A_945, %add3A_949 : vector<16xi32>
        %select_n3A_951 = arith.select %lt3A_947, %add3A_950, %select_n3A_940 : vector<16xi1>, vector<16xi32>
        %select_n3A_952 = arith.select %lt3A_947, %select_n3A_941, %shift_right_logical3A_945 : vector<16xi1>, vector<16xi32>
        %add3A_953 = arith.addi %select_n3A_951, %select_n3A_952 : vector<16xi32>
        %shift_right_logical3A_954 = arith.constant 1 : i32
        %shift_right_logical3A_955 = vector.broadcast %shift_right_logical3A_954 : i32 to vector<16xi32>
        %shift_right_logical3A_956 = arith.shrui %add3A_953, %shift_right_logical3A_955 : vector<16xi32>
        %gather3A_957 = tpu.vector_load_idx %arg8[%shift_right_logical3A_956, %iota3A] : memref<128x16xf32, #tpu.memory_space<vmem>>[vector<16xi32>, vector<16xi32>], vector<16xf32>,
        %lt3A_958 = arith.cmpf olt, %gather3A_957, %gather3A_926 : vector<16xf32>
        %add3A_959 = arith.constant 1 : i32
        %add3A_960 = vector.broadcast %add3A_959 : i32 to vector<16xi32>
        %add3A_961 = arith.addi %shift_right_logical3A_956, %add3A_960 : vector<16xi32>
        %select_n3A_962 = arith.select %lt3A_958, %add3A_961, %select_n3A_951 : vector<16xi1>, vector<16xi32>
        %select_n3A_963 = arith.select %lt3A_958, %select_n3A_952, %shift_right_logical3A_956 : vector<16xi1>, vector<16xi32>
        %add3A_964 = arith.addi %select_n3A_962, %select_n3A_963 : vector<16xi32>
        %shift_right_logical3A_965 = arith.constant 1 : i32
        %shift_right_logical3A_966 = vector.broadcast %shift_right_logical3A_965 : i32 to vector<16xi32>
        %shift_right_logical3A_967 = arith.shrui %add3A_964, %shift_right_logical3A_966 : vector<16xi32>
        %gather3A_968 = tpu.vector_load_idx %arg8[%shift_right_logical3A_967, %iota3A] : memref<128x16xf32, #tpu.memory_space<vmem>>[vector<16xi32>, vector<16xi32>], vector<16xf32>,
        %lt3A_969 = arith.cmpf olt, %gather3A_968, %gather3A_926 : vector<16xf32>
        %add3A_970 = arith.constant 1 : i32
        %add3A_971 = vector.broadcast %add3A_970 : i32 to vector<16xi32>
        %add3A_972 = arith.addi %shift_right_logical3A_967, %add3A_971 : vector<16xi32>
        %select_n3A_973 = arith.select %lt3A_969, %add3A_972, %select_n3A_962 : vector<16xi1>, vector<16xi32>
        %select_n3A_974 = arith.select %lt3A_969, %select_n3A_963, %shift_right_logical3A_967 : vector<16xi1>, vector<16xi32>
        %add3A_975 = arith.addi %select_n3A_973, %select_n3A_974 : vector<16xi32>
        %shift_right_logical3A_976 = arith.constant 1 : i32
        %shift_right_logical3A_977 = vector.broadcast %shift_right_logical3A_976 : i32 to vector<16xi32>
        %shift_right_logical3A_978 = arith.shrui %add3A_975, %shift_right_logical3A_977 : vector<16xi32>
        %gather3A_979 = tpu.vector_load_idx %arg8[%shift_right_logical3A_978, %iota3A] : memref<128x16xf32, #tpu.memory_space<vmem>>[vector<16xi32>, vector<16xi32>], vector<16xf32>,
        %lt3A_980 = arith.cmpf olt, %gather3A_979, %gather3A_926 : vector<16xf32>
        %add3A_981 = arith.constant 1 : i32
        %add3A_982 = vector.broadcast %add3A_981 : i32 to vector<16xi32>
        %add3A_983 = arith.addi %shift_right_logical3A_978, %add3A_982 : vector<16xi32>
        %select_n3A_984 = arith.select %lt3A_980, %add3A_983, %select_n3A_973 : vector<16xi1>, vector<16xi32>
        %select_n3A_985 = arith.select %lt3A_980, %select_n3A_974, %shift_right_logical3A_978 : vector<16xi1>, vector<16xi32>
        %add3A_986 = arith.addi %select_n3A_984, %select_n3A_985 : vector<16xi32>
        %shift_right_logical3A_987 = arith.constant 1 : i32
        %shift_right_logical3A_988 = vector.broadcast %shift_right_logical3A_987 : i32 to vector<16xi32>
        %shift_right_logical3A_989 = arith.shrui %add3A_986, %shift_right_logical3A_988 : vector<16xi32>
        %gather3A_990 = tpu.vector_load_idx %arg8[%shift_right_logical3A_989, %iota3A] : memref<128x16xf32, #tpu.memory_space<vmem>>[vector<16xi32>, vector<16xi32>], vector<16xf32>,
        %lt3A_991 = arith.cmpf olt, %gather3A_990, %gather3A_926 : vector<16xf32>
        %add3A_992 = arith.constant 1 : i32
        %add3A_993 = vector.broadcast %add3A_992 : i32 to vector<16xi32>
        %add3A_994 = arith.addi %shift_right_logical3A_989, %add3A_993 : vector<16xi32>
        %select_n3A_995 = arith.select %lt3A_991, %add3A_994, %select_n3A_984 : vector<16xi1>, vector<16xi32>
        %select_n3A_996 = arith.select %lt3A_991, %select_n3A_985, %shift_right_logical3A_989 : vector<16xi1>, vector<16xi32>
        %add3A_997 = arith.addi %select_n3A_995, %select_n3A_996 : vector<16xi32>
        %shift_right_logical3A_998 = arith.constant 1 : i32
        %shift_right_logical3A_999 = vector.broadcast %shift_right_logical3A_998 : i32 to vector<16xi32>
        %shift_right_logical3A_1000 = arith.shrui %add3A_997, %shift_right_logical3A_999 : vector<16xi32>
        %gather3A_1001 = tpu.vector_load_idx %arg8[%shift_right_logical3A_1000, %iota3A] : memref<128x16xf32, #tpu.memory_space<vmem>>[vector<16xi32>, vector<16xi32>], vector<16xf32>,
        %lt3A_1002 = arith.cmpf olt, %gather3A_1001, %gather3A_926 : vector<16xf32>
        %add3A_1003 = arith.constant 1 : i32
        %add3A_1004 = vector.broadcast %add3A_1003 : i32 to vector<16xi32>
        %add3A_1005 = arith.addi %shift_right_logical3A_1000, %add3A_1004 : vector<16xi32>
        %select_n3A_1006 = arith.select %lt3A_1002, %add3A_1005, %select_n3A_995 : vector<16xi1>, vector<16xi32>
        %select_n3A_1007 = arith.select %lt3A_1002, %select_n3A_996, %shift_right_logical3A_1000 : vector<16xi1>, vector<16xi32>
        %sub3A_1008 = arith.constant 1 : i32
        %sub3A_1009 = vector.broadcast %sub3A_1008 : i32 to vector<16xi32>
        %sub3A_1010 = arith.subi %select_n3A_1006, %sub3A_1009 : vector<16xi32>
        %max3A_1011 = arith.constant 0 : i32
        %max3A_1012 = vector.broadcast %max3A_1011 : i32 to vector<16xi32>
        %max3A_1013 = arith.maxsi %sub3A_1010, %max3A_1012 : vector<16xi32>
        %min3A_1014 = arith.constant 126 : i32
        %min3A_1015 = vector.broadcast %min3A_1014 : i32 to vector<16xi32>
        %min3A_1016 = arith.minsi %select_n3A_1006, %min3A_1015 : vector<16xi32>
        %gather3A_1017 = tpu.vector_load_idx %arg8[%max3A_1013, %iota3A] : memref<128x16xf32, #tpu.memory_space<vmem>>[vector<16xi32>, vector<16xi32>], vector<16xf32>,
        %gather3A_1018 = tpu.vector_load_idx %arg8[%min3A_1016, %iota3A] : memref<128x16xf32, #tpu.memory_space<vmem>>[vector<16xi32>, vector<16xi32>], vector<16xf32>,
        %gather3A_1019 = tpu.vector_load_idx %arg6[%iota3A, %max3A_1013] : memref<16x128xf32, #tpu.memory_space<vmem>>[vector<16xi32>, vector<16xi32>], vector<16xf32>,
        %gather3A_1020 = tpu.vector_load_idx %arg6[%iota3A, %min3A_1016] : memref<16x128xf32, #tpu.memory_space<vmem>>[vector<16xi32>, vector<16xi32>], vector<16xf32>,
        %sub3A_1021 = arith.subf %gather3A_1018, %gather3A_1017 : vector<16xf32>
        %lt3A_1022 = arith.constant 9.99999974E-6 : f32
        %lt3A_1023 = vector.broadcast %lt3A_1022 : f32 to vector<16xf32>
        %lt3A_1024 = arith.cmpf olt, %sub3A_1021, %lt3A_1023 : vector<16xf32>
        %jit3A_1025 = arith.constant 1.000000e+00 : f32
        %broadcast_in_dim3A_1026 = vector.broadcast %jit3A_1025 : f32 to vector<16xf32>
        %select_n3A_1027 = arith.select %lt3A_1024, %broadcast_in_dim3A_1026, %sub3A_1021 : vector<16xi1>, vector<16xf32>
        %sub3A_1028 = arith.subf %gather3A_926, %gather3A_1017 : vector<16xf32>
        %div3A_1029 = arith.divf %sub3A_1028, %select_n3A_1027 : vector<16xf32>
        %sub3A_1030 = arith.subf %gather3A_1020, %gather3A_1019 : vector<16xf32>
        %mul3A_1031 = arith.mulf %div3A_1029, %sub3A_1030 : vector<16xf32>
        %add3A_1032 = arith.addf %gather3A_1019, %mul3A_1031 : vector<16xf32>
        tpu.vector_store_idx %arg9[%iota3A, %broadcast_in_dim3A_925], %add3A_1032 : memref<16x64xf32, #tpu.memory_space<vmem>>[vector<16xi32>, vector<16xi32>], vector<16xf32>,
        %mul3A_1033 = arith.constant 16 : i32
        %mul3A_1034 = arith.muli %scan3A_31, %mul3A_1033 : i32
        %add3A_1035 = arith.constant 9 : i32
        %add3A_1036 = arith.addi %mul3A_1034, %add3A_1035 : i32
        %broadcast_in_dim3A_1037 = vector.broadcast %add3A_1036 : i32 to vector<16xi32>
        %gather3A_1038 = tpu.vector_load_idx %arg10[%broadcast_in_dim3A_1037] : memref<64xf32, #tpu.memory_space<vmem>>[vector<16xi32>], vector<16xf32>,
        %broadcast_in_dim3A_1039 = arith.constant 0 : i32
        %broadcast_in_dim3A_1040 = vector.broadcast %broadcast_in_dim3A_1039 : i32 to vector<16xi32>
        %broadcast_in_dim3A_1041 = arith.constant 127 : i32
        %broadcast_in_dim3A_1042 = vector.broadcast %broadcast_in_dim3A_1041 : i32 to vector<16xi32>
        %add3A_1043 = arith.addi %broadcast_in_dim3A_1040, %broadcast_in_dim3A_1042 : vector<16xi32>
        %shift_right_logical3A_1044 = arith.constant 1 : i32
        %shift_right_logical3A_1045 = vector.broadcast %shift_right_logical3A_1044 : i32 to vector<16xi32>
        %shift_right_logical3A_1046 = arith.shrui %add3A_1043, %shift_right_logical3A_1045 : vector<16xi32>
        %gather3A_1047 = tpu.vector_load_idx %arg8[%shift_right_logical3A_1046, %iota3A] : memref<128x16xf32, #tpu.memory_space<vmem>>[vector<16xi32>, vector<16xi32>], vector<16xf32>,
        %lt3A_1048 = arith.cmpf olt, %gather3A_1047, %gather3A_1038 : vector<16xf32>
        %add3A_1049 = arith.constant 1 : i32
        %add3A_1050 = vector.broadcast %add3A_1049 : i32 to vector<16xi32>
        %add3A_1051 = arith.addi %shift_right_logical3A_1046, %add3A_1050 : vector<16xi32>
        %select_n3A_1052 = arith.select %lt3A_1048, %add3A_1051, %broadcast_in_dim3A_1040 : vector<16xi1>, vector<16xi32>
        %select_n3A_1053 = arith.select %lt3A_1048, %broadcast_in_dim3A_1042, %shift_right_logical3A_1046 : vector<16xi1>, vector<16xi32>
        %add3A_1054 = arith.addi %select_n3A_1052, %select_n3A_1053 : vector<16xi32>
        %shift_right_logical3A_1055 = arith.constant 1 : i32
        %shift_right_logical3A_1056 = vector.broadcast %shift_right_logical3A_1055 : i32 to vector<16xi32>
        %shift_right_logical3A_1057 = arith.shrui %add3A_1054, %shift_right_logical3A_1056 : vector<16xi32>
        %gather3A_1058 = tpu.vector_load_idx %arg8[%shift_right_logical3A_1057, %iota3A] : memref<128x16xf32, #tpu.memory_space<vmem>>[vector<16xi32>, vector<16xi32>], vector<16xf32>,
        %lt3A_1059 = arith.cmpf olt, %gather3A_1058, %gather3A_1038 : vector<16xf32>
        %add3A_1060 = arith.constant 1 : i32
        %add3A_1061 = vector.broadcast %add3A_1060 : i32 to vector<16xi32>
        %add3A_1062 = arith.addi %shift_right_logical3A_1057, %add3A_1061 : vector<16xi32>
        %select_n3A_1063 = arith.select %lt3A_1059, %add3A_1062, %select_n3A_1052 : vector<16xi1>, vector<16xi32>
        %select_n3A_1064 = arith.select %lt3A_1059, %select_n3A_1053, %shift_right_logical3A_1057 : vector<16xi1>, vector<16xi32>
        %add3A_1065 = arith.addi %select_n3A_1063, %select_n3A_1064 : vector<16xi32>
        %shift_right_logical3A_1066 = arith.constant 1 : i32
        %shift_right_logical3A_1067 = vector.broadcast %shift_right_logical3A_1066 : i32 to vector<16xi32>
        %shift_right_logical3A_1068 = arith.shrui %add3A_1065, %shift_right_logical3A_1067 : vector<16xi32>
        %gather3A_1069 = tpu.vector_load_idx %arg8[%shift_right_logical3A_1068, %iota3A] : memref<128x16xf32, #tpu.memory_space<vmem>>[vector<16xi32>, vector<16xi32>], vector<16xf32>,
        %lt3A_1070 = arith.cmpf olt, %gather3A_1069, %gather3A_1038 : vector<16xf32>
        %add3A_1071 = arith.constant 1 : i32
        %add3A_1072 = vector.broadcast %add3A_1071 : i32 to vector<16xi32>
        %add3A_1073 = arith.addi %shift_right_logical3A_1068, %add3A_1072 : vector<16xi32>
        %select_n3A_1074 = arith.select %lt3A_1070, %add3A_1073, %select_n3A_1063 : vector<16xi1>, vector<16xi32>
        %select_n3A_1075 = arith.select %lt3A_1070, %select_n3A_1064, %shift_right_logical3A_1068 : vector<16xi1>, vector<16xi32>
        %add3A_1076 = arith.addi %select_n3A_1074, %select_n3A_1075 : vector<16xi32>
        %shift_right_logical3A_1077 = arith.constant 1 : i32
        %shift_right_logical3A_1078 = vector.broadcast %shift_right_logical3A_1077 : i32 to vector<16xi32>
        %shift_right_logical3A_1079 = arith.shrui %add3A_1076, %shift_right_logical3A_1078 : vector<16xi32>
        %gather3A_1080 = tpu.vector_load_idx %arg8[%shift_right_logical3A_1079, %iota3A] : memref<128x16xf32, #tpu.memory_space<vmem>>[vector<16xi32>, vector<16xi32>], vector<16xf32>,
        %lt3A_1081 = arith.cmpf olt, %gather3A_1080, %gather3A_1038 : vector<16xf32>
        %add3A_1082 = arith.constant 1 : i32
        %add3A_1083 = vector.broadcast %add3A_1082 : i32 to vector<16xi32>
        %add3A_1084 = arith.addi %shift_right_logical3A_1079, %add3A_1083 : vector<16xi32>
        %select_n3A_1085 = arith.select %lt3A_1081, %add3A_1084, %select_n3A_1074 : vector<16xi1>, vector<16xi32>
        %select_n3A_1086 = arith.select %lt3A_1081, %select_n3A_1075, %shift_right_logical3A_1079 : vector<16xi1>, vector<16xi32>
        %add3A_1087 = arith.addi %select_n3A_1085, %select_n3A_1086 : vector<16xi32>
        %shift_right_logical3A_1088 = arith.constant 1 : i32
        %shift_right_logical3A_1089 = vector.broadcast %shift_right_logical3A_1088 : i32 to vector<16xi32>
        %shift_right_logical3A_1090 = arith.shrui %add3A_1087, %shift_right_logical3A_1089 : vector<16xi32>
        %gather3A_1091 = tpu.vector_load_idx %arg8[%shift_right_logical3A_1090, %iota3A] : memref<128x16xf32, #tpu.memory_space<vmem>>[vector<16xi32>, vector<16xi32>], vector<16xf32>,
        %lt3A_1092 = arith.cmpf olt, %gather3A_1091, %gather3A_1038 : vector<16xf32>
        %add3A_1093 = arith.constant 1 : i32
        %add3A_1094 = vector.broadcast %add3A_1093 : i32 to vector<16xi32>
        %add3A_1095 = arith.addi %shift_right_logical3A_1090, %add3A_1094 : vector<16xi32>
        %select_n3A_1096 = arith.select %lt3A_1092, %add3A_1095, %select_n3A_1085 : vector<16xi1>, vector<16xi32>
        %select_n3A_1097 = arith.select %lt3A_1092, %select_n3A_1086, %shift_right_logical3A_1090 : vector<16xi1>, vector<16xi32>
        %add3A_1098 = arith.addi %select_n3A_1096, %select_n3A_1097 : vector<16xi32>
        %shift_right_logical3A_1099 = arith.constant 1 : i32
        %shift_right_logical3A_1100 = vector.broadcast %shift_right_logical3A_1099 : i32 to vector<16xi32>
        %shift_right_logical3A_1101 = arith.shrui %add3A_1098, %shift_right_logical3A_1100 : vector<16xi32>
        %gather3A_1102 = tpu.vector_load_idx %arg8[%shift_right_logical3A_1101, %iota3A] : memref<128x16xf32, #tpu.memory_space<vmem>>[vector<16xi32>, vector<16xi32>], vector<16xf32>,
        %lt3A_1103 = arith.cmpf olt, %gather3A_1102, %gather3A_1038 : vector<16xf32>
        %add3A_1104 = arith.constant 1 : i32
        %add3A_1105 = vector.broadcast %add3A_1104 : i32 to vector<16xi32>
        %add3A_1106 = arith.addi %shift_right_logical3A_1101, %add3A_1105 : vector<16xi32>
        %select_n3A_1107 = arith.select %lt3A_1103, %add3A_1106, %select_n3A_1096 : vector<16xi1>, vector<16xi32>
        %select_n3A_1108 = arith.select %lt3A_1103, %select_n3A_1097, %shift_right_logical3A_1101 : vector<16xi1>, vector<16xi32>
        %add3A_1109 = arith.addi %select_n3A_1107, %select_n3A_1108 : vector<16xi32>
        %shift_right_logical3A_1110 = arith.constant 1 : i32
        %shift_right_logical3A_1111 = vector.broadcast %shift_right_logical3A_1110 : i32 to vector<16xi32>
        %shift_right_logical3A_1112 = arith.shrui %add3A_1109, %shift_right_logical3A_1111 : vector<16xi32>
        %gather3A_1113 = tpu.vector_load_idx %arg8[%shift_right_logical3A_1112, %iota3A] : memref<128x16xf32, #tpu.memory_space<vmem>>[vector<16xi32>, vector<16xi32>], vector<16xf32>,
        %lt3A_1114 = arith.cmpf olt, %gather3A_1113, %gather3A_1038 : vector<16xf32>
        %add3A_1115 = arith.constant 1 : i32
        %add3A_1116 = vector.broadcast %add3A_1115 : i32 to vector<16xi32>
        %add3A_1117 = arith.addi %shift_right_logical3A_1112, %add3A_1116 : vector<16xi32>
        %select_n3A_1118 = arith.select %lt3A_1114, %add3A_1117, %select_n3A_1107 : vector<16xi1>, vector<16xi32>
        %select_n3A_1119 = arith.select %lt3A_1114, %select_n3A_1108, %shift_right_logical3A_1112 : vector<16xi1>, vector<16xi32>
        %sub3A_1120 = arith.constant 1 : i32
        %sub3A_1121 = vector.broadcast %sub3A_1120 : i32 to vector<16xi32>
        %sub3A_1122 = arith.subi %select_n3A_1118, %sub3A_1121 : vector<16xi32>
        %max3A_1123 = arith.constant 0 : i32
        %max3A_1124 = vector.broadcast %max3A_1123 : i32 to vector<16xi32>
        %max3A_1125 = arith.maxsi %sub3A_1122, %max3A_1124 : vector<16xi32>
        %min3A_1126 = arith.constant 126 : i32
        %min3A_1127 = vector.broadcast %min3A_1126 : i32 to vector<16xi32>
        %min3A_1128 = arith.minsi %select_n3A_1118, %min3A_1127 : vector<16xi32>
        %gather3A_1129 = tpu.vector_load_idx %arg8[%max3A_1125, %iota3A] : memref<128x16xf32, #tpu.memory_space<vmem>>[vector<16xi32>, vector<16xi32>], vector<16xf32>,
        %gather3A_1130 = tpu.vector_load_idx %arg8[%min3A_1128, %iota3A] : memref<128x16xf32, #tpu.memory_space<vmem>>[vector<16xi32>, vector<16xi32>], vector<16xf32>,
        %gather3A_1131 = tpu.vector_load_idx %arg6[%iota3A, %max3A_1125] : memref<16x128xf32, #tpu.memory_space<vmem>>[vector<16xi32>, vector<16xi32>], vector<16xf32>,
        %gather3A_1132 = tpu.vector_load_idx %arg6[%iota3A, %min3A_1128] : memref<16x128xf32, #tpu.memory_space<vmem>>[vector<16xi32>, vector<16xi32>], vector<16xf32>,
        %sub3A_1133 = arith.subf %gather3A_1130, %gather3A_1129 : vector<16xf32>
        %lt3A_1134 = arith.constant 9.99999974E-6 : f32
        %lt3A_1135 = vector.broadcast %lt3A_1134 : f32 to vector<16xf32>
        %lt3A_1136 = arith.cmpf olt, %sub3A_1133, %lt3A_1135 : vector<16xf32>
        %jit3A_1137 = arith.constant 1.000000e+00 : f32
        %broadcast_in_dim3A_1138 = vector.broadcast %jit3A_1137 : f32 to vector<16xf32>
        %select_n3A_1139 = arith.select %lt3A_1136, %broadcast_in_dim3A_1138, %sub3A_1133 : vector<16xi1>, vector<16xf32>
        %sub3A_1140 = arith.subf %gather3A_1038, %gather3A_1129 : vector<16xf32>
        %div3A_1141 = arith.divf %sub3A_1140, %select_n3A_1139 : vector<16xf32>
        %sub3A_1142 = arith.subf %gather3A_1132, %gather3A_1131 : vector<16xf32>
        %mul3A_1143 = arith.mulf %div3A_1141, %sub3A_1142 : vector<16xf32>
        %add3A_1144 = arith.addf %gather3A_1131, %mul3A_1143 : vector<16xf32>
        tpu.vector_store_idx %arg9[%iota3A, %broadcast_in_dim3A_1037], %add3A_1144 : memref<16x64xf32, #tpu.memory_space<vmem>>[vector<16xi32>, vector<16xi32>], vector<16xf32>,
        %mul3A_1145 = arith.constant 16 : i32
        %mul3A_1146 = arith.muli %scan3A_31, %mul3A_1145 : i32
        %add3A_1147 = arith.constant 10 : i32
        %add3A_1148 = arith.addi %mul3A_1146, %add3A_1147 : i32
        %broadcast_in_dim3A_1149 = vector.broadcast %add3A_1148 : i32 to vector<16xi32>
        %gather3A_1150 = tpu.vector_load_idx %arg10[%broadcast_in_dim3A_1149] : memref<64xf32, #tpu.memory_space<vmem>>[vector<16xi32>], vector<16xf32>,
        %broadcast_in_dim3A_1151 = arith.constant 0 : i32
        %broadcast_in_dim3A_1152 = vector.broadcast %broadcast_in_dim3A_1151 : i32 to vector<16xi32>
        %broadcast_in_dim3A_1153 = arith.constant 127 : i32
        %broadcast_in_dim3A_1154 = vector.broadcast %broadcast_in_dim3A_1153 : i32 to vector<16xi32>
        %add3A_1155 = arith.addi %broadcast_in_dim3A_1152, %broadcast_in_dim3A_1154 : vector<16xi32>
        %shift_right_logical3A_1156 = arith.constant 1 : i32
        %shift_right_logical3A_1157 = vector.broadcast %shift_right_logical3A_1156 : i32 to vector<16xi32>
        %shift_right_logical3A_1158 = arith.shrui %add3A_1155, %shift_right_logical3A_1157 : vector<16xi32>
        %gather3A_1159 = tpu.vector_load_idx %arg8[%shift_right_logical3A_1158, %iota3A] : memref<128x16xf32, #tpu.memory_space<vmem>>[vector<16xi32>, vector<16xi32>], vector<16xf32>,
        %lt3A_1160 = arith.cmpf olt, %gather3A_1159, %gather3A_1150 : vector<16xf32>
        %add3A_1161 = arith.constant 1 : i32
        %add3A_1162 = vector.broadcast %add3A_1161 : i32 to vector<16xi32>
        %add3A_1163 = arith.addi %shift_right_logical3A_1158, %add3A_1162 : vector<16xi32>
        %select_n3A_1164 = arith.select %lt3A_1160, %add3A_1163, %broadcast_in_dim3A_1152 : vector<16xi1>, vector<16xi32>
        %select_n3A_1165 = arith.select %lt3A_1160, %broadcast_in_dim3A_1154, %shift_right_logical3A_1158 : vector<16xi1>, vector<16xi32>
        %add3A_1166 = arith.addi %select_n3A_1164, %select_n3A_1165 : vector<16xi32>
        %shift_right_logical3A_1167 = arith.constant 1 : i32
        %shift_right_logical3A_1168 = vector.broadcast %shift_right_logical3A_1167 : i32 to vector<16xi32>
        %shift_right_logical3A_1169 = arith.shrui %add3A_1166, %shift_right_logical3A_1168 : vector<16xi32>
        %gather3A_1170 = tpu.vector_load_idx %arg8[%shift_right_logical3A_1169, %iota3A] : memref<128x16xf32, #tpu.memory_space<vmem>>[vector<16xi32>, vector<16xi32>], vector<16xf32>,
        %lt3A_1171 = arith.cmpf olt, %gather3A_1170, %gather3A_1150 : vector<16xf32>
        %add3A_1172 = arith.constant 1 : i32
        %add3A_1173 = vector.broadcast %add3A_1172 : i32 to vector<16xi32>
        %add3A_1174 = arith.addi %shift_right_logical3A_1169, %add3A_1173 : vector<16xi32>
        %select_n3A_1175 = arith.select %lt3A_1171, %add3A_1174, %select_n3A_1164 : vector<16xi1>, vector<16xi32>
        %select_n3A_1176 = arith.select %lt3A_1171, %select_n3A_1165, %shift_right_logical3A_1169 : vector<16xi1>, vector<16xi32>
        %add3A_1177 = arith.addi %select_n3A_1175, %select_n3A_1176 : vector<16xi32>
        %shift_right_logical3A_1178 = arith.constant 1 : i32
        %shift_right_logical3A_1179 = vector.broadcast %shift_right_logical3A_1178 : i32 to vector<16xi32>
        %shift_right_logical3A_1180 = arith.shrui %add3A_1177, %shift_right_logical3A_1179 : vector<16xi32>
        %gather3A_1181 = tpu.vector_load_idx %arg8[%shift_right_logical3A_1180, %iota3A] : memref<128x16xf32, #tpu.memory_space<vmem>>[vector<16xi32>, vector<16xi32>], vector<16xf32>,
        %lt3A_1182 = arith.cmpf olt, %gather3A_1181, %gather3A_1150 : vector<16xf32>
        %add3A_1183 = arith.constant 1 : i32
        %add3A_1184 = vector.broadcast %add3A_1183 : i32 to vector<16xi32>
        %add3A_1185 = arith.addi %shift_right_logical3A_1180, %add3A_1184 : vector<16xi32>
        %select_n3A_1186 = arith.select %lt3A_1182, %add3A_1185, %select_n3A_1175 : vector<16xi1>, vector<16xi32>
        %select_n3A_1187 = arith.select %lt3A_1182, %select_n3A_1176, %shift_right_logical3A_1180 : vector<16xi1>, vector<16xi32>
        %add3A_1188 = arith.addi %select_n3A_1186, %select_n3A_1187 : vector<16xi32>
        %shift_right_logical3A_1189 = arith.constant 1 : i32
        %shift_right_logical3A_1190 = vector.broadcast %shift_right_logical3A_1189 : i32 to vector<16xi32>
        %shift_right_logical3A_1191 = arith.shrui %add3A_1188, %shift_right_logical3A_1190 : vector<16xi32>
        %gather3A_1192 = tpu.vector_load_idx %arg8[%shift_right_logical3A_1191, %iota3A] : memref<128x16xf32, #tpu.memory_space<vmem>>[vector<16xi32>, vector<16xi32>], vector<16xf32>,
        %lt3A_1193 = arith.cmpf olt, %gather3A_1192, %gather3A_1150 : vector<16xf32>
        %add3A_1194 = arith.constant 1 : i32
        %add3A_1195 = vector.broadcast %add3A_1194 : i32 to vector<16xi32>
        %add3A_1196 = arith.addi %shift_right_logical3A_1191, %add3A_1195 : vector<16xi32>
        %select_n3A_1197 = arith.select %lt3A_1193, %add3A_1196, %select_n3A_1186 : vector<16xi1>, vector<16xi32>
        %select_n3A_1198 = arith.select %lt3A_1193, %select_n3A_1187, %shift_right_logical3A_1191 : vector<16xi1>, vector<16xi32>
        %add3A_1199 = arith.addi %select_n3A_1197, %select_n3A_1198 : vector<16xi32>
        %shift_right_logical3A_1200 = arith.constant 1 : i32
        %shift_right_logical3A_1201 = vector.broadcast %shift_right_logical3A_1200 : i32 to vector<16xi32>
        %shift_right_logical3A_1202 = arith.shrui %add3A_1199, %shift_right_logical3A_1201 : vector<16xi32>
        %gather3A_1203 = tpu.vector_load_idx %arg8[%shift_right_logical3A_1202, %iota3A] : memref<128x16xf32, #tpu.memory_space<vmem>>[vector<16xi32>, vector<16xi32>], vector<16xf32>,
        %lt3A_1204 = arith.cmpf olt, %gather3A_1203, %gather3A_1150 : vector<16xf32>
        %add3A_1205 = arith.constant 1 : i32
        %add3A_1206 = vector.broadcast %add3A_1205 : i32 to vector<16xi32>
        %add3A_1207 = arith.addi %shift_right_logical3A_1202, %add3A_1206 : vector<16xi32>
        %select_n3A_1208 = arith.select %lt3A_1204, %add3A_1207, %select_n3A_1197 : vector<16xi1>, vector<16xi32>
        %select_n3A_1209 = arith.select %lt3A_1204, %select_n3A_1198, %shift_right_logical3A_1202 : vector<16xi1>, vector<16xi32>
        %add3A_1210 = arith.addi %select_n3A_1208, %select_n3A_1209 : vector<16xi32>
        %shift_right_logical3A_1211 = arith.constant 1 : i32
        %shift_right_logical3A_1212 = vector.broadcast %shift_right_logical3A_1211 : i32 to vector<16xi32>
        %shift_right_logical3A_1213 = arith.shrui %add3A_1210, %shift_right_logical3A_1212 : vector<16xi32>
        %gather3A_1214 = tpu.vector_load_idx %arg8[%shift_right_logical3A_1213, %iota3A] : memref<128x16xf32, #tpu.memory_space<vmem>>[vector<16xi32>, vector<16xi32>], vector<16xf32>,
        %lt3A_1215 = arith.cmpf olt, %gather3A_1214, %gather3A_1150 : vector<16xf32>
        %add3A_1216 = arith.constant 1 : i32
        %add3A_1217 = vector.broadcast %add3A_1216 : i32 to vector<16xi32>
        %add3A_1218 = arith.addi %shift_right_logical3A_1213, %add3A_1217 : vector<16xi32>
        %select_n3A_1219 = arith.select %lt3A_1215, %add3A_1218, %select_n3A_1208 : vector<16xi1>, vector<16xi32>
        %select_n3A_1220 = arith.select %lt3A_1215, %select_n3A_1209, %shift_right_logical3A_1213 : vector<16xi1>, vector<16xi32>
        %add3A_1221 = arith.addi %select_n3A_1219, %select_n3A_1220 : vector<16xi32>
        %shift_right_logical3A_1222 = arith.constant 1 : i32
        %shift_right_logical3A_1223 = vector.broadcast %shift_right_logical3A_1222 : i32 to vector<16xi32>
        %shift_right_logical3A_1224 = arith.shrui %add3A_1221, %shift_right_logical3A_1223 : vector<16xi32>
        %gather3A_1225 = tpu.vector_load_idx %arg8[%shift_right_logical3A_1224, %iota3A] : memref<128x16xf32, #tpu.memory_space<vmem>>[vector<16xi32>, vector<16xi32>], vector<16xf32>,
        %lt3A_1226 = arith.cmpf olt, %gather3A_1225, %gather3A_1150 : vector<16xf32>
        %add3A_1227 = arith.constant 1 : i32
        %add3A_1228 = vector.broadcast %add3A_1227 : i32 to vector<16xi32>
        %add3A_1229 = arith.addi %shift_right_logical3A_1224, %add3A_1228 : vector<16xi32>
        %select_n3A_1230 = arith.select %lt3A_1226, %add3A_1229, %select_n3A_1219 : vector<16xi1>, vector<16xi32>
        %select_n3A_1231 = arith.select %lt3A_1226, %select_n3A_1220, %shift_right_logical3A_1224 : vector<16xi1>, vector<16xi32>
        %sub3A_1232 = arith.constant 1 : i32
        %sub3A_1233 = vector.broadcast %sub3A_1232 : i32 to vector<16xi32>
        %sub3A_1234 = arith.subi %select_n3A_1230, %sub3A_1233 : vector<16xi32>
        %max3A_1235 = arith.constant 0 : i32
        %max3A_1236 = vector.broadcast %max3A_1235 : i32 to vector<16xi32>
        %max3A_1237 = arith.maxsi %sub3A_1234, %max3A_1236 : vector<16xi32>
        %min3A_1238 = arith.constant 126 : i32
        %min3A_1239 = vector.broadcast %min3A_1238 : i32 to vector<16xi32>
        %min3A_1240 = arith.minsi %select_n3A_1230, %min3A_1239 : vector<16xi32>
        %gather3A_1241 = tpu.vector_load_idx %arg8[%max3A_1237, %iota3A] : memref<128x16xf32, #tpu.memory_space<vmem>>[vector<16xi32>, vector<16xi32>], vector<16xf32>,
        %gather3A_1242 = tpu.vector_load_idx %arg8[%min3A_1240, %iota3A] : memref<128x16xf32, #tpu.memory_space<vmem>>[vector<16xi32>, vector<16xi32>], vector<16xf32>,
        %gather3A_1243 = tpu.vector_load_idx %arg6[%iota3A, %max3A_1237] : memref<16x128xf32, #tpu.memory_space<vmem>>[vector<16xi32>, vector<16xi32>], vector<16xf32>,
        %gather3A_1244 = tpu.vector_load_idx %arg6[%iota3A, %min3A_1240] : memref<16x128xf32, #tpu.memory_space<vmem>>[vector<16xi32>, vector<16xi32>], vector<16xf32>,
        %sub3A_1245 = arith.subf %gather3A_1242, %gather3A_1241 : vector<16xf32>
        %lt3A_1246 = arith.constant 9.99999974E-6 : f32
        %lt3A_1247 = vector.broadcast %lt3A_1246 : f32 to vector<16xf32>
        %lt3A_1248 = arith.cmpf olt, %sub3A_1245, %lt3A_1247 : vector<16xf32>
        %jit3A_1249 = arith.constant 1.000000e+00 : f32
        %broadcast_in_dim3A_1250 = vector.broadcast %jit3A_1249 : f32 to vector<16xf32>
        %select_n3A_1251 = arith.select %lt3A_1248, %broadcast_in_dim3A_1250, %sub3A_1245 : vector<16xi1>, vector<16xf32>
        %sub3A_1252 = arith.subf %gather3A_1150, %gather3A_1241 : vector<16xf32>
        %div3A_1253 = arith.divf %sub3A_1252, %select_n3A_1251 : vector<16xf32>
        %sub3A_1254 = arith.subf %gather3A_1244, %gather3A_1243 : vector<16xf32>
        %mul3A_1255 = arith.mulf %div3A_1253, %sub3A_1254 : vector<16xf32>
        %add3A_1256 = arith.addf %gather3A_1243, %mul3A_1255 : vector<16xf32>
        tpu.vector_store_idx %arg9[%iota3A, %broadcast_in_dim3A_1149], %add3A_1256 : memref<16x64xf32, #tpu.memory_space<vmem>>[vector<16xi32>, vector<16xi32>], vector<16xf32>,
        %mul3A_1257 = arith.constant 16 : i32
        %mul3A_1258 = arith.muli %scan3A_31, %mul3A_1257 : i32
        %add3A_1259 = arith.constant 11 : i32
        %add3A_1260 = arith.addi %mul3A_1258, %add3A_1259 : i32
        %broadcast_in_dim3A_1261 = vector.broadcast %add3A_1260 : i32 to vector<16xi32>
        %gather3A_1262 = tpu.vector_load_idx %arg10[%broadcast_in_dim3A_1261] : memref<64xf32, #tpu.memory_space<vmem>>[vector<16xi32>], vector<16xf32>,
        %broadcast_in_dim3A_1263 = arith.constant 0 : i32
        %broadcast_in_dim3A_1264 = vector.broadcast %broadcast_in_dim3A_1263 : i32 to vector<16xi32>
        %broadcast_in_dim3A_1265 = arith.constant 127 : i32
        %broadcast_in_dim3A_1266 = vector.broadcast %broadcast_in_dim3A_1265 : i32 to vector<16xi32>
        %add3A_1267 = arith.addi %broadcast_in_dim3A_1264, %broadcast_in_dim3A_1266 : vector<16xi32>
        %shift_right_logical3A_1268 = arith.constant 1 : i32
        %shift_right_logical3A_1269 = vector.broadcast %shift_right_logical3A_1268 : i32 to vector<16xi32>
        %shift_right_logical3A_1270 = arith.shrui %add3A_1267, %shift_right_logical3A_1269 : vector<16xi32>
        %gather3A_1271 = tpu.vector_load_idx %arg8[%shift_right_logical3A_1270, %iota3A] : memref<128x16xf32, #tpu.memory_space<vmem>>[vector<16xi32>, vector<16xi32>], vector<16xf32>,
        %lt3A_1272 = arith.cmpf olt, %gather3A_1271, %gather3A_1262 : vector<16xf32>
        %add3A_1273 = arith.constant 1 : i32
        %add3A_1274 = vector.broadcast %add3A_1273 : i32 to vector<16xi32>
        %add3A_1275 = arith.addi %shift_right_logical3A_1270, %add3A_1274 : vector<16xi32>
        %select_n3A_1276 = arith.select %lt3A_1272, %add3A_1275, %broadcast_in_dim3A_1264 : vector<16xi1>, vector<16xi32>
        %select_n3A_1277 = arith.select %lt3A_1272, %broadcast_in_dim3A_1266, %shift_right_logical3A_1270 : vector<16xi1>, vector<16xi32>
        %add3A_1278 = arith.addi %select_n3A_1276, %select_n3A_1277 : vector<16xi32>
        %shift_right_logical3A_1279 = arith.constant 1 : i32
        %shift_right_logical3A_1280 = vector.broadcast %shift_right_logical3A_1279 : i32 to vector<16xi32>
        %shift_right_logical3A_1281 = arith.shrui %add3A_1278, %shift_right_logical3A_1280 : vector<16xi32>
        %gather3A_1282 = tpu.vector_load_idx %arg8[%shift_right_logical3A_1281, %iota3A] : memref<128x16xf32, #tpu.memory_space<vmem>>[vector<16xi32>, vector<16xi32>], vector<16xf32>,
        %lt3A_1283 = arith.cmpf olt, %gather3A_1282, %gather3A_1262 : vector<16xf32>
        %add3A_1284 = arith.constant 1 : i32
        %add3A_1285 = vector.broadcast %add3A_1284 : i32 to vector<16xi32>
        %add3A_1286 = arith.addi %shift_right_logical3A_1281, %add3A_1285 : vector<16xi32>
        %select_n3A_1287 = arith.select %lt3A_1283, %add3A_1286, %select_n3A_1276 : vector<16xi1>, vector<16xi32>
        %select_n3A_1288 = arith.select %lt3A_1283, %select_n3A_1277, %shift_right_logical3A_1281 : vector<16xi1>, vector<16xi32>
        %add3A_1289 = arith.addi %select_n3A_1287, %select_n3A_1288 : vector<16xi32>
        %shift_right_logical3A_1290 = arith.constant 1 : i32
        %shift_right_logical3A_1291 = vector.broadcast %shift_right_logical3A_1290 : i32 to vector<16xi32>
        %shift_right_logical3A_1292 = arith.shrui %add3A_1289, %shift_right_logical3A_1291 : vector<16xi32>
        %gather3A_1293 = tpu.vector_load_idx %arg8[%shift_right_logical3A_1292, %iota3A] : memref<128x16xf32, #tpu.memory_space<vmem>>[vector<16xi32>, vector<16xi32>], vector<16xf32>,
        %lt3A_1294 = arith.cmpf olt, %gather3A_1293, %gather3A_1262 : vector<16xf32>
        %add3A_1295 = arith.constant 1 : i32
        %add3A_1296 = vector.broadcast %add3A_1295 : i32 to vector<16xi32>
        %add3A_1297 = arith.addi %shift_right_logical3A_1292, %add3A_1296 : vector<16xi32>
        %select_n3A_1298 = arith.select %lt3A_1294, %add3A_1297, %select_n3A_1287 : vector<16xi1>, vector<16xi32>
        %select_n3A_1299 = arith.select %lt3A_1294, %select_n3A_1288, %shift_right_logical3A_1292 : vector<16xi1>, vector<16xi32>
        %add3A_1300 = arith.addi %select_n3A_1298, %select_n3A_1299 : vector<16xi32>
        %shift_right_logical3A_1301 = arith.constant 1 : i32
        %shift_right_logical3A_1302 = vector.broadcast %shift_right_logical3A_1301 : i32 to vector<16xi32>
        %shift_right_logical3A_1303 = arith.shrui %add3A_1300, %shift_right_logical3A_1302 : vector<16xi32>
        %gather3A_1304 = tpu.vector_load_idx %arg8[%shift_right_logical3A_1303, %iota3A] : memref<128x16xf32, #tpu.memory_space<vmem>>[vector<16xi32>, vector<16xi32>], vector<16xf32>,
        %lt3A_1305 = arith.cmpf olt, %gather3A_1304, %gather3A_1262 : vector<16xf32>
        %add3A_1306 = arith.constant 1 : i32
        %add3A_1307 = vector.broadcast %add3A_1306 : i32 to vector<16xi32>
        %add3A_1308 = arith.addi %shift_right_logical3A_1303, %add3A_1307 : vector<16xi32>
        %select_n3A_1309 = arith.select %lt3A_1305, %add3A_1308, %select_n3A_1298 : vector<16xi1>, vector<16xi32>
        %select_n3A_1310 = arith.select %lt3A_1305, %select_n3A_1299, %shift_right_logical3A_1303 : vector<16xi1>, vector<16xi32>
        %add3A_1311 = arith.addi %select_n3A_1309, %select_n3A_1310 : vector<16xi32>
        %shift_right_logical3A_1312 = arith.constant 1 : i32
        %shift_right_logical3A_1313 = vector.broadcast %shift_right_logical3A_1312 : i32 to vector<16xi32>
        %shift_right_logical3A_1314 = arith.shrui %add3A_1311, %shift_right_logical3A_1313 : vector<16xi32>
        %gather3A_1315 = tpu.vector_load_idx %arg8[%shift_right_logical3A_1314, %iota3A] : memref<128x16xf32, #tpu.memory_space<vmem>>[vector<16xi32>, vector<16xi32>], vector<16xf32>,
        %lt3A_1316 = arith.cmpf olt, %gather3A_1315, %gather3A_1262 : vector<16xf32>
        %add3A_1317 = arith.constant 1 : i32
        %add3A_1318 = vector.broadcast %add3A_1317 : i32 to vector<16xi32>
        %add3A_1319 = arith.addi %shift_right_logical3A_1314, %add3A_1318 : vector<16xi32>
        %select_n3A_1320 = arith.select %lt3A_1316, %add3A_1319, %select_n3A_1309 : vector<16xi1>, vector<16xi32>
        %select_n3A_1321 = arith.select %lt3A_1316, %select_n3A_1310, %shift_right_logical3A_1314 : vector<16xi1>, vector<16xi32>
        %add3A_1322 = arith.addi %select_n3A_1320, %select_n3A_1321 : vector<16xi32>
        %shift_right_logical3A_1323 = arith.constant 1 : i32
        %shift_right_logical3A_1324 = vector.broadcast %shift_right_logical3A_1323 : i32 to vector<16xi32>
        %shift_right_logical3A_1325 = arith.shrui %add3A_1322, %shift_right_logical3A_1324 : vector<16xi32>
        %gather3A_1326 = tpu.vector_load_idx %arg8[%shift_right_logical3A_1325, %iota3A] : memref<128x16xf32, #tpu.memory_space<vmem>>[vector<16xi32>, vector<16xi32>], vector<16xf32>,
        %lt3A_1327 = arith.cmpf olt, %gather3A_1326, %gather3A_1262 : vector<16xf32>
        %add3A_1328 = arith.constant 1 : i32
        %add3A_1329 = vector.broadcast %add3A_1328 : i32 to vector<16xi32>
        %add3A_1330 = arith.addi %shift_right_logical3A_1325, %add3A_1329 : vector<16xi32>
        %select_n3A_1331 = arith.select %lt3A_1327, %add3A_1330, %select_n3A_1320 : vector<16xi1>, vector<16xi32>
        %select_n3A_1332 = arith.select %lt3A_1327, %select_n3A_1321, %shift_right_logical3A_1325 : vector<16xi1>, vector<16xi32>
        %add3A_1333 = arith.addi %select_n3A_1331, %select_n3A_1332 : vector<16xi32>
        %shift_right_logical3A_1334 = arith.constant 1 : i32
        %shift_right_logical3A_1335 = vector.broadcast %shift_right_logical3A_1334 : i32 to vector<16xi32>
        %shift_right_logical3A_1336 = arith.shrui %add3A_1333, %shift_right_logical3A_1335 : vector<16xi32>
        %gather3A_1337 = tpu.vector_load_idx %arg8[%shift_right_logical3A_1336, %iota3A] : memref<128x16xf32, #tpu.memory_space<vmem>>[vector<16xi32>, vector<16xi32>], vector<16xf32>,
        %lt3A_1338 = arith.cmpf olt, %gather3A_1337, %gather3A_1262 : vector<16xf32>
        %add3A_1339 = arith.constant 1 : i32
        %add3A_1340 = vector.broadcast %add3A_1339 : i32 to vector<16xi32>
        %add3A_1341 = arith.addi %shift_right_logical3A_1336, %add3A_1340 : vector<16xi32>
        %select_n3A_1342 = arith.select %lt3A_1338, %add3A_1341, %select_n3A_1331 : vector<16xi1>, vector<16xi32>
        %select_n3A_1343 = arith.select %lt3A_1338, %select_n3A_1332, %shift_right_logical3A_1336 : vector<16xi1>, vector<16xi32>
        %sub3A_1344 = arith.constant 1 : i32
        %sub3A_1345 = vector.broadcast %sub3A_1344 : i32 to vector<16xi32>
        %sub3A_1346 = arith.subi %select_n3A_1342, %sub3A_1345 : vector<16xi32>
        %max3A_1347 = arith.constant 0 : i32
        %max3A_1348 = vector.broadcast %max3A_1347 : i32 to vector<16xi32>
        %max3A_1349 = arith.maxsi %sub3A_1346, %max3A_1348 : vector<16xi32>
        %min3A_1350 = arith.constant 126 : i32
        %min3A_1351 = vector.broadcast %min3A_1350 : i32 to vector<16xi32>
        %min3A_1352 = arith.minsi %select_n3A_1342, %min3A_1351 : vector<16xi32>
        %gather3A_1353 = tpu.vector_load_idx %arg8[%max3A_1349, %iota3A] : memref<128x16xf32, #tpu.memory_space<vmem>>[vector<16xi32>, vector<16xi32>], vector<16xf32>,
        %gather3A_1354 = tpu.vector_load_idx %arg8[%min3A_1352, %iota3A] : memref<128x16xf32, #tpu.memory_space<vmem>>[vector<16xi32>, vector<16xi32>], vector<16xf32>,
        %gather3A_1355 = tpu.vector_load_idx %arg6[%iota3A, %max3A_1349] : memref<16x128xf32, #tpu.memory_space<vmem>>[vector<16xi32>, vector<16xi32>], vector<16xf32>,
        %gather3A_1356 = tpu.vector_load_idx %arg6[%iota3A, %min3A_1352] : memref<16x128xf32, #tpu.memory_space<vmem>>[vector<16xi32>, vector<16xi32>], vector<16xf32>,
        %sub3A_1357 = arith.subf %gather3A_1354, %gather3A_1353 : vector<16xf32>
        %lt3A_1358 = arith.constant 9.99999974E-6 : f32
        %lt3A_1359 = vector.broadcast %lt3A_1358 : f32 to vector<16xf32>
        %lt3A_1360 = arith.cmpf olt, %sub3A_1357, %lt3A_1359 : vector<16xf32>
        %jit3A_1361 = arith.constant 1.000000e+00 : f32
        %broadcast_in_dim3A_1362 = vector.broadcast %jit3A_1361 : f32 to vector<16xf32>
        %select_n3A_1363 = arith.select %lt3A_1360, %broadcast_in_dim3A_1362, %sub3A_1357 : vector<16xi1>, vector<16xf32>
        %sub3A_1364 = arith.subf %gather3A_1262, %gather3A_1353 : vector<16xf32>
        %div3A_1365 = arith.divf %sub3A_1364, %select_n3A_1363 : vector<16xf32>
        %sub3A_1366 = arith.subf %gather3A_1356, %gather3A_1355 : vector<16xf32>
        %mul3A_1367 = arith.mulf %div3A_1365, %sub3A_1366 : vector<16xf32>
        %add3A_1368 = arith.addf %gather3A_1355, %mul3A_1367 : vector<16xf32>
        tpu.vector_store_idx %arg9[%iota3A, %broadcast_in_dim3A_1261], %add3A_1368 : memref<16x64xf32, #tpu.memory_space<vmem>>[vector<16xi32>, vector<16xi32>], vector<16xf32>,
        %mul3A_1369 = arith.constant 16 : i32
        %mul3A_1370 = arith.muli %scan3A_31, %mul3A_1369 : i32
        %add3A_1371 = arith.constant 12 : i32
        %add3A_1372 = arith.addi %mul3A_1370, %add3A_1371 : i32
        %broadcast_in_dim3A_1373 = vector.broadcast %add3A_1372 : i32 to vector<16xi32>
        %gather3A_1374 = tpu.vector_load_idx %arg10[%broadcast_in_dim3A_1373] : memref<64xf32, #tpu.memory_space<vmem>>[vector<16xi32>], vector<16xf32>,
        %broadcast_in_dim3A_1375 = arith.constant 0 : i32
        %broadcast_in_dim3A_1376 = vector.broadcast %broadcast_in_dim3A_1375 : i32 to vector<16xi32>
        %broadcast_in_dim3A_1377 = arith.constant 127 : i32
        %broadcast_in_dim3A_1378 = vector.broadcast %broadcast_in_dim3A_1377 : i32 to vector<16xi32>
        %add3A_1379 = arith.addi %broadcast_in_dim3A_1376, %broadcast_in_dim3A_1378 : vector<16xi32>
        %shift_right_logical3A_1380 = arith.constant 1 : i32
        %shift_right_logical3A_1381 = vector.broadcast %shift_right_logical3A_1380 : i32 to vector<16xi32>
        %shift_right_logical3A_1382 = arith.shrui %add3A_1379, %shift_right_logical3A_1381 : vector<16xi32>
        %gather3A_1383 = tpu.vector_load_idx %arg8[%shift_right_logical3A_1382, %iota3A] : memref<128x16xf32, #tpu.memory_space<vmem>>[vector<16xi32>, vector<16xi32>], vector<16xf32>,
        %lt3A_1384 = arith.cmpf olt, %gather3A_1383, %gather3A_1374 : vector<16xf32>
        %add3A_1385 = arith.constant 1 : i32
        %add3A_1386 = vector.broadcast %add3A_1385 : i32 to vector<16xi32>
        %add3A_1387 = arith.addi %shift_right_logical3A_1382, %add3A_1386 : vector<16xi32>
        %select_n3A_1388 = arith.select %lt3A_1384, %add3A_1387, %broadcast_in_dim3A_1376 : vector<16xi1>, vector<16xi32>
        %select_n3A_1389 = arith.select %lt3A_1384, %broadcast_in_dim3A_1378, %shift_right_logical3A_1382 : vector<16xi1>, vector<16xi32>
        %add3A_1390 = arith.addi %select_n3A_1388, %select_n3A_1389 : vector<16xi32>
        %shift_right_logical3A_1391 = arith.constant 1 : i32
        %shift_right_logical3A_1392 = vector.broadcast %shift_right_logical3A_1391 : i32 to vector<16xi32>
        %shift_right_logical3A_1393 = arith.shrui %add3A_1390, %shift_right_logical3A_1392 : vector<16xi32>
        %gather3A_1394 = tpu.vector_load_idx %arg8[%shift_right_logical3A_1393, %iota3A] : memref<128x16xf32, #tpu.memory_space<vmem>>[vector<16xi32>, vector<16xi32>], vector<16xf32>,
        %lt3A_1395 = arith.cmpf olt, %gather3A_1394, %gather3A_1374 : vector<16xf32>
        %add3A_1396 = arith.constant 1 : i32
        %add3A_1397 = vector.broadcast %add3A_1396 : i32 to vector<16xi32>
        %add3A_1398 = arith.addi %shift_right_logical3A_1393, %add3A_1397 : vector<16xi32>
        %select_n3A_1399 = arith.select %lt3A_1395, %add3A_1398, %select_n3A_1388 : vector<16xi1>, vector<16xi32>
        %select_n3A_1400 = arith.select %lt3A_1395, %select_n3A_1389, %shift_right_logical3A_1393 : vector<16xi1>, vector<16xi32>
        %add3A_1401 = arith.addi %select_n3A_1399, %select_n3A_1400 : vector<16xi32>
        %shift_right_logical3A_1402 = arith.constant 1 : i32
        %shift_right_logical3A_1403 = vector.broadcast %shift_right_logical3A_1402 : i32 to vector<16xi32>
        %shift_right_logical3A_1404 = arith.shrui %add3A_1401, %shift_right_logical3A_1403 : vector<16xi32>
        %gather3A_1405 = tpu.vector_load_idx %arg8[%shift_right_logical3A_1404, %iota3A] : memref<128x16xf32, #tpu.memory_space<vmem>>[vector<16xi32>, vector<16xi32>], vector<16xf32>,
        %lt3A_1406 = arith.cmpf olt, %gather3A_1405, %gather3A_1374 : vector<16xf32>
        %add3A_1407 = arith.constant 1 : i32
        %add3A_1408 = vector.broadcast %add3A_1407 : i32 to vector<16xi32>
        %add3A_1409 = arith.addi %shift_right_logical3A_1404, %add3A_1408 : vector<16xi32>
        %select_n3A_1410 = arith.select %lt3A_1406, %add3A_1409, %select_n3A_1399 : vector<16xi1>, vector<16xi32>
        %select_n3A_1411 = arith.select %lt3A_1406, %select_n3A_1400, %shift_right_logical3A_1404 : vector<16xi1>, vector<16xi32>
        %add3A_1412 = arith.addi %select_n3A_1410, %select_n3A_1411 : vector<16xi32>
        %shift_right_logical3A_1413 = arith.constant 1 : i32
        %shift_right_logical3A_1414 = vector.broadcast %shift_right_logical3A_1413 : i32 to vector<16xi32>
        %shift_right_logical3A_1415 = arith.shrui %add3A_1412, %shift_right_logical3A_1414 : vector<16xi32>
        %gather3A_1416 = tpu.vector_load_idx %arg8[%shift_right_logical3A_1415, %iota3A] : memref<128x16xf32, #tpu.memory_space<vmem>>[vector<16xi32>, vector<16xi32>], vector<16xf32>,
        %lt3A_1417 = arith.cmpf olt, %gather3A_1416, %gather3A_1374 : vector<16xf32>
        %add3A_1418 = arith.constant 1 : i32
        %add3A_1419 = vector.broadcast %add3A_1418 : i32 to vector<16xi32>
        %add3A_1420 = arith.addi %shift_right_logical3A_1415, %add3A_1419 : vector<16xi32>
        %select_n3A_1421 = arith.select %lt3A_1417, %add3A_1420, %select_n3A_1410 : vector<16xi1>, vector<16xi32>
        %select_n3A_1422 = arith.select %lt3A_1417, %select_n3A_1411, %shift_right_logical3A_1415 : vector<16xi1>, vector<16xi32>
        %add3A_1423 = arith.addi %select_n3A_1421, %select_n3A_1422 : vector<16xi32>
        %shift_right_logical3A_1424 = arith.constant 1 : i32
        %shift_right_logical3A_1425 = vector.broadcast %shift_right_logical3A_1424 : i32 to vector<16xi32>
        %shift_right_logical3A_1426 = arith.shrui %add3A_1423, %shift_right_logical3A_1425 : vector<16xi32>
        %gather3A_1427 = tpu.vector_load_idx %arg8[%shift_right_logical3A_1426, %iota3A] : memref<128x16xf32, #tpu.memory_space<vmem>>[vector<16xi32>, vector<16xi32>], vector<16xf32>,
        %lt3A_1428 = arith.cmpf olt, %gather3A_1427, %gather3A_1374 : vector<16xf32>
        %add3A_1429 = arith.constant 1 : i32
        %add3A_1430 = vector.broadcast %add3A_1429 : i32 to vector<16xi32>
        %add3A_1431 = arith.addi %shift_right_logical3A_1426, %add3A_1430 : vector<16xi32>
        %select_n3A_1432 = arith.select %lt3A_1428, %add3A_1431, %select_n3A_1421 : vector<16xi1>, vector<16xi32>
        %select_n3A_1433 = arith.select %lt3A_1428, %select_n3A_1422, %shift_right_logical3A_1426 : vector<16xi1>, vector<16xi32>
        %add3A_1434 = arith.addi %select_n3A_1432, %select_n3A_1433 : vector<16xi32>
        %shift_right_logical3A_1435 = arith.constant 1 : i32
        %shift_right_logical3A_1436 = vector.broadcast %shift_right_logical3A_1435 : i32 to vector<16xi32>
        %shift_right_logical3A_1437 = arith.shrui %add3A_1434, %shift_right_logical3A_1436 : vector<16xi32>
        %gather3A_1438 = tpu.vector_load_idx %arg8[%shift_right_logical3A_1437, %iota3A] : memref<128x16xf32, #tpu.memory_space<vmem>>[vector<16xi32>, vector<16xi32>], vector<16xf32>,
        %lt3A_1439 = arith.cmpf olt, %gather3A_1438, %gather3A_1374 : vector<16xf32>
        %add3A_1440 = arith.constant 1 : i32
        %add3A_1441 = vector.broadcast %add3A_1440 : i32 to vector<16xi32>
        %add3A_1442 = arith.addi %shift_right_logical3A_1437, %add3A_1441 : vector<16xi32>
        %select_n3A_1443 = arith.select %lt3A_1439, %add3A_1442, %select_n3A_1432 : vector<16xi1>, vector<16xi32>
        %select_n3A_1444 = arith.select %lt3A_1439, %select_n3A_1433, %shift_right_logical3A_1437 : vector<16xi1>, vector<16xi32>
        %add3A_1445 = arith.addi %select_n3A_1443, %select_n3A_1444 : vector<16xi32>
        %shift_right_logical3A_1446 = arith.constant 1 : i32
        %shift_right_logical3A_1447 = vector.broadcast %shift_right_logical3A_1446 : i32 to vector<16xi32>
        %shift_right_logical3A_1448 = arith.shrui %add3A_1445, %shift_right_logical3A_1447 : vector<16xi32>
        %gather3A_1449 = tpu.vector_load_idx %arg8[%shift_right_logical3A_1448, %iota3A] : memref<128x16xf32, #tpu.memory_space<vmem>>[vector<16xi32>, vector<16xi32>], vector<16xf32>,
        %lt3A_1450 = arith.cmpf olt, %gather3A_1449, %gather3A_1374 : vector<16xf32>
        %add3A_1451 = arith.constant 1 : i32
        %add3A_1452 = vector.broadcast %add3A_1451 : i32 to vector<16xi32>
        %add3A_1453 = arith.addi %shift_right_logical3A_1448, %add3A_1452 : vector<16xi32>
        %select_n3A_1454 = arith.select %lt3A_1450, %add3A_1453, %select_n3A_1443 : vector<16xi1>, vector<16xi32>
        %select_n3A_1455 = arith.select %lt3A_1450, %select_n3A_1444, %shift_right_logical3A_1448 : vector<16xi1>, vector<16xi32>
        %sub3A_1456 = arith.constant 1 : i32
        %sub3A_1457 = vector.broadcast %sub3A_1456 : i32 to vector<16xi32>
        %sub3A_1458 = arith.subi %select_n3A_1454, %sub3A_1457 : vector<16xi32>
        %max3A_1459 = arith.constant 0 : i32
        %max3A_1460 = vector.broadcast %max3A_1459 : i32 to vector<16xi32>
        %max3A_1461 = arith.maxsi %sub3A_1458, %max3A_1460 : vector<16xi32>
        %min3A_1462 = arith.constant 126 : i32
        %min3A_1463 = vector.broadcast %min3A_1462 : i32 to vector<16xi32>
        %min3A_1464 = arith.minsi %select_n3A_1454, %min3A_1463 : vector<16xi32>
        %gather3A_1465 = tpu.vector_load_idx %arg8[%max3A_1461, %iota3A] : memref<128x16xf32, #tpu.memory_space<vmem>>[vector<16xi32>, vector<16xi32>], vector<16xf32>,
        %gather3A_1466 = tpu.vector_load_idx %arg8[%min3A_1464, %iota3A] : memref<128x16xf32, #tpu.memory_space<vmem>>[vector<16xi32>, vector<16xi32>], vector<16xf32>,
        %gather3A_1467 = tpu.vector_load_idx %arg6[%iota3A, %max3A_1461] : memref<16x128xf32, #tpu.memory_space<vmem>>[vector<16xi32>, vector<16xi32>], vector<16xf32>,
        %gather3A_1468 = tpu.vector_load_idx %arg6[%iota3A, %min3A_1464] : memref<16x128xf32, #tpu.memory_space<vmem>>[vector<16xi32>, vector<16xi32>], vector<16xf32>,
        %sub3A_1469 = arith.subf %gather3A_1466, %gather3A_1465 : vector<16xf32>
        %lt3A_1470 = arith.constant 9.99999974E-6 : f32
        %lt3A_1471 = vector.broadcast %lt3A_1470 : f32 to vector<16xf32>
        %lt3A_1472 = arith.cmpf olt, %sub3A_1469, %lt3A_1471 : vector<16xf32>
        %jit3A_1473 = arith.constant 1.000000e+00 : f32
        %broadcast_in_dim3A_1474 = vector.broadcast %jit3A_1473 : f32 to vector<16xf32>
        %select_n3A_1475 = arith.select %lt3A_1472, %broadcast_in_dim3A_1474, %sub3A_1469 : vector<16xi1>, vector<16xf32>
        %sub3A_1476 = arith.subf %gather3A_1374, %gather3A_1465 : vector<16xf32>
        %div3A_1477 = arith.divf %sub3A_1476, %select_n3A_1475 : vector<16xf32>
        %sub3A_1478 = arith.subf %gather3A_1468, %gather3A_1467 : vector<16xf32>
        %mul3A_1479 = arith.mulf %div3A_1477, %sub3A_1478 : vector<16xf32>
        %add3A_1480 = arith.addf %gather3A_1467, %mul3A_1479 : vector<16xf32>
        tpu.vector_store_idx %arg9[%iota3A, %broadcast_in_dim3A_1373], %add3A_1480 : memref<16x64xf32, #tpu.memory_space<vmem>>[vector<16xi32>, vector<16xi32>], vector<16xf32>,
        %mul3A_1481 = arith.constant 16 : i32
        %mul3A_1482 = arith.muli %scan3A_31, %mul3A_1481 : i32
        %add3A_1483 = arith.constant 13 : i32
        %add3A_1484 = arith.addi %mul3A_1482, %add3A_1483 : i32
        %broadcast_in_dim3A_1485 = vector.broadcast %add3A_1484 : i32 to vector<16xi32>
        %gather3A_1486 = tpu.vector_load_idx %arg10[%broadcast_in_dim3A_1485] : memref<64xf32, #tpu.memory_space<vmem>>[vector<16xi32>], vector<16xf32>,
        %broadcast_in_dim3A_1487 = arith.constant 0 : i32
        %broadcast_in_dim3A_1488 = vector.broadcast %broadcast_in_dim3A_1487 : i32 to vector<16xi32>
        %broadcast_in_dim3A_1489 = arith.constant 127 : i32
        %broadcast_in_dim3A_1490 = vector.broadcast %broadcast_in_dim3A_1489 : i32 to vector<16xi32>
        %add3A_1491 = arith.addi %broadcast_in_dim3A_1488, %broadcast_in_dim3A_1490 : vector<16xi32>
        %shift_right_logical3A_1492 = arith.constant 1 : i32
        %shift_right_logical3A_1493 = vector.broadcast %shift_right_logical3A_1492 : i32 to vector<16xi32>
        %shift_right_logical3A_1494 = arith.shrui %add3A_1491, %shift_right_logical3A_1493 : vector<16xi32>
        %gather3A_1495 = tpu.vector_load_idx %arg8[%shift_right_logical3A_1494, %iota3A] : memref<128x16xf32, #tpu.memory_space<vmem>>[vector<16xi32>, vector<16xi32>], vector<16xf32>,
        %lt3A_1496 = arith.cmpf olt, %gather3A_1495, %gather3A_1486 : vector<16xf32>
        %add3A_1497 = arith.constant 1 : i32
        %add3A_1498 = vector.broadcast %add3A_1497 : i32 to vector<16xi32>
        %add3A_1499 = arith.addi %shift_right_logical3A_1494, %add3A_1498 : vector<16xi32>
        %select_n3A_1500 = arith.select %lt3A_1496, %add3A_1499, %broadcast_in_dim3A_1488 : vector<16xi1>, vector<16xi32>
        %select_n3A_1501 = arith.select %lt3A_1496, %broadcast_in_dim3A_1490, %shift_right_logical3A_1494 : vector<16xi1>, vector<16xi32>
        %add3A_1502 = arith.addi %select_n3A_1500, %select_n3A_1501 : vector<16xi32>
        %shift_right_logical3A_1503 = arith.constant 1 : i32
        %shift_right_logical3A_1504 = vector.broadcast %shift_right_logical3A_1503 : i32 to vector<16xi32>
        %shift_right_logical3A_1505 = arith.shrui %add3A_1502, %shift_right_logical3A_1504 : vector<16xi32>
        %gather3A_1506 = tpu.vector_load_idx %arg8[%shift_right_logical3A_1505, %iota3A] : memref<128x16xf32, #tpu.memory_space<vmem>>[vector<16xi32>, vector<16xi32>], vector<16xf32>,
        %lt3A_1507 = arith.cmpf olt, %gather3A_1506, %gather3A_1486 : vector<16xf32>
        %add3A_1508 = arith.constant 1 : i32
        %add3A_1509 = vector.broadcast %add3A_1508 : i32 to vector<16xi32>
        %add3A_1510 = arith.addi %shift_right_logical3A_1505, %add3A_1509 : vector<16xi32>
        %select_n3A_1511 = arith.select %lt3A_1507, %add3A_1510, %select_n3A_1500 : vector<16xi1>, vector<16xi32>
        %select_n3A_1512 = arith.select %lt3A_1507, %select_n3A_1501, %shift_right_logical3A_1505 : vector<16xi1>, vector<16xi32>
        %add3A_1513 = arith.addi %select_n3A_1511, %select_n3A_1512 : vector<16xi32>
        %shift_right_logical3A_1514 = arith.constant 1 : i32
        %shift_right_logical3A_1515 = vector.broadcast %shift_right_logical3A_1514 : i32 to vector<16xi32>
        %shift_right_logical3A_1516 = arith.shrui %add3A_1513, %shift_right_logical3A_1515 : vector<16xi32>
        %gather3A_1517 = tpu.vector_load_idx %arg8[%shift_right_logical3A_1516, %iota3A] : memref<128x16xf32, #tpu.memory_space<vmem>>[vector<16xi32>, vector<16xi32>], vector<16xf32>,
        %lt3A_1518 = arith.cmpf olt, %gather3A_1517, %gather3A_1486 : vector<16xf32>
        %add3A_1519 = arith.constant 1 : i32
        %add3A_1520 = vector.broadcast %add3A_1519 : i32 to vector<16xi32>
        %add3A_1521 = arith.addi %shift_right_logical3A_1516, %add3A_1520 : vector<16xi32>
        %select_n3A_1522 = arith.select %lt3A_1518, %add3A_1521, %select_n3A_1511 : vector<16xi1>, vector<16xi32>
        %select_n3A_1523 = arith.select %lt3A_1518, %select_n3A_1512, %shift_right_logical3A_1516 : vector<16xi1>, vector<16xi32>
        %add3A_1524 = arith.addi %select_n3A_1522, %select_n3A_1523 : vector<16xi32>
        %shift_right_logical3A_1525 = arith.constant 1 : i32
        %shift_right_logical3A_1526 = vector.broadcast %shift_right_logical3A_1525 : i32 to vector<16xi32>
        %shift_right_logical3A_1527 = arith.shrui %add3A_1524, %shift_right_logical3A_1526 : vector<16xi32>
        %gather3A_1528 = tpu.vector_load_idx %arg8[%shift_right_logical3A_1527, %iota3A] : memref<128x16xf32, #tpu.memory_space<vmem>>[vector<16xi32>, vector<16xi32>], vector<16xf32>,
        %lt3A_1529 = arith.cmpf olt, %gather3A_1528, %gather3A_1486 : vector<16xf32>
        %add3A_1530 = arith.constant 1 : i32
        %add3A_1531 = vector.broadcast %add3A_1530 : i32 to vector<16xi32>
        %add3A_1532 = arith.addi %shift_right_logical3A_1527, %add3A_1531 : vector<16xi32>
        %select_n3A_1533 = arith.select %lt3A_1529, %add3A_1532, %select_n3A_1522 : vector<16xi1>, vector<16xi32>
        %select_n3A_1534 = arith.select %lt3A_1529, %select_n3A_1523, %shift_right_logical3A_1527 : vector<16xi1>, vector<16xi32>
        %add3A_1535 = arith.addi %select_n3A_1533, %select_n3A_1534 : vector<16xi32>
        %shift_right_logical3A_1536 = arith.constant 1 : i32
        %shift_right_logical3A_1537 = vector.broadcast %shift_right_logical3A_1536 : i32 to vector<16xi32>
        %shift_right_logical3A_1538 = arith.shrui %add3A_1535, %shift_right_logical3A_1537 : vector<16xi32>
        %gather3A_1539 = tpu.vector_load_idx %arg8[%shift_right_logical3A_1538, %iota3A] : memref<128x16xf32, #tpu.memory_space<vmem>>[vector<16xi32>, vector<16xi32>], vector<16xf32>,
        %lt3A_1540 = arith.cmpf olt, %gather3A_1539, %gather3A_1486 : vector<16xf32>
        %add3A_1541 = arith.constant 1 : i32
        %add3A_1542 = vector.broadcast %add3A_1541 : i32 to vector<16xi32>
        %add3A_1543 = arith.addi %shift_right_logical3A_1538, %add3A_1542 : vector<16xi32>
        %select_n3A_1544 = arith.select %lt3A_1540, %add3A_1543, %select_n3A_1533 : vector<16xi1>, vector<16xi32>
        %select_n3A_1545 = arith.select %lt3A_1540, %select_n3A_1534, %shift_right_logical3A_1538 : vector<16xi1>, vector<16xi32>
        %add3A_1546 = arith.addi %select_n3A_1544, %select_n3A_1545 : vector<16xi32>
        %shift_right_logical3A_1547 = arith.constant 1 : i32
        %shift_right_logical3A_1548 = vector.broadcast %shift_right_logical3A_1547 : i32 to vector<16xi32>
        %shift_right_logical3A_1549 = arith.shrui %add3A_1546, %shift_right_logical3A_1548 : vector<16xi32>
        %gather3A_1550 = tpu.vector_load_idx %arg8[%shift_right_logical3A_1549, %iota3A] : memref<128x16xf32, #tpu.memory_space<vmem>>[vector<16xi32>, vector<16xi32>], vector<16xf32>,
        %lt3A_1551 = arith.cmpf olt, %gather3A_1550, %gather3A_1486 : vector<16xf32>
        %add3A_1552 = arith.constant 1 : i32
        %add3A_1553 = vector.broadcast %add3A_1552 : i32 to vector<16xi32>
        %add3A_1554 = arith.addi %shift_right_logical3A_1549, %add3A_1553 : vector<16xi32>
        %select_n3A_1555 = arith.select %lt3A_1551, %add3A_1554, %select_n3A_1544 : vector<16xi1>, vector<16xi32>
        %select_n3A_1556 = arith.select %lt3A_1551, %select_n3A_1545, %shift_right_logical3A_1549 : vector<16xi1>, vector<16xi32>
        %add3A_1557 = arith.addi %select_n3A_1555, %select_n3A_1556 : vector<16xi32>
        %shift_right_logical3A_1558 = arith.constant 1 : i32
        %shift_right_logical3A_1559 = vector.broadcast %shift_right_logical3A_1558 : i32 to vector<16xi32>
        %shift_right_logical3A_1560 = arith.shrui %add3A_1557, %shift_right_logical3A_1559 : vector<16xi32>
        %gather3A_1561 = tpu.vector_load_idx %arg8[%shift_right_logical3A_1560, %iota3A] : memref<128x16xf32, #tpu.memory_space<vmem>>[vector<16xi32>, vector<16xi32>], vector<16xf32>,
        %lt3A_1562 = arith.cmpf olt, %gather3A_1561, %gather3A_1486 : vector<16xf32>
        %add3A_1563 = arith.constant 1 : i32
        %add3A_1564 = vector.broadcast %add3A_1563 : i32 to vector<16xi32>
        %add3A_1565 = arith.addi %shift_right_logical3A_1560, %add3A_1564 : vector<16xi32>
        %select_n3A_1566 = arith.select %lt3A_1562, %add3A_1565, %select_n3A_1555 : vector<16xi1>, vector<16xi32>
        %select_n3A_1567 = arith.select %lt3A_1562, %select_n3A_1556, %shift_right_logical3A_1560 : vector<16xi1>, vector<16xi32>
        %sub3A_1568 = arith.constant 1 : i32
        %sub3A_1569 = vector.broadcast %sub3A_1568 : i32 to vector<16xi32>
        %sub3A_1570 = arith.subi %select_n3A_1566, %sub3A_1569 : vector<16xi32>
        %max3A_1571 = arith.constant 0 : i32
        %max3A_1572 = vector.broadcast %max3A_1571 : i32 to vector<16xi32>
        %max3A_1573 = arith.maxsi %sub3A_1570, %max3A_1572 : vector<16xi32>
        %min3A_1574 = arith.constant 126 : i32
        %min3A_1575 = vector.broadcast %min3A_1574 : i32 to vector<16xi32>
        %min3A_1576 = arith.minsi %select_n3A_1566, %min3A_1575 : vector<16xi32>
        %gather3A_1577 = tpu.vector_load_idx %arg8[%max3A_1573, %iota3A] : memref<128x16xf32, #tpu.memory_space<vmem>>[vector<16xi32>, vector<16xi32>], vector<16xf32>,
        %gather3A_1578 = tpu.vector_load_idx %arg8[%min3A_1576, %iota3A] : memref<128x16xf32, #tpu.memory_space<vmem>>[vector<16xi32>, vector<16xi32>], vector<16xf32>,
        %gather3A_1579 = tpu.vector_load_idx %arg6[%iota3A, %max3A_1573] : memref<16x128xf32, #tpu.memory_space<vmem>>[vector<16xi32>, vector<16xi32>], vector<16xf32>,
        %gather3A_1580 = tpu.vector_load_idx %arg6[%iota3A, %min3A_1576] : memref<16x128xf32, #tpu.memory_space<vmem>>[vector<16xi32>, vector<16xi32>], vector<16xf32>,
        %sub3A_1581 = arith.subf %gather3A_1578, %gather3A_1577 : vector<16xf32>
        %lt3A_1582 = arith.constant 9.99999974E-6 : f32
        %lt3A_1583 = vector.broadcast %lt3A_1582 : f32 to vector<16xf32>
        %lt3A_1584 = arith.cmpf olt, %sub3A_1581, %lt3A_1583 : vector<16xf32>
        %jit3A_1585 = arith.constant 1.000000e+00 : f32
        %broadcast_in_dim3A_1586 = vector.broadcast %jit3A_1585 : f32 to vector<16xf32>
        %select_n3A_1587 = arith.select %lt3A_1584, %broadcast_in_dim3A_1586, %sub3A_1581 : vector<16xi1>, vector<16xf32>
        %sub3A_1588 = arith.subf %gather3A_1486, %gather3A_1577 : vector<16xf32>
        %div3A_1589 = arith.divf %sub3A_1588, %select_n3A_1587 : vector<16xf32>
        %sub3A_1590 = arith.subf %gather3A_1580, %gather3A_1579 : vector<16xf32>
        %mul3A_1591 = arith.mulf %div3A_1589, %sub3A_1590 : vector<16xf32>
        %add3A_1592 = arith.addf %gather3A_1579, %mul3A_1591 : vector<16xf32>
        tpu.vector_store_idx %arg9[%iota3A, %broadcast_in_dim3A_1485], %add3A_1592 : memref<16x64xf32, #tpu.memory_space<vmem>>[vector<16xi32>, vector<16xi32>], vector<16xf32>,
        %mul3A_1593 = arith.constant 16 : i32
        %mul3A_1594 = arith.muli %scan3A_31, %mul3A_1593 : i32
        %add3A_1595 = arith.constant 14 : i32
        %add3A_1596 = arith.addi %mul3A_1594, %add3A_1595 : i32
        %broadcast_in_dim3A_1597 = vector.broadcast %add3A_1596 : i32 to vector<16xi32>
        %gather3A_1598 = tpu.vector_load_idx %arg10[%broadcast_in_dim3A_1597] : memref<64xf32, #tpu.memory_space<vmem>>[vector<16xi32>], vector<16xf32>,
        %broadcast_in_dim3A_1599 = arith.constant 0 : i32
        %broadcast_in_dim3A_1600 = vector.broadcast %broadcast_in_dim3A_1599 : i32 to vector<16xi32>
        %broadcast_in_dim3A_1601 = arith.constant 127 : i32
        %broadcast_in_dim3A_1602 = vector.broadcast %broadcast_in_dim3A_1601 : i32 to vector<16xi32>
        %add3A_1603 = arith.addi %broadcast_in_dim3A_1600, %broadcast_in_dim3A_1602 : vector<16xi32>
        %shift_right_logical3A_1604 = arith.constant 1 : i32
        %shift_right_logical3A_1605 = vector.broadcast %shift_right_logical3A_1604 : i32 to vector<16xi32>
        %shift_right_logical3A_1606 = arith.shrui %add3A_1603, %shift_right_logical3A_1605 : vector<16xi32>
        %gather3A_1607 = tpu.vector_load_idx %arg8[%shift_right_logical3A_1606, %iota3A] : memref<128x16xf32, #tpu.memory_space<vmem>>[vector<16xi32>, vector<16xi32>], vector<16xf32>,
        %lt3A_1608 = arith.cmpf olt, %gather3A_1607, %gather3A_1598 : vector<16xf32>
        %add3A_1609 = arith.constant 1 : i32
        %add3A_1610 = vector.broadcast %add3A_1609 : i32 to vector<16xi32>
        %add3A_1611 = arith.addi %shift_right_logical3A_1606, %add3A_1610 : vector<16xi32>
        %select_n3A_1612 = arith.select %lt3A_1608, %add3A_1611, %broadcast_in_dim3A_1600 : vector<16xi1>, vector<16xi32>
        %select_n3A_1613 = arith.select %lt3A_1608, %broadcast_in_dim3A_1602, %shift_right_logical3A_1606 : vector<16xi1>, vector<16xi32>
        %add3A_1614 = arith.addi %select_n3A_1612, %select_n3A_1613 : vector<16xi32>
        %shift_right_logical3A_1615 = arith.constant 1 : i32
        %shift_right_logical3A_1616 = vector.broadcast %shift_right_logical3A_1615 : i32 to vector<16xi32>
        %shift_right_logical3A_1617 = arith.shrui %add3A_1614, %shift_right_logical3A_1616 : vector<16xi32>
        %gather3A_1618 = tpu.vector_load_idx %arg8[%shift_right_logical3A_1617, %iota3A] : memref<128x16xf32, #tpu.memory_space<vmem>>[vector<16xi32>, vector<16xi32>], vector<16xf32>,
        %lt3A_1619 = arith.cmpf olt, %gather3A_1618, %gather3A_1598 : vector<16xf32>
        %add3A_1620 = arith.constant 1 : i32
        %add3A_1621 = vector.broadcast %add3A_1620 : i32 to vector<16xi32>
        %add3A_1622 = arith.addi %shift_right_logical3A_1617, %add3A_1621 : vector<16xi32>
        %select_n3A_1623 = arith.select %lt3A_1619, %add3A_1622, %select_n3A_1612 : vector<16xi1>, vector<16xi32>
        %select_n3A_1624 = arith.select %lt3A_1619, %select_n3A_1613, %shift_right_logical3A_1617 : vector<16xi1>, vector<16xi32>
        %add3A_1625 = arith.addi %select_n3A_1623, %select_n3A_1624 : vector<16xi32>
        %shift_right_logical3A_1626 = arith.constant 1 : i32
        %shift_right_logical3A_1627 = vector.broadcast %shift_right_logical3A_1626 : i32 to vector<16xi32>
        %shift_right_logical3A_1628 = arith.shrui %add3A_1625, %shift_right_logical3A_1627 : vector<16xi32>
        %gather3A_1629 = tpu.vector_load_idx %arg8[%shift_right_logical3A_1628, %iota3A] : memref<128x16xf32, #tpu.memory_space<vmem>>[vector<16xi32>, vector<16xi32>], vector<16xf32>,
        %lt3A_1630 = arith.cmpf olt, %gather3A_1629, %gather3A_1598 : vector<16xf32>
        %add3A_1631 = arith.constant 1 : i32
        %add3A_1632 = vector.broadcast %add3A_1631 : i32 to vector<16xi32>
        %add3A_1633 = arith.addi %shift_right_logical3A_1628, %add3A_1632 : vector<16xi32>
        %select_n3A_1634 = arith.select %lt3A_1630, %add3A_1633, %select_n3A_1623 : vector<16xi1>, vector<16xi32>
        %select_n3A_1635 = arith.select %lt3A_1630, %select_n3A_1624, %shift_right_logical3A_1628 : vector<16xi1>, vector<16xi32>
        %add3A_1636 = arith.addi %select_n3A_1634, %select_n3A_1635 : vector<16xi32>
        %shift_right_logical3A_1637 = arith.constant 1 : i32
        %shift_right_logical3A_1638 = vector.broadcast %shift_right_logical3A_1637 : i32 to vector<16xi32>
        %shift_right_logical3A_1639 = arith.shrui %add3A_1636, %shift_right_logical3A_1638 : vector<16xi32>
        %gather3A_1640 = tpu.vector_load_idx %arg8[%shift_right_logical3A_1639, %iota3A] : memref<128x16xf32, #tpu.memory_space<vmem>>[vector<16xi32>, vector<16xi32>], vector<16xf32>,
        %lt3A_1641 = arith.cmpf olt, %gather3A_1640, %gather3A_1598 : vector<16xf32>
        %add3A_1642 = arith.constant 1 : i32
        %add3A_1643 = vector.broadcast %add3A_1642 : i32 to vector<16xi32>
        %add3A_1644 = arith.addi %shift_right_logical3A_1639, %add3A_1643 : vector<16xi32>
        %select_n3A_1645 = arith.select %lt3A_1641, %add3A_1644, %select_n3A_1634 : vector<16xi1>, vector<16xi32>
        %select_n3A_1646 = arith.select %lt3A_1641, %select_n3A_1635, %shift_right_logical3A_1639 : vector<16xi1>, vector<16xi32>
        %add3A_1647 = arith.addi %select_n3A_1645, %select_n3A_1646 : vector<16xi32>
        %shift_right_logical3A_1648 = arith.constant 1 : i32
        %shift_right_logical3A_1649 = vector.broadcast %shift_right_logical3A_1648 : i32 to vector<16xi32>
        %shift_right_logical3A_1650 = arith.shrui %add3A_1647, %shift_right_logical3A_1649 : vector<16xi32>
        %gather3A_1651 = tpu.vector_load_idx %arg8[%shift_right_logical3A_1650, %iota3A] : memref<128x16xf32, #tpu.memory_space<vmem>>[vector<16xi32>, vector<16xi32>], vector<16xf32>,
        %lt3A_1652 = arith.cmpf olt, %gather3A_1651, %gather3A_1598 : vector<16xf32>
        %add3A_1653 = arith.constant 1 : i32
        %add3A_1654 = vector.broadcast %add3A_1653 : i32 to vector<16xi32>
        %add3A_1655 = arith.addi %shift_right_logical3A_1650, %add3A_1654 : vector<16xi32>
        %select_n3A_1656 = arith.select %lt3A_1652, %add3A_1655, %select_n3A_1645 : vector<16xi1>, vector<16xi32>
        %select_n3A_1657 = arith.select %lt3A_1652, %select_n3A_1646, %shift_right_logical3A_1650 : vector<16xi1>, vector<16xi32>
        %add3A_1658 = arith.addi %select_n3A_1656, %select_n3A_1657 : vector<16xi32>
        %shift_right_logical3A_1659 = arith.constant 1 : i32
        %shift_right_logical3A_1660 = vector.broadcast %shift_right_logical3A_1659 : i32 to vector<16xi32>
        %shift_right_logical3A_1661 = arith.shrui %add3A_1658, %shift_right_logical3A_1660 : vector<16xi32>
        %gather3A_1662 = tpu.vector_load_idx %arg8[%shift_right_logical3A_1661, %iota3A] : memref<128x16xf32, #tpu.memory_space<vmem>>[vector<16xi32>, vector<16xi32>], vector<16xf32>,
        %lt3A_1663 = arith.cmpf olt, %gather3A_1662, %gather3A_1598 : vector<16xf32>
        %add3A_1664 = arith.constant 1 : i32
        %add3A_1665 = vector.broadcast %add3A_1664 : i32 to vector<16xi32>
        %add3A_1666 = arith.addi %shift_right_logical3A_1661, %add3A_1665 : vector<16xi32>
        %select_n3A_1667 = arith.select %lt3A_1663, %add3A_1666, %select_n3A_1656 : vector<16xi1>, vector<16xi32>
        %select_n3A_1668 = arith.select %lt3A_1663, %select_n3A_1657, %shift_right_logical3A_1661 : vector<16xi1>, vector<16xi32>
        %add3A_1669 = arith.addi %select_n3A_1667, %select_n3A_1668 : vector<16xi32>
        %shift_right_logical3A_1670 = arith.constant 1 : i32
        %shift_right_logical3A_1671 = vector.broadcast %shift_right_logical3A_1670 : i32 to vector<16xi32>
        %shift_right_logical3A_1672 = arith.shrui %add3A_1669, %shift_right_logical3A_1671 : vector<16xi32>
        %gather3A_1673 = tpu.vector_load_idx %arg8[%shift_right_logical3A_1672, %iota3A] : memref<128x16xf32, #tpu.memory_space<vmem>>[vector<16xi32>, vector<16xi32>], vector<16xf32>,
        %lt3A_1674 = arith.cmpf olt, %gather3A_1673, %gather3A_1598 : vector<16xf32>
        %add3A_1675 = arith.constant 1 : i32
        %add3A_1676 = vector.broadcast %add3A_1675 : i32 to vector<16xi32>
        %add3A_1677 = arith.addi %shift_right_logical3A_1672, %add3A_1676 : vector<16xi32>
        %select_n3A_1678 = arith.select %lt3A_1674, %add3A_1677, %select_n3A_1667 : vector<16xi1>, vector<16xi32>
        %select_n3A_1679 = arith.select %lt3A_1674, %select_n3A_1668, %shift_right_logical3A_1672 : vector<16xi1>, vector<16xi32>
        %sub3A_1680 = arith.constant 1 : i32
        %sub3A_1681 = vector.broadcast %sub3A_1680 : i32 to vector<16xi32>
        %sub3A_1682 = arith.subi %select_n3A_1678, %sub3A_1681 : vector<16xi32>
        %max3A_1683 = arith.constant 0 : i32
        %max3A_1684 = vector.broadcast %max3A_1683 : i32 to vector<16xi32>
        %max3A_1685 = arith.maxsi %sub3A_1682, %max3A_1684 : vector<16xi32>
        %min3A_1686 = arith.constant 126 : i32
        %min3A_1687 = vector.broadcast %min3A_1686 : i32 to vector<16xi32>
        %min3A_1688 = arith.minsi %select_n3A_1678, %min3A_1687 : vector<16xi32>
        %gather3A_1689 = tpu.vector_load_idx %arg8[%max3A_1685, %iota3A] : memref<128x16xf32, #tpu.memory_space<vmem>>[vector<16xi32>, vector<16xi32>], vector<16xf32>,
        %gather3A_1690 = tpu.vector_load_idx %arg8[%min3A_1688, %iota3A] : memref<128x16xf32, #tpu.memory_space<vmem>>[vector<16xi32>, vector<16xi32>], vector<16xf32>,
        %gather3A_1691 = tpu.vector_load_idx %arg6[%iota3A, %max3A_1685] : memref<16x128xf32, #tpu.memory_space<vmem>>[vector<16xi32>, vector<16xi32>], vector<16xf32>,
        %gather3A_1692 = tpu.vector_load_idx %arg6[%iota3A, %min3A_1688] : memref<16x128xf32, #tpu.memory_space<vmem>>[vector<16xi32>, vector<16xi32>], vector<16xf32>,
        %sub3A_1693 = arith.subf %gather3A_1690, %gather3A_1689 : vector<16xf32>
        %lt3A_1694 = arith.constant 9.99999974E-6 : f32
        %lt3A_1695 = vector.broadcast %lt3A_1694 : f32 to vector<16xf32>
        %lt3A_1696 = arith.cmpf olt, %sub3A_1693, %lt3A_1695 : vector<16xf32>
        %jit3A_1697 = arith.constant 1.000000e+00 : f32
        %broadcast_in_dim3A_1698 = vector.broadcast %jit3A_1697 : f32 to vector<16xf32>
        %select_n3A_1699 = arith.select %lt3A_1696, %broadcast_in_dim3A_1698, %sub3A_1693 : vector<16xi1>, vector<16xf32>
        %sub3A_1700 = arith.subf %gather3A_1598, %gather3A_1689 : vector<16xf32>
        %div3A_1701 = arith.divf %sub3A_1700, %select_n3A_1699 : vector<16xf32>
        %sub3A_1702 = arith.subf %gather3A_1692, %gather3A_1691 : vector<16xf32>
        %mul3A_1703 = arith.mulf %div3A_1701, %sub3A_1702 : vector<16xf32>
        %add3A_1704 = arith.addf %gather3A_1691, %mul3A_1703 : vector<16xf32>
        tpu.vector_store_idx %arg9[%iota3A, %broadcast_in_dim3A_1597], %add3A_1704 : memref<16x64xf32, #tpu.memory_space<vmem>>[vector<16xi32>, vector<16xi32>], vector<16xf32>,
        %mul3A_1705 = arith.constant 16 : i32
        %mul3A_1706 = arith.muli %scan3A_31, %mul3A_1705 : i32
        %add3A_1707 = arith.constant 15 : i32
        %add3A_1708 = arith.addi %mul3A_1706, %add3A_1707 : i32
        %broadcast_in_dim3A_1709 = vector.broadcast %add3A_1708 : i32 to vector<16xi32>
        %gather3A_1710 = tpu.vector_load_idx %arg10[%broadcast_in_dim3A_1709] : memref<64xf32, #tpu.memory_space<vmem>>[vector<16xi32>], vector<16xf32>,
        %broadcast_in_dim3A_1711 = arith.constant 0 : i32
        %broadcast_in_dim3A_1712 = vector.broadcast %broadcast_in_dim3A_1711 : i32 to vector<16xi32>
        %broadcast_in_dim3A_1713 = arith.constant 127 : i32
        %broadcast_in_dim3A_1714 = vector.broadcast %broadcast_in_dim3A_1713 : i32 to vector<16xi32>
        %add3A_1715 = arith.addi %broadcast_in_dim3A_1712, %broadcast_in_dim3A_1714 : vector<16xi32>
        %shift_right_logical3A_1716 = arith.constant 1 : i32
        %shift_right_logical3A_1717 = vector.broadcast %shift_right_logical3A_1716 : i32 to vector<16xi32>
        %shift_right_logical3A_1718 = arith.shrui %add3A_1715, %shift_right_logical3A_1717 : vector<16xi32>
        %gather3A_1719 = tpu.vector_load_idx %arg8[%shift_right_logical3A_1718, %iota3A] : memref<128x16xf32, #tpu.memory_space<vmem>>[vector<16xi32>, vector<16xi32>], vector<16xf32>,
        %lt3A_1720 = arith.cmpf olt, %gather3A_1719, %gather3A_1710 : vector<16xf32>
        %add3A_1721 = arith.constant 1 : i32
        %add3A_1722 = vector.broadcast %add3A_1721 : i32 to vector<16xi32>
        %add3A_1723 = arith.addi %shift_right_logical3A_1718, %add3A_1722 : vector<16xi32>
        %select_n3A_1724 = arith.select %lt3A_1720, %add3A_1723, %broadcast_in_dim3A_1712 : vector<16xi1>, vector<16xi32>
        %select_n3A_1725 = arith.select %lt3A_1720, %broadcast_in_dim3A_1714, %shift_right_logical3A_1718 : vector<16xi1>, vector<16xi32>
        %add3A_1726 = arith.addi %select_n3A_1724, %select_n3A_1725 : vector<16xi32>
        %shift_right_logical3A_1727 = arith.constant 1 : i32
        %shift_right_logical3A_1728 = vector.broadcast %shift_right_logical3A_1727 : i32 to vector<16xi32>
        %shift_right_logical3A_1729 = arith.shrui %add3A_1726, %shift_right_logical3A_1728 : vector<16xi32>
        %gather3A_1730 = tpu.vector_load_idx %arg8[%shift_right_logical3A_1729, %iota3A] : memref<128x16xf32, #tpu.memory_space<vmem>>[vector<16xi32>, vector<16xi32>], vector<16xf32>,
        %lt3A_1731 = arith.cmpf olt, %gather3A_1730, %gather3A_1710 : vector<16xf32>
        %add3A_1732 = arith.constant 1 : i32
        %add3A_1733 = vector.broadcast %add3A_1732 : i32 to vector<16xi32>
        %add3A_1734 = arith.addi %shift_right_logical3A_1729, %add3A_1733 : vector<16xi32>
        %select_n3A_1735 = arith.select %lt3A_1731, %add3A_1734, %select_n3A_1724 : vector<16xi1>, vector<16xi32>
        %select_n3A_1736 = arith.select %lt3A_1731, %select_n3A_1725, %shift_right_logical3A_1729 : vector<16xi1>, vector<16xi32>
        %add3A_1737 = arith.addi %select_n3A_1735, %select_n3A_1736 : vector<16xi32>
        %shift_right_logical3A_1738 = arith.constant 1 : i32
        %shift_right_logical3A_1739 = vector.broadcast %shift_right_logical3A_1738 : i32 to vector<16xi32>
        %shift_right_logical3A_1740 = arith.shrui %add3A_1737, %shift_right_logical3A_1739 : vector<16xi32>
        %gather3A_1741 = tpu.vector_load_idx %arg8[%shift_right_logical3A_1740, %iota3A] : memref<128x16xf32, #tpu.memory_space<vmem>>[vector<16xi32>, vector<16xi32>], vector<16xf32>,
        %lt3A_1742 = arith.cmpf olt, %gather3A_1741, %gather3A_1710 : vector<16xf32>
        %add3A_1743 = arith.constant 1 : i32
        %add3A_1744 = vector.broadcast %add3A_1743 : i32 to vector<16xi32>
        %add3A_1745 = arith.addi %shift_right_logical3A_1740, %add3A_1744 : vector<16xi32>
        %select_n3A_1746 = arith.select %lt3A_1742, %add3A_1745, %select_n3A_1735 : vector<16xi1>, vector<16xi32>
        %select_n3A_1747 = arith.select %lt3A_1742, %select_n3A_1736, %shift_right_logical3A_1740 : vector<16xi1>, vector<16xi32>
        %add3A_1748 = arith.addi %select_n3A_1746, %select_n3A_1747 : vector<16xi32>
        %shift_right_logical3A_1749 = arith.constant 1 : i32
        %shift_right_logical3A_1750 = vector.broadcast %shift_right_logical3A_1749 : i32 to vector<16xi32>
        %shift_right_logical3A_1751 = arith.shrui %add3A_1748, %shift_right_logical3A_1750 : vector<16xi32>
        %gather3A_1752 = tpu.vector_load_idx %arg8[%shift_right_logical3A_1751, %iota3A] : memref<128x16xf32, #tpu.memory_space<vmem>>[vector<16xi32>, vector<16xi32>], vector<16xf32>,
        %lt3A_1753 = arith.cmpf olt, %gather3A_1752, %gather3A_1710 : vector<16xf32>
        %add3A_1754 = arith.constant 1 : i32
        %add3A_1755 = vector.broadcast %add3A_1754 : i32 to vector<16xi32>
        %add3A_1756 = arith.addi %shift_right_logical3A_1751, %add3A_1755 : vector<16xi32>
        %select_n3A_1757 = arith.select %lt3A_1753, %add3A_1756, %select_n3A_1746 : vector<16xi1>, vector<16xi32>
        %select_n3A_1758 = arith.select %lt3A_1753, %select_n3A_1747, %shift_right_logical3A_1751 : vector<16xi1>, vector<16xi32>
        %add3A_1759 = arith.addi %select_n3A_1757, %select_n3A_1758 : vector<16xi32>
        %shift_right_logical3A_1760 = arith.constant 1 : i32
        %shift_right_logical3A_1761 = vector.broadcast %shift_right_logical3A_1760 : i32 to vector<16xi32>
        %shift_right_logical3A_1762 = arith.shrui %add3A_1759, %shift_right_logical3A_1761 : vector<16xi32>
        %gather3A_1763 = tpu.vector_load_idx %arg8[%shift_right_logical3A_1762, %iota3A] : memref<128x16xf32, #tpu.memory_space<vmem>>[vector<16xi32>, vector<16xi32>], vector<16xf32>,
        %lt3A_1764 = arith.cmpf olt, %gather3A_1763, %gather3A_1710 : vector<16xf32>
        %add3A_1765 = arith.constant 1 : i32
        %add3A_1766 = vector.broadcast %add3A_1765 : i32 to vector<16xi32>
        %add3A_1767 = arith.addi %shift_right_logical3A_1762, %add3A_1766 : vector<16xi32>
        %select_n3A_1768 = arith.select %lt3A_1764, %add3A_1767, %select_n3A_1757 : vector<16xi1>, vector<16xi32>
        %select_n3A_1769 = arith.select %lt3A_1764, %select_n3A_1758, %shift_right_logical3A_1762 : vector<16xi1>, vector<16xi32>
        %add3A_1770 = arith.addi %select_n3A_1768, %select_n3A_1769 : vector<16xi32>
        %shift_right_logical3A_1771 = arith.constant 1 : i32
        %shift_right_logical3A_1772 = vector.broadcast %shift_right_logical3A_1771 : i32 to vector<16xi32>
        %shift_right_logical3A_1773 = arith.shrui %add3A_1770, %shift_right_logical3A_1772 : vector<16xi32>
        %gather3A_1774 = tpu.vector_load_idx %arg8[%shift_right_logical3A_1773, %iota3A] : memref<128x16xf32, #tpu.memory_space<vmem>>[vector<16xi32>, vector<16xi32>], vector<16xf32>,
        %lt3A_1775 = arith.cmpf olt, %gather3A_1774, %gather3A_1710 : vector<16xf32>
        %add3A_1776 = arith.constant 1 : i32
        %add3A_1777 = vector.broadcast %add3A_1776 : i32 to vector<16xi32>
        %add3A_1778 = arith.addi %shift_right_logical3A_1773, %add3A_1777 : vector<16xi32>
        %select_n3A_1779 = arith.select %lt3A_1775, %add3A_1778, %select_n3A_1768 : vector<16xi1>, vector<16xi32>
        %select_n3A_1780 = arith.select %lt3A_1775, %select_n3A_1769, %shift_right_logical3A_1773 : vector<16xi1>, vector<16xi32>
        %add3A_1781 = arith.addi %select_n3A_1779, %select_n3A_1780 : vector<16xi32>
        %shift_right_logical3A_1782 = arith.constant 1 : i32
        %shift_right_logical3A_1783 = vector.broadcast %shift_right_logical3A_1782 : i32 to vector<16xi32>
        %shift_right_logical3A_1784 = arith.shrui %add3A_1781, %shift_right_logical3A_1783 : vector<16xi32>
        %gather3A_1785 = tpu.vector_load_idx %arg8[%shift_right_logical3A_1784, %iota3A] : memref<128x16xf32, #tpu.memory_space<vmem>>[vector<16xi32>, vector<16xi32>], vector<16xf32>,
        %lt3A_1786 = arith.cmpf olt, %gather3A_1785, %gather3A_1710 : vector<16xf32>
        %add3A_1787 = arith.constant 1 : i32
        %add3A_1788 = vector.broadcast %add3A_1787 : i32 to vector<16xi32>
        %add3A_1789 = arith.addi %shift_right_logical3A_1784, %add3A_1788 : vector<16xi32>
        %select_n3A_1790 = arith.select %lt3A_1786, %add3A_1789, %select_n3A_1779 : vector<16xi1>, vector<16xi32>
        %select_n3A_1791 = arith.select %lt3A_1786, %select_n3A_1780, %shift_right_logical3A_1784 : vector<16xi1>, vector<16xi32>
        %sub3A_1792 = arith.constant 1 : i32
        %sub3A_1793 = vector.broadcast %sub3A_1792 : i32 to vector<16xi32>
        %sub3A_1794 = arith.subi %select_n3A_1790, %sub3A_1793 : vector<16xi32>
        %max3A_1795 = arith.constant 0 : i32
        %max3A_1796 = vector.broadcast %max3A_1795 : i32 to vector<16xi32>
        %max3A_1797 = arith.maxsi %sub3A_1794, %max3A_1796 : vector<16xi32>
        %min3A_1798 = arith.constant 126 : i32
        %min3A_1799 = vector.broadcast %min3A_1798 : i32 to vector<16xi32>
        %min3A_1800 = arith.minsi %select_n3A_1790, %min3A_1799 : vector<16xi32>
        %gather3A_1801 = tpu.vector_load_idx %arg8[%max3A_1797, %iota3A] : memref<128x16xf32, #tpu.memory_space<vmem>>[vector<16xi32>, vector<16xi32>], vector<16xf32>,
        %gather3A_1802 = tpu.vector_load_idx %arg8[%min3A_1800, %iota3A] : memref<128x16xf32, #tpu.memory_space<vmem>>[vector<16xi32>, vector<16xi32>], vector<16xf32>,
        %gather3A_1803 = tpu.vector_load_idx %arg6[%iota3A, %max3A_1797] : memref<16x128xf32, #tpu.memory_space<vmem>>[vector<16xi32>, vector<16xi32>], vector<16xf32>,
        %gather3A_1804 = tpu.vector_load_idx %arg6[%iota3A, %min3A_1800] : memref<16x128xf32, #tpu.memory_space<vmem>>[vector<16xi32>, vector<16xi32>], vector<16xf32>,
        %sub3A_1805 = arith.subf %gather3A_1802, %gather3A_1801 : vector<16xf32>
        %lt3A_1806 = arith.constant 9.99999974E-6 : f32
        %lt3A_1807 = vector.broadcast %lt3A_1806 : f32 to vector<16xf32>
        %lt3A_1808 = arith.cmpf olt, %sub3A_1805, %lt3A_1807 : vector<16xf32>
        %jit3A_1809 = arith.constant 1.000000e+00 : f32
        %broadcast_in_dim3A_1810 = vector.broadcast %jit3A_1809 : f32 to vector<16xf32>
        %select_n3A_1811 = arith.select %lt3A_1808, %broadcast_in_dim3A_1810, %sub3A_1805 : vector<16xi1>, vector<16xf32>
        %sub3A_1812 = arith.subf %gather3A_1710, %gather3A_1801 : vector<16xf32>
        %div3A_1813 = arith.divf %sub3A_1812, %select_n3A_1811 : vector<16xf32>
        %sub3A_1814 = arith.subf %gather3A_1804, %gather3A_1803 : vector<16xf32>
        %mul3A_1815 = arith.mulf %div3A_1813, %sub3A_1814 : vector<16xf32>
        %add3A_1816 = arith.addf %gather3A_1803, %mul3A_1815 : vector<16xf32>
        tpu.vector_store_idx %arg9[%iota3A, %broadcast_in_dim3A_1709], %add3A_1816 : memref<16x64xf32, #tpu.memory_space<vmem>>[vector<16xi32>, vector<16xi32>], vector<16xf32>,
        %scan3A_1817 = arith.constant 0 : i32
        scf.yield %scan3A_1817 : i32
      }
      %scan3A_29 = arith.constant 4 : i32
      "tpu.region"() ({
        %run_scoped3A = tpu.sem_alloc : memref<!tpu.dma_semaphore, #tpu.memory_space<semaphore_mem>>
        %dma_start3A = arith.constant 0 : i32
        %dma_start3A_31 = tpu.memref_slice %arg5[%add3A_14, %dma_start3A] : memref<65536x64xf32, #tpu.memory_space<hbm>> -> memref<16x64xf32, #tpu.memory_space<hbm>>
        %dma_start3A_32 = arith.constant 0 : i32
        %dma_start3A_33 = tpu.memref_slice %arg5[%add3A_14, %dma_start3A_32] : memref<65536x64xf32, #tpu.memory_space<hbm>> -> memref<16x64xf32, #tpu.memory_space<hbm>>
        tpu.enqueue_dma source(%arg9 : memref<16x64xf32, #tpu.memory_space<vmem>>) target(%dma_start3A_33 : memref<16x64xf32, #tpu.memory_space<hbm>>) target_semaphore(%run_scoped3A : memref<!tpu.dma_semaphore, #tpu.memory_space<semaphore_mem>>)
        %dma_wait3A = arith.constant 0 : i32
        %dma_wait3A_34 = tpu.memref_slice %arg5[%add3A_14, %dma_wait3A] : memref<65536x64xf32, #tpu.memory_space<hbm>> -> memref<16x64xf32, #tpu.memory_space<hbm>>
        %dma_wait3A_35 = arith.constant 0 : i32
        %dma_wait3A_36 = tpu.memref_slice %arg5[%add3A_14, %dma_wait3A_35] : memref<65536x64xf32, #tpu.memory_space<hbm>> -> memref<16x64xf32, #tpu.memory_space<hbm>>
        tpu.wait_dma2 semaphore(%run_scoped3A : memref<!tpu.dma_semaphore, #tpu.memory_space<semaphore_mem>>) src(%arg9 : memref<16x64xf32, #tpu.memory_space<vmem>>) dst(%dma_wait3A_36 : memref<16x64xf32, #tpu.memory_space<hbm>>)
        tpu.yield
      }) : () -> ()
      %scan3A_30 = arith.constant 0 : i32
      scf.yield %scan3A_30 : i32
    }
    %scan3A_7 = arith.constant 128 : i32
    return
  }
}

</mosaic_0001>

<sc_bundles>
// kernel: kernel.3.cloned.1.call-start
scs
__scs_entry_jumppad:
0x0: {  	(pc) =	sbr.rel $0x88, $3  }
0x1: {  	(tag) =	ssettag $0x0;
	lr =	simm.s32 $0x1  }
0x2: {  	[smem:$0x3F9F] =	sst lr;
	_ =	strace $0xD0000000  }
0x3: {  	_ = 	snop  }
0x4: {  	_ = 	snop  }
0x5: {  	_ = 	snop  }
0x6: {  	_ = 	snop  }
0x7: {  	_ = 	snop  }
__scs_overlays_trampoline_lowered:
0x8: {  	[smem:$0x3FAE] =	sst s0  }
0x9: {  	[smem:$0x3FAF] =	sst s1  }
0xa: {  	[smem:$0x3FB0] =	sst s2  }
0xb: {  	[smem:$0x3FB1] =	sst s3  }
0xc: {  	[smem:$0x3FB2] =	sst s4  }
0xd: {  	[smem:$0x3FB3] =	sst s5  }
0xe: {  	[smem:$0x3FB4] =	sst s6  }
0xf: {  	[smem:$0x3FB5] =	sst s7  }
0x10: {  	[smem:$0x3FB6] =	sst s8  }
0x11: {  	[smem:$0x3FB7] =	sst s9;
	s0 =	simm.s32 @!p0 $0x0  }
0x12: {  	s1 =	sld [smem:$0x3F9D];
	s0 =	simm.s32 @p0 $0x1  }
0x13: {  	[smem:$0x3FB8] =	sst s0;
	s0 =	simm.s32 @!p1 $0x0  }
0x14: {  	s2 =	sld [smem:$0x3F9C];
	s0 =	simm.s32 @p1 $0x1  }
0x15: {  	[smem:$0x3FB9] =	sst s0;
	s0 =	simm.s32 @!p2 $0x0  }
0x16: {  	s3 =	sld [smem:$0x3FDB];
	s0 =	simm.s32 @p2 $0x1  }
0x17: {  	s4 =	simm.s32 $0x1BF5;
	[smem:$0x3FBB] =	sst s0  }
0x18: {  	s0 =	sld [smem:$0x3F9E];
	_ =	swait.ge [sflag:s4], $0x0  }
0x19: {  	s7 =	sld [smem:$0x3F9F]  }
0x1a: {  	s8 =	sadd.s32 $0xFFFFE003, lr  }
0x1b: {  	s9 =	sadd.s32 $0xFFFFFEF7, lr;
	s5 =	simm.s32 $0xFFFFFFFF;
	p2 =	slt.u32 s8, $0xFFFFF086  }
0x1c: {  	p1 =	slt.u32 s9, $0xF7A;
	s5 =	simm.s32 @!p2 $0x0  }
0x1d: {  	s5 =	simm.s32 @p1 $0x1;
	p0 =	seq.s32 s7, s2  }
0x1e: {  	s7 =	smul.u32 @!p0 $0xF7A, s2;
	p2 =	seq.s32 @!p0 s5, $0x0  }
0x1f: {  	s9 =	smul.u32 $0xF7A, s1;
	s8 =	simm.s32 @!p0 $0x1BF5;
	p2 =	por !p2, p0  }
0x20: {  	[sflag:s8] =	ssyncset.s32 @!p0 $0xFFFFF086;
	s6 =	sadd.s32 @!p0 s3, s7;
	s7 =	simm.s32 @!p0 $0x108  }
0x21: {  	s3 =	sadd.s32 s3, s9;
	s6 =	sadd.s32 @!p0 $0x88, s6;
	s7 =	simm.s32 @p2 $0x1082  }
0x22: {  	[simem:s7], [sflag:s8] =	dma.local @!p0 [hbm:s6], $0xF7A  }
0x23: {  	s9 =	sor.u32 $0xD0000000, s2;
	s6 =	simm.s32 $0x108;
	_ =	swait.ge @!p0 [sflag:s8], $0x0  }
0x24: {  	s3 =	sadd.s32 $0x88, s3;
	s6 =	simm.s32 @!p1 $0x1082;
	[sflag:s4] =	ssyncset.s32 $0xFFFFF086  }
0x25: {  	[simem:s6], [sflag:s4] =	dma.local [hbm:s3], $0xF7A  }
0x26: {  	[smem:$0x3F9F] =	sst s1;
	(tag) =	ssettag s2;
	_ =	strace s9  }
0x27: {  	s1 =	sld [smem:$0x3FAF]  }
0x28: {  	s2 =	sld [smem:$0x3FB0]  }
0x29: {  	s4 =	sld [smem:$0x3FB2]  }
0x2a: {  	p0 =	seq.s32 s5, $0x0;
	s5 =	sld [smem:$0x3FB3]  }
0x2b: {  	s6 =	sld [smem:$0x3FB4]  }
0x2c: {  	s7 =	sld [smem:$0x3FB5]  }
0x2d: {  	s3 =	simm.s32 $0x108;
	s8 =	sld [smem:$0x3FB6]  }
0x2e: {  	s3 =	simm.s32 @!p0 $0x1082;
	s9 =	sld [smem:$0x3FB7]  }
0x2f: {  	lr =	sadd.s32 s0, s3;
	s0 =	sld [smem:$0x3FAE]  }
0x30: {  	s3 =	sld [smem:$0x3FB1]  }
0x31: {  	[smem:$0x3FBA] =	sst s10  }
0x32: {  	s10 =	sld [smem:$0x3FB8];
	_ =	sdelay $0x3  }
0x33: {  	p0 =	seq.s32 s10, $0x1;
	s10 =	sld [smem:$0x3FBA];
	_ =	sdelay $0x3  }
0x34: {  	[smem:$0x3FBA] =	sst s10  }
0x35: {  	s10 =	sld [smem:$0x3FB9];
	_ =	sdelay $0x3  }
0x36: {  	p1 =	seq.s32 s10, $0x1;
	s10 =	sld [smem:$0x3FBA];
	_ =	sdelay $0x3  }
0x37: {  	[smem:$0x3FBA] =	sst s10  }
0x38: {  	s10 =	sld [smem:$0x3FBB]  }
0x39: {  	_ = 	snop;
	(pc) =	sbr.ind lr, $3  }
0x3a: {  	_ = 	snop  }
0x3b: {  	_ = 	snop  }
0x3c: {  	p2 =	seq.s32 s10, $0x1;
	s10 =	sld [smem:$0x3FBA]  }
0x3d: {  	_ =	shalt  }
0x3e: {  	_ =	shalt  }
0x3f: {  	_ =	shalt  }
0x40: {  	_ =	shalt  }
0x41: {  	_ =	shalt  }
0x42: {  	_ =	shalt  }
0x43: {  	_ =	shalt  }
0x44: {  	_ =	shalt  }
0x45: {  	_ =	shalt  }
0x46: {  	_ =	shalt  }
0x47: {  	_ =	shalt  }
0x48: {  	_ =	shalt  }
0x49: {  	_ =	shalt  }
0x4a: {  	_ =	shalt  }
0x4b: {  	_ =	shalt  }
0x4c: {  	_ =	shalt  }
0x4d: {  	_ =	shalt  }
0x4e: {  	_ =	shalt  }
0x4f: {  	_ =	shalt  }
0x50: {  	_ =	shalt  }
0x51: {  	_ =	shalt  }
0x52: {  	_ =	shalt  }
0x53: {  	_ =	shalt  }
0x54: {  	_ =	shalt  }
0x55: {  	_ =	shalt  }
0x56: {  	_ =	shalt  }
0x57: {  	_ =	shalt  }
0x58: {  	_ =	shalt  }
0x59: {  	_ =	shalt  }
0x5a: {  	_ =	shalt  }
0x5b: {  	_ =	shalt  }
0x5c: {  	_ =	shalt  }
0x5d: {  	_ =	shalt  }
0x5e: {  	_ =	shalt  }
0x5f: {  	_ =	shalt  }
0x60: {  	_ =	shalt  }
0x61: {  	_ =	shalt  }
0x62: {  	_ =	shalt  }
0x63: {  	_ =	shalt  }
0x64: {  	_ =	shalt  }
0x65: {  	_ =	shalt  }
0x66: {  	_ =	shalt  }
0x67: {  	_ =	shalt  }
0x68: {  	_ =	shalt  }
0x69: {  	_ =	shalt  }
0x6a: {  	_ =	shalt  }
0x6b: {  	_ =	shalt  }
0x6c: {  	_ =	shalt  }
0x6d: {  	_ =	shalt  }
0x6e: {  	_ =	shalt  }
0x6f: {  	_ =	shalt  }
0x70: {  	_ =	shalt  }
0x71: {  	_ =	shalt  }
0x72: {  	_ =	shalt  }
0x73: {  	_ =	shalt  }
0x74: {  	_ =	shalt  }
0x75: {  	_ =	shalt  }
0x76: {  	_ =	shalt  }
0x77: {  	_ =	shalt  }
0x78: {  	_ =	shalt  }
0x79: {  	_ =	shalt  }
0x7a: {  	_ =	shalt  }
0x7b: {  	_ =	shalt  }
0x7c: {  	_ =	shalt  }
0x7d: {  	_ =	shalt  }
0x7e: {  	_ =	shalt  }
0x7f: {  	_ =	shalt  }
0x80: {  	_ =	shalt  }
0x81: {  	_ =	shalt  }
0x82: {  	_ =	shalt  }
0x83: {  	_ =	shalt  }
0x84: {  	_ =	shalt  }
0x85: {  	_ =	shalt  }
0x86: {  	_ =	shalt  }
0x87: {  	_ =	shalt  }
.Lfunc_end0:
.L_simem_size_0:
called_computation_lowered:
.L_overlay_start_0:
0x88: {  	s2 =	sld [smem:$0x3FD9]  }
0x89: {  	s3 =	sld [smem:$0x3FFE];
	_ =	sdelay $0x1  }
0x8a: {  	s1 =	srdreg.scid  }
0x8b: {  	s0 =	sand.u32 $0x1, s1  }
0x8c: {  	s17 =	sshll.u32 s0, $0xA;
	s2 =	sadd.s32 s3, s2  }
0x8d: {  	s2 =	sadd.s32 s2, s17  }
0x8e: {  	[smem:$0x3FC6] =	sst s2  }
0x8f: {  	_ = 	snop  }
0x90: {  	s2 =	sld [smem:$0x3FC9]  }
0x91: {  	s18 =	sld [smem:$0x3FC8]  }
0x92: {  	s4 =	sld [smem:$0x3FD0];
	(tm) =	ssettm $0x1  }
0x93: {  	s5 =	sld [smem:$0x3FFB];
	_ =	sdelay $0x3  }
0x94: {  	_ =	strace s5  }
0x95: {  	s5 =	sld [smem:$0x3FFC];
	_ =	sdelay $0x3  }
0x96: {  	_ =	strace s5  }
0x97: {  	s5 =	sld [smem:$0x3FFD];
	_ =	sdelay $0x3  }
0x98: {  	_ =	strace s5  }
0x99: {  	_ =	strace $0x8FFFFFFF  }
0x9a: {  	s19 =	sld [smem:$0x3FDB];
	_ =	sdelay $0x1  }
0x9b: {  	s6 =	simm.s32 $_scs_section_size  }
0x9c: {  	s7 =	simm.s32 $_size__tile_overlayer_lowered;
	s8 =	simm.s32 $_tile_overlayer_lowered  }
0x9d: {  	s22 =	simm.s32 $0x1BFF;
	s21 =	sshll.u32 s8, $0x1;
	s5 =	sadd.s32 s6, s19  }
0x9e: {  	s9 =	simm.s32 $0x0;
	s20 =	sshll.u32 s7, $0x1;
	s7 =	sadd.s32 s21, s5  }
0x9f: {  	[timem:s9], [sflag:s22] =	dma.local [hbm:s7], s20  }
0xa0: {  	_ =	swait.ge [sflag:s22], s20  }
0xa1: {  	s6 =	ssub.s32 $0x0, s20;
	[sflag:s22] =	ssyncset.done $0x0  }
0xa2: {  	[sflag:s22] =	ssyncadd.s32 s6;
	_ =	sdelay $0x1  }
0xa3: {  	s23 =	simm.s32 $0x1B8B  }
0xa4: {  	_ =	swait.ge [sflag:s23], $0x1  }
0xa5: {  	[sflag:s23] =	ssyncset.done $0x0  }
0xa6: {  	s25 =	simm.s32 $0x1B8E;
	s24 =	sld [smem:$0x3FFE];
	[sflag:s23] =	ssyncadd.s32 $0xFFFFFFFF  }
0xa7: {  	s26 =	simm.s32 $execute0_lowered;
	[smem:$0x3FD2] =	sst s25  }
0xa8: {  	s7 =	sshll.u32 s26, $0x1;
	_ =	strace $0x80000046;
	[dreg:$0x1] =	wrdreg $0xFFFFFFFF  }
0xa9: {  	s28 =	simm.s32 $_size_execute0_lowered;
	s5 =	sadd.s32 s5, s7;
	[dreg:$0x0] =	wrdreg $0x0  }
0xaa: {  	s7 =	sshll.u32 s28, $0x1;
	[dreg:$0x2] =	wrdreg s5  }
0xab: {  	[dreg:$0x3] =	wrdreg s7  }
0xac: {  	[dreg:$0x4] =	wrdreg $0xC0  }
0xad: {  	_ =	task [dreg:s9], $0x5FFFF  }
0xae: {  	[dreg:$0x1] =	wrdreg $0xFFFFFFFF  }
0xaf: {  	[dreg:$0x0] =	wrdreg $0x60  }
0xb0: {  	[dreg:$0x2] =	wrdreg s2  }
0xb1: {  	[dreg:$0x3] =	wrdreg s18  }
0xb2: {  	[dreg:$0x4] =	wrdreg s4  }
0xb3: {  	[dreg:$0x5] =	wrdreg s24  }
0xb4: {  	[dreg:$0x6] =	wrdreg $0x9  }
0xb5: {  	_ =	task.clear_ibuf [dreg:s9], $0x7FFFF;
	_ =	strace $0x90000046  }
0xb6: {  	s29 =	simm.s32 $0x9;
	_ =	strace $0x80000048  }
0xb7: {  	_ =	swait.ge [sflag:s29], $0x1  }
0xb8: {  	[sflag:s29] =	ssyncadd.s32 $0xFFFFFFFF  }
0xb9: {  	_ =	strace $0x90000048  }
0xba: {  	_ =	sfence  }
0xbb: {  	s30 =	sld [smem:$0x0];
	_ =	sdelay $0x2  }
0xbc: {  	s31 =	sshll.u32 s1, $0xD;
	s1 =	sshrl.u32 s1, $0x2  }
0xbd: {  	s3 =	sand.u32 $0x4000, s31;
	s1 =	sadd.s32 s1, s30  }
0xbe: {  	s0 =	sor.u32 s3, s0;
	s1 =	sshll.u32 s1, $0x11  }
0xbf: {  	s0 =	sor.u32 s1, s0  }
0xc0: {  	s0 =	sadd.s32 $0x8F2B, s0  }
0xc1: {  	[sflag:s0] =	ssyncadd.remote.s32 $0x1  }
0xc2: {  	_ =	sfence.sel $0xFFFF  }
0xc3: {  	[dreg:$0x0] =	wrdreg $0xFFFFFFFF;
	(pc) =	sbr.abs _section_cstart, $3  }
0xc4: {  	[dreg:$0x1] =	wrdreg $0xFFFFFFFF  }
0xc5: {  	_ =	task.clear_ibuf [dreg:s9], $0x2FFFF;
	_ =	strace $0x9FFFFFFF  }
0xc6: {  	(tm) =	ssettm $0x7FFFFFFF  }
0xc7: {  	_ =	shalt  }
tec
execute0_lowered:
.L_overlay_start_1:
0x0: {  	(tag) =	ssettag $0x1  }
0x1: {  	s1 =	rddreg [dreg:$0x0]  }
0x2: {  	s2 =	rddreg [dreg:$0x1]  }
0x3: {  	s3 =	rddreg [dreg:$0x2]  }
0x4: {  	s6 =	rddreg [dreg:$0x3]  }
0x5: {  	s5 =	srdreg.scid;
	s0 =	rddreg [dreg:$0x4];
	s4 =	simm.s32 $0x0  }
0x6: {  	s10 =	simm.s32 $0x1;
	s11 =	simm.s32 $0x800;
	s12 =	simm.s32 $0x1000  }
0x7: {  	s13 =	simm.s32 $0x5000;
	s14 =	simm.s32 $0x0;
	s7 =	sand.u32 $0x1, s5  }
0x8: {  	[smem:$0x7FF] =	sst s4;
	s5 =	stileid.u32;
	s8 =	ssub.s32 $0x2, s7  }
0x9: {  	v0 =	vlaneseq.u32;
	s6 =	sadd.s32 $0x400, s6;
	_ =	strace $0x80000047;
	s9 =	sshrl.u32 s8, $0x1  }
0xa: {  	v3 =	vimm.s32 $0x0;
	v4 =	vimm.s32 $0x3F;
	v5 =	vimm.s32 $0x1F;
	s7 =	sshll.u32 s7, $0x13;
	s31 =	sshll.u32 s5, $0xF;
	s8 =	ssub.s32 s8, s9  }
0xb: {  	v6 =	vimm.s32 $0x1;
	v1 =	vmul.u32 $0x80, v0;
	v2 =	vor.u32 $0x1F80, v0;
	s7 =	sor.u32 s31, s7;
	s9 =	simm.s32 $0x5800;
	s8 =	smax.u32 s8, $0x1  }
.LBB2_1:
0xc: {  	[tilespmem:s9], [sflag:$0x1] =	stream.linear.gather [hbm4b:s3+s4], $0x80, $0x38;
	[tilespmem:$0x5880] =	vst v63  }
0xd: {  	_ =	swait.ge [sflag:s10], $0x80  }
0xe: {  	[sflag:s10] =	ssyncset.done $0x0  }
0xf: {  	s15 =	simm.s32 $0x0;
	[sflag:s10] =	ssyncadd.s32 $0xFFFFFF80  }
.LBB2_2:
0x10: {  	s16 =	sshll.u32 s15, $0x8  }
0x11: {  	s16 =	sadd.s32 s7, s16  }
0x12: {  	s17 =	sadd.s32 s1, s16  }
0x13: {  	[tilespmem:s4], [sflag:$0x1] =	stream.linear.gather [hbm4b:s17+s4], $0x800, $0x38;
	[tilespmem:$0x5880] =	vst v63  }
0x14: {  	s17 =	simm.s32 $0x1  }
0x15: {  	_ =	swait.ge [sflag:s17], $0x800  }
0x16: {  	[sflag:s17] =	ssyncset.done $0x0  }
0x17: {  	s18 =	sadd.s32 s2, s16;
	[sflag:s17] =	ssyncadd.s32 $0xFFFFF800  }
0x18: {  	[tilespmem:s11], [sflag:$0x1] =	stream.linear.gather [hbm4b:s18+s4], $0x800, $0x38;
	[tilespmem:$0x5880] =	vst v63  }
0x19: {  	_ =	swait.ge [sflag:s17], $0x800  }
0x1a: {  	[sflag:s17] =	ssyncset.done $0x0  }
0x1b: {  	[sflag:s17] =	ssyncadd.s32 $0xFFFFF800  }
0x1c: {  	v7 =	vimm.f32 $0.0e+00;
	v8 =	vld.idx.msk [tilespmem:v1+s4+$0x0], $0xffff  }
.LBB2_3:
0x1d: {  	_ = 	snop  }
0x1e: {  	v9 =	vsub.f32 $0.0e+00, v7;
	_ =	sdelay $0x1  }
0x1f: {  	v9 =	vmul.f32 $1.442695020e+00, v9;
	_ =	sdelay $0x1  }
0x20: {  	(erf) = vpow2.f32 v9;
	_ =	sdelay $0x3  }
0x21: {  	s18 =	sadd.s32 $0xFFFFFFFF, s17  }
0x22: {  	v9 =	vmov s18  }
0x23: {  	v9 =	vshll.u32 v9, $0x7  }
0x24: {  	v9 =	vor.u32 v0, v9  }
0x25: {  	v10 =	vor.u32 s18, v1  }
0x26: {  	v11 =	vpop (erf)  }
0x27: {  	v11 =	vsub.f32 $1.000000000e+00, v11;
	_ =	sdelay $0x1  }
0x28: {  	[tilespmem:v9+s12+$0x0] =	vst.idx.msk $0xffff, v11  }
0x29: {  	v9 =	vld.idx.msk [tilespmem:v10+s11+$0x0], $0xffff;
	_ =	sdelay $0x4  }
0x2a: {  	v10 =	vand.u32 $0x7FFFFFFF, v9  }
0x2b: {  	v10 =	vsub.f32 $0.0e+00, v10;
	_ =	sdelay $0x1  }
0x2c: {  	v10 =	vmul.f32 $1.000000000e+01, v10;
	_ =	sdelay $0x1  }
0x2d: {  	v10 =	vmul.f32 $1.442695020e+00, v10;
	_ =	sdelay $0x1  }
0x2e: {  	(erf) = vpow2.f32 v10;
	_ =	sdelay $0x2  }
0x2f: {  	v10 =	vmov s17  }
0x30: {  	v10 =	vand.u32 $0xFF, v10  }
0x31: {  	v10 =	vadd.s32 v1, v10;
	_ =	sdelay $0x3  }
0x32: {  	v11 =	vpop (erf)  }
0x33: {  	v10 =	vld.idx.msk [tilespmem:v10+s4+$0x0], $0xffff;
	v11 =	vmul.f32 $5.000000000e-01, v11;
	_ =	sdelay $0x1  }
0x34: {  	v12 =	vsub.f32 $1.000000000e+00, v11  }
0x35: {  	vm0 =	vge.f32 v9, $0.0e+00  }
0x36: {  	v9 =	vsel vm0, v11, v12  }
0x37: {  	v8 =	vsub.f32 v10, v8;
	v9 =	vmul.f32 $1.000000000e+01, v9  }
0x38: {  	p0 =	sne.s32 s17, $0x7F  }
.Ltmp0:
0x39: {  	v8 =	vmul.f32 v9, v8;
	(pc) =	sbr.rel @p0 .LBB2_3-.Ltmp0, $2  }
0x3a: {  	_ =	sdelay $0x2  }
0x3b: {  	s17 =	sadd.s32 $0x1, s17;
	v7 =	vadd.f32 v8, v7;
	v8 =	vmov v10  }
0x3c: {  	s17 =	simm.s32 $0xF  }
.LBB2_5:
0x3d: {  	s18 =	sadd.s32 $0xFFFFFFF1, s17  }
0x3e: {  	v7 =	vmov s18;
	_ =	sdelay $0x3  }
0x3f: {  	v8 =	vld.idx.msk [tilespmem:v2+s12+$0x0], $0xffff  }
0x40: {  	v7 =	vld.idx.msk [tilespmem:v7+s9+$0x0], $0xffff;
	_ =	sdelay $0x4  }
0x41: {  	vm0 =	vlt.f32 v8, v7  }
0x42: {  	v8 =	vsel vm0, $0x5F, v5  }
0x43: {  	v9 =	vshll.u32 v8, $0x7  }
0x44: {  	v9 =	vor.u32 v0, v9;
	_ =	sdelay $0x4  }
0x45: {  	v9 =	vld.idx.msk [tilespmem:v9+s12+$0x0], $0xffff;
	_ =	sdelay $0x4  }
0x46: {  	v10 =	vsel vm0, $0x7F, v4;
	vm1 =	vlt.f32 v9, v7  }
0x47: {  	v19 =	vsel vm0, $0x40, v3;
	v11 =	vadd.s32 $0x1, v8;
	v8 =	vsel vm1, v10, v8  }
0x48: {  	v9 =	vsel vm1, v11, v19;
	v10 =	vadd.s32 $0xFFFFFFFF, v8  }
0x49: {  	v10 =	vadd.s32 v10, v9  }
0x4a: {  	v10 =	vshrl.u32 v10, $0x1  }
0x4b: {  	v20 =	vshll.u32 v10, $0x7  }
0x4c: {  	v11 =	vor.u32 v0, v20;
	_ =	sdelay $0x4  }
0x4d: {  	v11 =	vld.idx.msk [tilespmem:v11+s12+$0x0], $0xffff;
	_ =	sdelay $0x4  }
0x4e: {  	vm10 =	vlt.f32 v11, v7  }
0x4f: {  	v21 =	vadd.s32 $0x1, v10;
	v8 =	vsel vm10, v8, v10  }
0x50: {  	v9 =	vsel vm10, v21, v9;
	v10 =	vadd.s32 $0xFFFFFFFF, v8  }
0x51: {  	v11 =	vxor.u32 v10, v9  }
0x52: {  	v10 =	vor.u32 v10, v9;
	v11 =	vshrl.u32 v11, $0x1  }
0x53: {  	v10 =	vsub.s32 v10, v11  }
0x54: {  	v11 =	vshll.u32 v10, $0x7  }
0x55: {  	v11 =	vor.u32 v0, v11;
	_ =	sdelay $0x4  }
0x56: {  	v11 =	vld.idx.msk [tilespmem:v11+s12+$0x0], $0xffff;
	_ =	sdelay $0x4  }
0x57: {  	v22 =	vadd.s32 $0x1, v10;
	vm11 =	vlt.f32 v11, v7  }
0x58: {  	v9 =	vsel vm11, v22, v9;
	v8 =	vsel vm11, v8, v10  }
0x59: {  	v10 =	vadd.s32 v8, v9  }
0x5a: {  	v10 =	vshrl.u32 v10, $0x1  }
0x5b: {  	v23 =	vshll.u32 v10, $0x7  }
0x5c: {  	v11 =	vor.u32 v0, v23;
	_ =	sdelay $0x4  }
0x5d: {  	v11 =	vld.idx.msk [tilespmem:v11+s12+$0x0], $0xffff;
	_ =	sdelay $0x4  }
0x5e: {  	v24 =	vadd.s32 $0x1, v10;
	vm12 =	vlt.f32 v11, v7  }
0x5f: {  	v9 =	vsel vm12, v24, v9;
	v8 =	vsel vm12, v8, v10  }
0x60: {  	v10 =	vadd.s32 v8, v9  }
0x61: {  	v10 =	vshrl.u32 v10, $0x1  }
0x62: {  	v25 =	vshll.u32 v10, $0x7  }
0x63: {  	v11 =	vor.u32 v0, v25;
	_ =	sdelay $0x4  }
0x64: {  	v11 =	vld.idx.msk [tilespmem:v11+s12+$0x0], $0xffff;
	_ =	sdelay $0x4  }
0x65: {  	v26 =	vadd.s32 $0x1, v10;
	vm13 =	vlt.f32 v11, v7  }
0x66: {  	v9 =	vsel vm13, v26, v9;
	v8 =	vsel vm13, v8, v10  }
0x67: {  	v8 =	vadd.s32 v8, v9  }
0x68: {  	v8 =	vshrl.u32 v8, $0x1  }
0x69: {  	v27 =	vshll.u32 v8, $0x7  }
0x6a: {  	v10 =	vor.u32 v0, v27;
	_ =	sdelay $0x4  }
0x6b: {  	v10 =	vld.idx.msk [tilespmem:v10+s12+$0x0], $0xffff;
	_ =	sdelay $0x4  }
0x6c: {  	v8 =	vadd.s32 $0x1, v8;
	vm14 =	vlt.f32 v10, v7  }
0x6d: {  	v8 =	vsel vm14, v8, v9  }
0x6e: {  	v9 =	vmax.u32 v8, $0x1;
	v8 =	vmin.u32 v8, $0x7E  }
0x6f: {  	v9 =	vsub.s32 v9, v6;
	v29 =	vshll.u32 v8, $0x7  }
0x70: {  	v28 =	vshll.u32 v9, $0x7;
	v11 =	vor.u32 v0, v29  }
0x71: {  	v10 =	vor.u32 v0, v28;
	_ =	sdelay $0x3  }
0x72: {  	v11 =	vld.idx.msk [tilespmem:v11+s12+$0x0], $0xffff  }
0x73: {  	v10 =	vld.idx.msk [tilespmem:v10+s12+$0x0], $0xffff;
	_ =	sdelay $0x4  }
0x74: {  	v11 =	vsub.f32 v11, v10;
	_ =	sdelay $0x1  }
0x75: {  	vm15 =	vlt.f32 v11, $9.999999740e-06  }
0x76: {  	v8 =	vor.u32 v1, v8;
	v11 =	vsel vm15, $0x3F800000, v11  }
0x77: {  	v9 =	vor.u32 v1, v9;
	(erf) = vrcp.f32 v11;
	_ =	sdelay $0x3  }
0x78: {  	v8 =	vld.idx.msk [tilespmem:v8+s4+$0x0], $0xffff  }
0x79: {  	v9 =	vld.idx.msk [tilespmem:v9+s4+$0x0], $0xffff;
	_ =	sdelay $0x2  }
0x7a: {  	v7 =	vsub.f32 v7, v10  }
0x7b: {  	v30 =	vpop (erf)  }
0x7c: {  	v8 =	vsub.f32 v8, v9;
	v7 =	vmul.f32 v30, v7  }
0x7d: {  	s30 =	sadd.s32 $0xFFFFFFF2, s17;
	v31 =	vor.u32 s18, v1  }
0x7e: {  	v7 =	vmul.f32 v7, v8;
	v8 =	vmov s30;
	_ =	sdelay $0x1  }
0x7f: {  	v7 =	vadd.f32 v7, v9;
	_ =	sdelay $0x1  }
0x80: {  	[tilespmem:v31+s13+$0x0] =	vst.idx.msk $0xffff, v7  }
0x81: {  	v7 =	vld.idx.msk [tilespmem:v8+s9+$0x0], $0xffff  }
0x82: {  	v8 =	vld.idx.msk [tilespmem:v2+s12+$0x0], $0xffff;
	_ =	sdelay $0x4  }
0x83: {  	vm4 =	vlt.f32 v8, v7  }
0x84: {  	v8 =	vsel vm4, $0x5F, v5  }
0x85: {  	v32 =	vshll.u32 v8, $0x7  }
0x86: {  	v9 =	vor.u32 v0, v32;
	_ =	sdelay $0x4  }
0x87: {  	v9 =	vld.idx.msk [tilespmem:v9+s12+$0x0], $0xffff;
	_ =	sdelay $0x4  }
0x88: {  	v33 =	vsel vm4, $0x7F, v4;
	vm5 =	vlt.f32 v9, v7  }
0x89: {  	v34 =	vsel vm4, $0x40, v3;
	v35 =	vadd.s32 $0x1, v8;
	v8 =	vsel vm5, v33, v8  }
0x8a: {  	v9 =	vsel vm5, v35, v34;
	v10 =	vadd.s32 $0xFFFFFFFF, v8  }
0x8b: {  	v10 =	vadd.s32 v10, v9  }
0x8c: {  	v10 =	vshrl.u32 v10, $0x1  }
0x8d: {  	v36 =	vshll.u32 v10, $0x7  }
0x8e: {  	v11 =	vor.u32 v0, v36;
	_ =	sdelay $0x4  }
0x8f: {  	v11 =	vld.idx.msk [tilespmem:v11+s12+$0x0], $0xffff;
	_ =	sdelay $0x4  }
0x90: {  	vm6 =	vlt.f32 v11, v7  }
0x91: {  	v37 =	vadd.s32 $0x1, v10;
	v8 =	vsel vm6, v8, v10  }
0x92: {  	v9 =	vsel vm6, v37, v9;
	v10 =	vadd.s32 $0xFFFFFFFF, v8  }
0x93: {  	v11 =	vxor.u32 v10, v9  }
0x94: {  	v10 =	vor.u32 v10, v9;
	v11 =	vshrl.u32 v11, $0x1  }
0x95: {  	v10 =	vsub.s32 v10, v11  }
0x96: {  	v11 =	vshll.u32 v10, $0x7  }
0x97: {  	v11 =	vor.u32 v0, v11;
	_ =	sdelay $0x4  }
0x98: {  	v11 =	vld.idx.msk [tilespmem:v11+s12+$0x0], $0xffff;
	_ =	sdelay $0x4  }
0x99: {  	v38 =	vadd.s32 $0x1, v10;
	vm7 =	vlt.f32 v11, v7  }
0x9a: {  	v9 =	vsel vm7, v38, v9;
	v8 =	vsel vm7, v8, v10  }
0x9b: {  	v10 =	vadd.s32 v8, v9  }
0x9c: {  	v10 =	vshrl.u32 v10, $0x1  }
0x9d: {  	v39 =	vshll.u32 v10, $0x7  }
0x9e: {  	v11 =	vor.u32 v0, v39;
	_ =	sdelay $0x4  }
0x9f: {  	v11 =	vld.idx.msk [tilespmem:v11+s12+$0x0], $0xffff;
	_ =	sdelay $0x4  }
0xa0: {  	v40 =	vadd.s32 $0x1, v10;
	vm8 =	vlt.f32 v11, v7  }
0xa1: {  	v9 =	vsel vm8, v40, v9;
	v8 =	vsel vm8, v8, v10  }
0xa2: {  	v10 =	vadd.s32 v8, v9  }
0xa3: {  	v10 =	vshrl.u32 v10, $0x1  }
0xa4: {  	v41 =	vshll.u32 v10, $0x7  }
0xa5: {  	v11 =	vor.u32 v0, v41;
	_ =	sdelay $0x4  }
0xa6: {  	v11 =	vld.idx.msk [tilespmem:v11+s12+$0x0], $0xffff;
	_ =	sdelay $0x4  }
0xa7: {  	v42 =	vadd.s32 $0x1, v10;
	vm9 =	vlt.f32 v11, v7  }
0xa8: {  	v9 =	vsel vm9, v42, v9;
	v8 =	vsel vm9, v8, v10  }
0xa9: {  	v8 =	vadd.s32 v8, v9  }
0xaa: {  	v8 =	vshrl.u32 v8, $0x1  }
0xab: {  	v43 =	vshll.u32 v8, $0x7  }
0xac: {  	v10 =	vor.u32 v0, v43;
	_ =	sdelay $0x4  }
0xad: {  	v10 =	vld.idx.msk [tilespmem:v10+s12+$0x0], $0xffff;
	_ =	sdelay $0x4  }
0xae: {  	v8 =	vadd.s32 $0x1, v8;
	vm10 =	vlt.f32 v10, v7  }
0xaf: {  	v8 =	vsel vm10, v8, v9  }
0xb0: {  	v9 =	vmax.u32 v8, $0x1;
	v8 =	vmin.u32 v8, $0x7E  }
0xb1: {  	v9 =	vsub.s32 v9, v6;
	v45 =	vshll.u32 v8, $0x7  }
0xb2: {  	v44 =	vshll.u32 v9, $0x7;
	v11 =	vor.u32 v0, v45  }
0xb3: {  	v10 =	vor.u32 v0, v44;
	_ =	sdelay $0x3  }
0xb4: {  	v11 =	vld.idx.msk [tilespmem:v11+s12+$0x0], $0xffff  }
0xb5: {  	v10 =	vld.idx.msk [tilespmem:v10+s12+$0x0], $0xffff;
	_ =	sdelay $0x4  }
0xb6: {  	v11 =	vsub.f32 v11, v10;
	_ =	sdelay $0x1  }
0xb7: {  	vm11 =	vlt.f32 v11, $9.999999740e-06  }
0xb8: {  	v8 =	vor.u32 v1, v8;
	v11 =	vsel vm11, $0x3F800000, v11  }
0xb9: {  	v9 =	vor.u32 v1, v9;
	(erf) = vrcp.f32 v11;
	_ =	sdelay $0x3  }
0xba: {  	v8 =	vld.idx.msk [tilespmem:v8+s4+$0x0], $0xffff  }
0xbb: {  	v9 =	vld.idx.msk [tilespmem:v9+s4+$0x0], $0xffff;
	_ =	sdelay $0x2  }
0xbc: {  	v7 =	vsub.f32 v7, v10  }
0xbd: {  	v46 =	vpop (erf)  }
0xbe: {  	v8 =	vsub.f32 v8, v9;
	v7 =	vmul.f32 v46, v7  }
0xbf: {  	s31 =	sadd.s32 $0xFFFFFFF3, s17;
	v47 =	vor.u32 s30, v1  }
0xc0: {  	v7 =	vmul.f32 v7, v8;
	v8 =	vmov s31;
	_ =	sdelay $0x1  }
0xc1: {  	v7 =	vadd.f32 v7, v9;
	_ =	sdelay $0x1  }
0xc2: {  	[tilespmem:v47+s13+$0x0] =	vst.idx.msk $0xffff, v7  }
0xc3: {  	v7 =	vld.idx.msk [tilespmem:v8+s9+$0x0], $0xffff  }
0xc4: {  	v8 =	vld.idx.msk [tilespmem:v2+s12+$0x0], $0xffff;
	_ =	sdelay $0x4  }
0xc5: {  	vm12 =	vlt.f32 v8, v7  }
0xc6: {  	v8 =	vsel vm12, $0x5F, v5  }
0xc7: {  	v48 =	vshll.u32 v8, $0x7  }
0xc8: {  	v9 =	vor.u32 v0, v48;
	_ =	sdelay $0x4  }
0xc9: {  	v9 =	vld.idx.msk [tilespmem:v9+s12+$0x0], $0xffff;
	_ =	sdelay $0x4  }
0xca: {  	v49 =	vsel vm12, $0x7F, v4;
	vm13 =	vlt.f32 v9, v7  }
0xcb: {  	v50 =	vsel vm12, $0x40, v3;
	v51 =	vadd.s32 $0x1, v8;
	v8 =	vsel vm13, v49, v8  }
0xcc: {  	v9 =	vsel vm13, v51, v50;
	v10 =	vadd.s32 $0xFFFFFFFF, v8  }
0xcd: {  	v10 =	vadd.s32 v10, v9  }
0xce: {  	v10 =	vshrl.u32 v10, $0x1  }
0xcf: {  	v52 =	vshll.u32 v10, $0x7  }
0xd0: {  	v11 =	vor.u32 v0, v52;
	_ =	sdelay $0x4  }
0xd1: {  	v11 =	vld.idx.msk [tilespmem:v11+s12+$0x0], $0xffff;
	_ =	sdelay $0x4  }
0xd2: {  	vm14 =	vlt.f32 v11, v7  }
0xd3: {  	v53 =	vadd.s32 $0x1, v10;
	v8 =	vsel vm14, v8, v10  }
0xd4: {  	v9 =	vsel vm14, v53, v9;
	v10 =	vadd.s32 $0xFFFFFFFF, v8  }
0xd5: {  	v11 =	vxor.u32 v10, v9  }
0xd6: {  	v10 =	vor.u32 v10, v9;
	v11 =	vshrl.u32 v11, $0x1  }
0xd7: {  	v10 =	vsub.s32 v10, v11  }
0xd8: {  	v11 =	vshll.u32 v10, $0x7  }
0xd9: {  	v11 =	vor.u32 v0, v11;
	_ =	sdelay $0x4  }
0xda: {  	v11 =	vld.idx.msk [tilespmem:v11+s12+$0x0], $0xffff;
	_ =	sdelay $0x4  }
0xdb: {  	v54 =	vadd.s32 $0x1, v10;
	vm15 =	vlt.f32 v11, v7  }
0xdc: {  	v9 =	vsel vm15, v54, v9;
	v8 =	vsel vm15, v8, v10  }
0xdd: {  	v10 =	vadd.s32 v8, v9  }
0xde: {  	v10 =	vshrl.u32 v10, $0x1  }
0xdf: {  	v55 =	vshll.u32 v10, $0x7  }
0xe0: {  	v11 =	vor.u32 v0, v55;
	_ =	sdelay $0x4  }
0xe1: {  	v11 =	vld.idx.msk [tilespmem:v11+s12+$0x0], $0xffff;
	_ =	sdelay $0x4  }
0xe2: {  	v56 =	vadd.s32 $0x1, v10;
	vm4 =	vlt.f32 v11, v7  }
0xe3: {  	v9 =	vsel vm4, v56, v9;
	v8 =	vsel vm4, v8, v10  }
0xe4: {  	v10 =	vadd.s32 v8, v9  }
0xe5: {  	v10 =	vshrl.u32 v10, $0x1  }
0xe6: {  	v57 =	vshll.u32 v10, $0x7  }
0xe7: {  	v11 =	vor.u32 v0, v57;
	_ =	sdelay $0x4  }
0xe8: {  	v11 =	vld.idx.msk [tilespmem:v11+s12+$0x0], $0xffff;
	_ =	sdelay $0x4  }
0xe9: {  	v58 =	vadd.s32 $0x1, v10;
	vm5 =	vlt.f32 v11, v7  }
0xea: {  	v9 =	vsel vm5, v58, v9;
	v8 =	vsel vm5, v8, v10  }
0xeb: {  	v8 =	vadd.s32 v8, v9  }
0xec: {  	v8 =	vshrl.u32 v8, $0x1  }
0xed: {  	v59 =	vshll.u32 v8, $0x7  }
0xee: {  	v10 =	vor.u32 v0, v59;
	_ =	sdelay $0x4  }
0xef: {  	v10 =	vld.idx.msk [tilespmem:v10+s12+$0x0], $0xffff;
	_ =	sdelay $0x4  }
0xf0: {  	v8 =	vadd.s32 $0x1, v8;
	vm6 =	vlt.f32 v10, v7  }
0xf1: {  	v8 =	vsel vm6, v8, v9  }
0xf2: {  	v9 =	vmax.u32 v8, $0x1;
	v8 =	vmin.u32 v8, $0x7E  }
0xf3: {  	v9 =	vsub.s32 v9, v6;
	v61 =	vshll.u32 v8, $0x7  }
0xf4: {  	v60 =	vshll.u32 v9, $0x7;
	v11 =	vor.u32 v0, v61  }
0xf5: {  	v10 =	vor.u32 v0, v60;
	_ =	sdelay $0x3  }
0xf6: {  	v11 =	vld.idx.msk [tilespmem:v11+s12+$0x0], $0xffff  }
0xf7: {  	v10 =	vld.idx.msk [tilespmem:v10+s12+$0x0], $0xffff;
	_ =	sdelay $0x4  }
0xf8: {  	v11 =	vsub.f32 v11, v10;
	_ =	sdelay $0x1  }
0xf9: {  	vm7 =	vlt.f32 v11, $9.999999740e-06  }
0xfa: {  	v8 =	vor.u32 v1, v8;
	v11 =	vsel vm7, $0x3F800000, v11  }
0xfb: {  	v9 =	vor.u32 v1, v9;
	(erf) = vrcp.f32 v11;
	_ =	sdelay $0x3  }
0xfc: {  	v8 =	vld.idx.msk [tilespmem:v8+s4+$0x0], $0xffff  }
0xfd: {  	v9 =	vld.idx.msk [tilespmem:v9+s4+$0x0], $0xffff;
	_ =	sdelay $0x2  }
0xfe: {  	v7 =	vsub.f32 v7, v10  }
0xff: {  	v62 =	vpop (erf)  }
0x100: {  	v8 =	vsub.f32 v8, v9;
	v7 =	vmul.f32 v62, v7  }
0x101: {  	s19 =	sadd.s32 $0xFFFFFFF4, s17;
	v63 =	vor.u32 s31, v1  }
0x102: {  	v7 =	vmul.f32 v7, v8;
	v8 =	vmov s19;
	_ =	sdelay $0x1  }
0x103: {  	v7 =	vadd.f32 v7, v9;
	_ =	sdelay $0x1  }
0x104: {  	[tilespmem:v63+s13+$0x0] =	vst.idx.msk $0xffff, v7  }
0x105: {  	v7 =	vld.idx.msk [tilespmem:v8+s9+$0x0], $0xffff  }
0x106: {  	v8 =	vld.idx.msk [tilespmem:v2+s12+$0x0], $0xffff;
	_ =	sdelay $0x4  }
0x107: {  	vm8 =	vlt.f32 v8, v7  }
0x108: {  	v8 =	vsel vm8, $0x5F, v5  }
0x109: {  	v12 =	vshll.u32 v8, $0x7  }
0x10a: {  	v9 =	vor.u32 v0, v12;
	_ =	sdelay $0x4  }
0x10b: {  	v9 =	vld.idx.msk [tilespmem:v9+s12+$0x0], $0xffff;
	_ =	sdelay $0x4  }
0x10c: {  	v13 =	vsel vm8, $0x7F, v4;
	vm9 =	vlt.f32 v9, v7  }
0x10d: {  	v14 =	vsel vm8, $0x40, v3;
	v15 =	vadd.s32 $0x1, v8;
	v8 =	vsel vm9, v13, v8  }
0x10e: {  	v9 =	vsel vm9, v15, v14;
	v10 =	vadd.s32 $0xFFFFFFFF, v8  }
0x10f: {  	v10 =	vadd.s32 v10, v9  }
0x110: {  	v10 =	vshrl.u32 v10, $0x1  }
0x111: {  	v16 =	vshll.u32 v10, $0x7  }
0x112: {  	v11 =	vor.u32 v0, v16;
	_ =	sdelay $0x4  }
0x113: {  	v11 =	vld.idx.msk [tilespmem:v11+s12+$0x0], $0xffff;
	_ =	sdelay $0x4  }
0x114: {  	vm10 =	vlt.f32 v11, v7  }
0x115: {  	v17 =	vadd.s32 $0x1, v10;
	v8 =	vsel vm10, v8, v10  }
0x116: {  	v9 =	vsel vm10, v17, v9;
	v10 =	vadd.s32 $0xFFFFFFFF, v8  }
0x117: {  	v11 =	vxor.u32 v10, v9  }
0x118: {  	v10 =	vor.u32 v10, v9;
	v11 =	vshrl.u32 v11, $0x1  }
0x119: {  	v10 =	vsub.s32 v10, v11  }
0x11a: {  	v11 =	vshll.u32 v10, $0x7  }
0x11b: {  	v11 =	vor.u32 v0, v11;
	_ =	sdelay $0x4  }
0x11c: {  	v11 =	vld.idx.msk [tilespmem:v11+s12+$0x0], $0xffff;
	_ =	sdelay $0x4  }
0x11d: {  	v18 =	vadd.s32 $0x1, v10;
	vm11 =	vlt.f32 v11, v7  }
0x11e: {  	v9 =	vsel vm11, v18, v9;
	v8 =	vsel vm11, v8, v10  }
0x11f: {  	v10 =	vadd.s32 v8, v9  }
0x120: {  	v10 =	vshrl.u32 v10, $0x1  }
0x121: {  	v19 =	vshll.u32 v10, $0x7  }
0x122: {  	v11 =	vor.u32 v0, v19;
	_ =	sdelay $0x4  }
0x123: {  	v11 =	vld.idx.msk [tilespmem:v11+s12+$0x0], $0xffff;
	_ =	sdelay $0x4  }
0x124: {  	v20 =	vadd.s32 $0x1, v10;
	vm12 =	vlt.f32 v11, v7  }
0x125: {  	v9 =	vsel vm12, v20, v9;
	v8 =	vsel vm12, v8, v10  }
0x126: {  	v10 =	vadd.s32 v8, v9  }
0x127: {  	v10 =	vshrl.u32 v10, $0x1  }
0x128: {  	v21 =	vshll.u32 v10, $0x7  }
0x129: {  	v11 =	vor.u32 v0, v21;
	_ =	sdelay $0x4  }
0x12a: {  	v11 =	vld.idx.msk [tilespmem:v11+s12+$0x0], $0xffff;
	_ =	sdelay $0x4  }
0x12b: {  	v22 =	vadd.s32 $0x1, v10;
	vm13 =	vlt.f32 v11, v7  }
0x12c: {  	v9 =	vsel vm13, v22, v9;
	v8 =	vsel vm13, v8, v10  }
0x12d: {  	v8 =	vadd.s32 v8, v9  }
0x12e: {  	v8 =	vshrl.u32 v8, $0x1  }
0x12f: {  	v23 =	vshll.u32 v8, $0x7  }
0x130: {  	v10 =	vor.u32 v0, v23;
	_ =	sdelay $0x4  }
0x131: {  	v10 =	vld.idx.msk [tilespmem:v10+s12+$0x0], $0xffff;
	_ =	sdelay $0x4  }
0x132: {  	v8 =	vadd.s32 $0x1, v8;
	vm14 =	vlt.f32 v10, v7  }
0x133: {  	v8 =	vsel vm14, v8, v9  }
0x134: {  	v9 =	vmax.u32 v8, $0x1;
	v8 =	vmin.u32 v8, $0x7E  }
0x135: {  	v9 =	vsub.s32 v9, v6;
	v25 =	vshll.u32 v8, $0x7  }
0x136: {  	v24 =	vshll.u32 v9, $0x7;
	v11 =	vor.u32 v0, v25  }
0x137: {  	v10 =	vor.u32 v0, v24;
	_ =	sdelay $0x3  }
0x138: {  	v11 =	vld.idx.msk [tilespmem:v11+s12+$0x0], $0xffff  }
0x139: {  	v10 =	vld.idx.msk [tilespmem:v10+s12+$0x0], $0xffff;
	_ =	sdelay $0x4  }
0x13a: {  	v11 =	vsub.f32 v11, v10;
	_ =	sdelay $0x1  }
0x13b: {  	vm15 =	vlt.f32 v11, $9.999999740e-06  }
0x13c: {  	v8 =	vor.u32 v1, v8;
	v11 =	vsel vm15, $0x3F800000, v11  }
0x13d: {  	v9 =	vor.u32 v1, v9;
	(erf) = vrcp.f32 v11;
	_ =	sdelay $0x3  }
0x13e: {  	v8 =	vld.idx.msk [tilespmem:v8+s4+$0x0], $0xffff  }
0x13f: {  	v9 =	vld.idx.msk [tilespmem:v9+s4+$0x0], $0xffff;
	_ =	sdelay $0x2  }
0x140: {  	v7 =	vsub.f32 v7, v10  }
0x141: {  	v26 =	vpop (erf)  }
0x142: {  	v8 =	vsub.f32 v8, v9;
	v7 =	vmul.f32 v26, v7  }
0x143: {  	s20 =	sadd.s32 $0xFFFFFFF5, s17;
	v27 =	vor.u32 s19, v1  }
0x144: {  	v7 =	vmul.f32 v7, v8;
	v8 =	vmov s20;
	_ =	sdelay $0x1  }
0x145: {  	v7 =	vadd.f32 v7, v9;
	_ =	sdelay $0x1  }
0x146: {  	[tilespmem:v27+s13+$0x0] =	vst.idx.msk $0xffff, v7  }
0x147: {  	v7 =	vld.idx.msk [tilespmem:v8+s9+$0x0], $0xffff  }
0x148: {  	v8 =	vld.idx.msk [tilespmem:v2+s12+$0x0], $0xffff;
	_ =	sdelay $0x4  }
0x149: {  	vm4 =	vlt.f32 v8, v7  }
0x14a: {  	v8 =	vsel vm4, $0x5F, v5  }
0x14b: {  	v28 =	vshll.u32 v8, $0x7  }
0x14c: {  	v9 =	vor.u32 v0, v28;
	_ =	sdelay $0x4  }
0x14d: {  	v9 =	vld.idx.msk [tilespmem:v9+s12+$0x0], $0xffff;
	_ =	sdelay $0x4  }
0x14e: {  	v29 =	vsel vm4, $0x7F, v4;
	vm5 =	vlt.f32 v9, v7  }
0x14f: {  	v30 =	vsel vm4, $0x40, v3;
	v31 =	vadd.s32 $0x1, v8;
	v8 =	vsel vm5, v29, v8  }
0x150: {  	v9 =	vsel vm5, v31, v30;
	v10 =	vadd.s32 $0xFFFFFFFF, v8  }
0x151: {  	v10 =	vadd.s32 v10, v9  }
0x152: {  	v10 =	vshrl.u32 v10, $0x1  }
0x153: {  	v32 =	vshll.u32 v10, $0x7  }
0x154: {  	v11 =	vor.u32 v0, v32;
	_ =	sdelay $0x4  }
0x155: {  	v11 =	vld.idx.msk [tilespmem:v11+s12+$0x0], $0xffff;
	_ =	sdelay $0x4  }
0x156: {  	vm6 =	vlt.f32 v11, v7  }
0x157: {  	v33 =	vadd.s32 $0x1, v10;
	v8 =	vsel vm6, v8, v10  }
0x158: {  	v9 =	vsel vm6, v33, v9;
	v10 =	vadd.s32 $0xFFFFFFFF, v8  }
0x159: {  	v11 =	vxor.u32 v10, v9  }
0x15a: {  	v10 =	vor.u32 v10, v9;
	v11 =	vshrl.u32 v11, $0x1  }
0x15b: {  	v10 =	vsub.s32 v10, v11  }
0x15c: {  	v11 =	vshll.u32 v10, $0x7  }
0x15d: {  	v11 =	vor.u32 v0, v11;
	_ =	sdelay $0x4  }
0x15e: {  	v11 =	vld.idx.msk [tilespmem:v11+s12+$0x0], $0xffff;
	_ =	sdelay $0x4  }
0x15f: {  	v34 =	vadd.s32 $0x1, v10;
	vm7 =	vlt.f32 v11, v7  }
0x160: {  	v9 =	vsel vm7, v34, v9;
	v8 =	vsel vm7, v8, v10  }
0x161: {  	v10 =	vadd.s32 v8, v9  }
0x162: {  	v10 =	vshrl.u32 v10, $0x1  }
0x163: {  	v35 =	vshll.u32 v10, $0x7  }
0x164: {  	v11 =	vor.u32 v0, v35;
	_ =	sdelay $0x4  }
0x165: {  	v11 =	vld.idx.msk [tilespmem:v11+s12+$0x0], $0xffff;
	_ =	sdelay $0x4  }
0x166: {  	v36 =	vadd.s32 $0x1, v10;
	vm8 =	vlt.f32 v11, v7  }
0x167: {  	v9 =	vsel vm8, v36, v9;
	v8 =	vsel vm8, v8, v10  }
0x168: {  	v10 =	vadd.s32 v8, v9  }
0x169: {  	v10 =	vshrl.u32 v10, $0x1  }
0x16a: {  	v37 =	vshll.u32 v10, $0x7  }
0x16b: {  	v11 =	vor.u32 v0, v37;
	_ =	sdelay $0x4  }
0x16c: {  	v11 =	vld.idx.msk [tilespmem:v11+s12+$0x0], $0xffff;
	_ =	sdelay $0x4  }
0x16d: {  	v38 =	vadd.s32 $0x1, v10;
	vm9 =	vlt.f32 v11, v7  }
0x16e: {  	v9 =	vsel vm9, v38, v9;
	v8 =	vsel vm9, v8, v10  }
0x16f: {  	v8 =	vadd.s32 v8, v9  }
0x170: {  	v8 =	vshrl.u32 v8, $0x1  }
0x171: {  	v39 =	vshll.u32 v8, $0x7  }
0x172: {  	v10 =	vor.u32 v0, v39;
	_ =	sdelay $0x4  }
0x173: {  	v10 =	vld.idx.msk [tilespmem:v10+s12+$0x0], $0xffff;
	_ =	sdelay $0x4  }
0x174: {  	v8 =	vadd.s32 $0x1, v8;
	vm10 =	vlt.f32 v10, v7  }
0x175: {  	v8 =	vsel vm10, v8, v9  }
0x176: {  	v9 =	vmax.u32 v8, $0x1;
	v8 =	vmin.u32 v8, $0x7E  }
0x177: {  	v9 =	vsub.s32 v9, v6;
	v41 =	vshll.u32 v8, $0x7  }
0x178: {  	v40 =	vshll.u32 v9, $0x7;
	v11 =	vor.u32 v0, v41  }
0x179: {  	v10 =	vor.u32 v0, v40;
	_ =	sdelay $0x3  }
0x17a: {  	v11 =	vld.idx.msk [tilespmem:v11+s12+$0x0], $0xffff  }
0x17b: {  	v10 =	vld.idx.msk [tilespmem:v10+s12+$0x0], $0xffff;
	_ =	sdelay $0x4  }
0x17c: {  	v11 =	vsub.f32 v11, v10;
	_ =	sdelay $0x1  }
0x17d: {  	vm11 =	vlt.f32 v11, $9.999999740e-06  }
0x17e: {  	v8 =	vor.u32 v1, v8;
	v11 =	vsel vm11, $0x3F800000, v11  }
0x17f: {  	v9 =	vor.u32 v1, v9;
	(erf) = vrcp.f32 v11;
	_ =	sdelay $0x3  }
0x180: {  	v8 =	vld.idx.msk [tilespmem:v8+s4+$0x0], $0xffff  }
0x181: {  	v9 =	vld.idx.msk [tilespmem:v9+s4+$0x0], $0xffff;
	_ =	sdelay $0x2  }
0x182: {  	v7 =	vsub.f32 v7, v10  }
0x183: {  	v42 =	vpop (erf)  }
0x184: {  	v8 =	vsub.f32 v8, v9;
	v7 =	vmul.f32 v42, v7  }
0x185: {  	s21 =	sadd.s32 $0xFFFFFFF6, s17;
	v43 =	vor.u32 s20, v1  }
0x186: {  	v7 =	vmul.f32 v7, v8;
	v8 =	vmov s21;
	_ =	sdelay $0x1  }
0x187: {  	v7 =	vadd.f32 v7, v9;
	_ =	sdelay $0x1  }
0x188: {  	[tilespmem:v43+s13+$0x0] =	vst.idx.msk $0xffff, v7  }
0x189: {  	v7 =	vld.idx.msk [tilespmem:v8+s9+$0x0], $0xffff  }
0x18a: {  	v8 =	vld.idx.msk [tilespmem:v2+s12+$0x0], $0xffff;
	_ =	sdelay $0x4  }
0x18b: {  	vm12 =	vlt.f32 v8, v7  }
0x18c: {  	v8 =	vsel vm12, $0x5F, v5  }
0x18d: {  	v44 =	vshll.u32 v8, $0x7  }
0x18e: {  	v9 =	vor.u32 v0, v44;
	_ =	sdelay $0x4  }
0x18f: {  	v9 =	vld.idx.msk [tilespmem:v9+s12+$0x0], $0xffff;
	_ =	sdelay $0x4  }
0x190: {  	v45 =	vsel vm12, $0x7F, v4;
	vm13 =	vlt.f32 v9, v7  }
0x191: {  	v46 =	vsel vm12, $0x40, v3;
	v47 =	vadd.s32 $0x1, v8;
	v8 =	vsel vm13, v45, v8  }
0x192: {  	v9 =	vsel vm13, v47, v46;
	v10 =	vadd.s32 $0xFFFFFFFF, v8  }
0x193: {  	v10 =	vadd.s32 v10, v9  }
0x194: {  	v10 =	vshrl.u32 v10, $0x1  }
0x195: {  	v48 =	vshll.u32 v10, $0x7  }
0x196: {  	v11 =	vor.u32 v0, v48;
	_ =	sdelay $0x4  }
0x197: {  	v11 =	vld.idx.msk [tilespmem:v11+s12+$0x0], $0xffff;
	_ =	sdelay $0x4  }
0x198: {  	vm14 =	vlt.f32 v11, v7  }
0x199: {  	v49 =	vadd.s32 $0x1, v10;
	v8 =	vsel vm14, v8, v10  }
0x19a: {  	v9 =	vsel vm14, v49, v9;
	v10 =	vadd.s32 $0xFFFFFFFF, v8  }
0x19b: {  	v11 =	vxor.u32 v10, v9  }
0x19c: {  	v10 =	vor.u32 v10, v9;
	v11 =	vshrl.u32 v11, $0x1  }
0x19d: {  	v10 =	vsub.s32 v10, v11  }
0x19e: {  	v11 =	vshll.u32 v10, $0x7  }
0x19f: {  	v11 =	vor.u32 v0, v11;
	_ =	sdelay $0x4  }
0x1a0: {  	v11 =	vld.idx.msk [tilespmem:v11+s12+$0x0], $0xffff;
	_ =	sdelay $0x4  }
0x1a1: {  	v50 =	vadd.s32 $0x1, v10;
	vm15 =	vlt.f32 v11, v7  }
0x1a2: {  	v9 =	vsel vm15, v50, v9;
	v8 =	vsel vm15, v8, v10  }
0x1a3: {  	v10 =	vadd.s32 v8, v9  }
0x1a4: {  	v10 =	vshrl.u32 v10, $0x1  }
0x1a5: {  	v51 =	vshll.u32 v10, $0x7  }
0x1a6: {  	v11 =	vor.u32 v0, v51;
	_ =	sdelay $0x4  }
0x1a7: {  	v11 =	vld.idx.msk [tilespmem:v11+s12+$0x0], $0xffff;
	_ =	sdelay $0x4  }
0x1a8: {  	v52 =	vadd.s32 $0x1, v10;
	vm4 =	vlt.f32 v11, v7  }
0x1a9: {  	v9 =	vsel vm4, v52, v9;
	v8 =	vsel vm4, v8, v10  }
0x1aa: {  	v10 =	vadd.s32 v8, v9  }
0x1ab: {  	v10 =	vshrl.u32 v10, $0x1  }
0x1ac: {  	v53 =	vshll.u32 v10, $0x7  }
0x1ad: {  	v11 =	vor.u32 v0, v53;
	_ =	sdelay $0x4  }
0x1ae: {  	v11 =	vld.idx.msk [tilespmem:v11+s12+$0x0], $0xffff;
	_ =	sdelay $0x4  }
0x1af: {  	v54 =	vadd.s32 $0x1, v10;
	vm5 =	vlt.f32 v11, v7  }
0x1b0: {  	v9 =	vsel vm5, v54, v9;
	v8 =	vsel vm5, v8, v10  }
0x1b1: {  	v8 =	vadd.s32 v8, v9  }
0x1b2: {  	v8 =	vshrl.u32 v8, $0x1  }
0x1b3: {  	v55 =	vshll.u32 v8, $0x7  }
0x1b4: {  	v10 =	vor.u32 v0, v55;
	_ =	sdelay $0x4  }
0x1b5: {  	v10 =	vld.idx.msk [tilespmem:v10+s12+$0x0], $0xffff;
	_ =	sdelay $0x4  }
0x1b6: {  	v8 =	vadd.s32 $0x1, v8;
	vm6 =	vlt.f32 v10, v7  }
0x1b7: {  	v8 =	vsel vm6, v8, v9  }
0x1b8: {  	v9 =	vmax.u32 v8, $0x1;
	v8 =	vmin.u32 v8, $0x7E  }
0x1b9: {  	v9 =	vsub.s32 v9, v6;
	v57 =	vshll.u32 v8, $0x7  }
0x1ba: {  	v56 =	vshll.u32 v9, $0x7;
	v11 =	vor.u32 v0, v57  }
0x1bb: {  	v10 =	vor.u32 v0, v56;
	_ =	sdelay $0x3  }
0x1bc: {  	v11 =	vld.idx.msk [tilespmem:v11+s12+$0x0], $0xffff  }
0x1bd: {  	v10 =	vld.idx.msk [tilespmem:v10+s12+$0x0], $0xffff;
	_ =	sdelay $0x4  }
0x1be: {  	v11 =	vsub.f32 v11, v10;
	_ =	sdelay $0x1  }
0x1bf: {  	vm7 =	vlt.f32 v11, $9.999999740e-06  }
0x1c0: {  	v8 =	vor.u32 v1, v8;
	v11 =	vsel vm7, $0x3F800000, v11  }
0x1c1: {  	v9 =	vor.u32 v1, v9;
	(erf) = vrcp.f32 v11;
	_ =	sdelay $0x3  }
0x1c2: {  	v8 =	vld.idx.msk [tilespmem:v8+s4+$0x0], $0xffff  }
0x1c3: {  	v9 =	vld.idx.msk [tilespmem:v9+s4+$0x0], $0xffff;
	_ =	sdelay $0x2  }
0x1c4: {  	v7 =	vsub.f32 v7, v10  }
0x1c5: {  	v58 =	vpop (erf)  }
0x1c6: {  	v8 =	vsub.f32 v8, v9;
	v7 =	vmul.f32 v58, v7  }
0x1c7: {  	s22 =	sadd.s32 $0xFFFFFFF7, s17;
	v59 =	vor.u32 s21, v1  }
0x1c8: {  	v7 =	vmul.f32 v7, v8;
	v8 =	vmov s22;
	_ =	sdelay $0x1  }
0x1c9: {  	v7 =	vadd.f32 v7, v9;
	_ =	sdelay $0x1  }
0x1ca: {  	[tilespmem:v59+s13+$0x0] =	vst.idx.msk $0xffff, v7  }
0x1cb: {  	v7 =	vld.idx.msk [tilespmem:v8+s9+$0x0], $0xffff  }
0x1cc: {  	v8 =	vld.idx.msk [tilespmem:v2+s12+$0x0], $0xffff;
	_ =	sdelay $0x4  }
0x1cd: {  	vm8 =	vlt.f32 v8, v7  }
0x1ce: {  	v8 =	vsel vm8, $0x5F, v5  }
0x1cf: {  	v60 =	vshll.u32 v8, $0x7  }
0x1d0: {  	v9 =	vor.u32 v0, v60;
	_ =	sdelay $0x4  }
0x1d1: {  	v9 =	vld.idx.msk [tilespmem:v9+s12+$0x0], $0xffff;
	_ =	sdelay $0x4  }
0x1d2: {  	v61 =	vsel vm8, $0x7F, v4;
	vm9 =	vlt.f32 v9, v7  }
0x1d3: {  	v62 =	vsel vm8, $0x40, v3;
	v63 =	vadd.s32 $0x1, v8;
	v8 =	vsel vm9, v61, v8  }
0x1d4: {  	v9 =	vsel vm9, v63, v62;
	v10 =	vadd.s32 $0xFFFFFFFF, v8  }
0x1d5: {  	v10 =	vadd.s32 v10, v9  }
0x1d6: {  	v10 =	vshrl.u32 v10, $0x1  }
0x1d7: {  	v12 =	vshll.u32 v10, $0x7  }
0x1d8: {  	v11 =	vor.u32 v0, v12;
	_ =	sdelay $0x4  }
0x1d9: {  	v11 =	vld.idx.msk [tilespmem:v11+s12+$0x0], $0xffff;
	_ =	sdelay $0x4  }
0x1da: {  	vm10 =	vlt.f32 v11, v7  }
0x1db: {  	v13 =	vadd.s32 $0x1, v10;
	v8 =	vsel vm10, v8, v10  }
0x1dc: {  	v9 =	vsel vm10, v13, v9;
	v10 =	vadd.s32 $0xFFFFFFFF, v8  }
0x1dd: {  	v11 =	vxor.u32 v10, v9  }
0x1de: {  	v10 =	vor.u32 v10, v9;
	v11 =	vshrl.u32 v11, $0x1  }
0x1df: {  	v10 =	vsub.s32 v10, v11  }
0x1e0: {  	v11 =	vshll.u32 v10, $0x7  }
0x1e1: {  	v11 =	vor.u32 v0, v11;
	_ =	sdelay $0x4  }
0x1e2: {  	v11 =	vld.idx.msk [tilespmem:v11+s12+$0x0], $0xffff;
	_ =	sdelay $0x4  }
0x1e3: {  	v14 =	vadd.s32 $0x1, v10;
	vm11 =	vlt.f32 v11, v7  }
0x1e4: {  	v9 =	vsel vm11, v14, v9;
	v8 =	vsel vm11, v8, v10  }
0x1e5: {  	v10 =	vadd.s32 v8, v9  }
0x1e6: {  	v10 =	vshrl.u32 v10, $0x1  }
0x1e7: {  	v15 =	vshll.u32 v10, $0x7  }
0x1e8: {  	v11 =	vor.u32 v0, v15;
	_ =	sdelay $0x4  }
0x1e9: {  	v11 =	vld.idx.msk [tilespmem:v11+s12+$0x0], $0xffff;
	_ =	sdelay $0x4  }
0x1ea: {  	v16 =	vadd.s32 $0x1, v10;
	vm12 =	vlt.f32 v11, v7  }
0x1eb: {  	v9 =	vsel vm12, v16, v9;
	v8 =	vsel vm12, v8, v10  }
0x1ec: {  	v10 =	vadd.s32 v8, v9  }
0x1ed: {  	v10 =	vshrl.u32 v10, $0x1  }
0x1ee: {  	v17 =	vshll.u32 v10, $0x7  }
0x1ef: {  	v11 =	vor.u32 v0, v17;
	_ =	sdelay $0x4  }
0x1f0: {  	v11 =	vld.idx.msk [tilespmem:v11+s12+$0x0], $0xffff;
	_ =	sdelay $0x4  }
0x1f1: {  	v18 =	vadd.s32 $0x1, v10;
	vm13 =	vlt.f32 v11, v7  }
0x1f2: {  	v9 =	vsel vm13, v18, v9;
	v8 =	vsel vm13, v8, v10  }
0x1f3: {  	v8 =	vadd.s32 v8, v9  }
0x1f4: {  	v8 =	vshrl.u32 v8, $0x1  }
0x1f5: {  	v19 =	vshll.u32 v8, $0x7  }
0x1f6: {  	v10 =	vor.u32 v0, v19;
	_ =	sdelay $0x4  }
0x1f7: {  	v10 =	vld.idx.msk [tilespmem:v10+s12+$0x0], $0xffff;
	_ =	sdelay $0x4  }
0x1f8: {  	v8 =	vadd.s32 $0x1, v8;
	vm14 =	vlt.f32 v10, v7  }
0x1f9: {  	v8 =	vsel vm14, v8, v9  }
0x1fa: {  	v9 =	vmax.u32 v8, $0x1;
	v8 =	vmin.u32 v8, $0x7E  }
0x1fb: {  	v9 =	vsub.s32 v9, v6;
	v21 =	vshll.u32 v8, $0x7  }
0x1fc: {  	v20 =	vshll.u32 v9, $0x7;
	v11 =	vor.u32 v0, v21  }
0x1fd: {  	v10 =	vor.u32 v0, v20;
	_ =	sdelay $0x3  }
0x1fe: {  	v11 =	vld.idx.msk [tilespmem:v11+s12+$0x0], $0xffff  }
0x1ff: {  	v10 =	vld.idx.msk [tilespmem:v10+s12+$0x0], $0xffff;
	_ =	sdelay $0x4  }
0x200: {  	v11 =	vsub.f32 v11, v10;
	_ =	sdelay $0x1  }
0x201: {  	vm15 =	vlt.f32 v11, $9.999999740e-06  }
0x202: {  	v8 =	vor.u32 v1, v8;
	v11 =	vsel vm15, $0x3F800000, v11  }
0x203: {  	v9 =	vor.u32 v1, v9;
	(erf) = vrcp.f32 v11;
	_ =	sdelay $0x3  }
0x204: {  	v8 =	vld.idx.msk [tilespmem:v8+s4+$0x0], $0xffff  }
0x205: {  	v9 =	vld.idx.msk [tilespmem:v9+s4+$0x0], $0xffff;
	_ =	sdelay $0x2  }
0x206: {  	v7 =	vsub.f32 v7, v10  }
0x207: {  	v22 =	vpop (erf)  }
0x208: {  	v8 =	vsub.f32 v8, v9;
	v7 =	vmul.f32 v22, v7  }
0x209: {  	s23 =	sadd.s32 $0xFFFFFFF8, s17;
	v23 =	vor.u32 s22, v1  }
0x20a: {  	v7 =	vmul.f32 v7, v8;
	v8 =	vmov s23;
	_ =	sdelay $0x1  }
0x20b: {  	v7 =	vadd.f32 v7, v9;
	_ =	sdelay $0x1  }
0x20c: {  	[tilespmem:v23+s13+$0x0] =	vst.idx.msk $0xffff, v7  }
0x20d: {  	v7 =	vld.idx.msk [tilespmem:v8+s9+$0x0], $0xffff  }
0x20e: {  	v8 =	vld.idx.msk [tilespmem:v2+s12+$0x0], $0xffff;
	_ =	sdelay $0x4  }
0x20f: {  	vm4 =	vlt.f32 v8, v7  }
0x210: {  	v8 =	vsel vm4, $0x5F, v5  }
0x211: {  	v24 =	vshll.u32 v8, $0x7  }
0x212: {  	v9 =	vor.u32 v0, v24;
	_ =	sdelay $0x4  }
0x213: {  	v9 =	vld.idx.msk [tilespmem:v9+s12+$0x0], $0xffff;
	_ =	sdelay $0x4  }
0x214: {  	v25 =	vsel vm4, $0x7F, v4;
	vm5 =	vlt.f32 v9, v7  }
0x215: {  	v26 =	vsel vm4, $0x40, v3;
	v27 =	vadd.s32 $0x1, v8;
	v8 =	vsel vm5, v25, v8  }
0x216: {  	v9 =	vsel vm5, v27, v26;
	v10 =	vadd.s32 $0xFFFFFFFF, v8  }
0x217: {  	v10 =	vadd.s32 v10, v9  }
0x218: {  	v10 =	vshrl.u32 v10, $0x1  }
0x219: {  	v28 =	vshll.u32 v10, $0x7  }
0x21a: {  	v11 =	vor.u32 v0, v28;
	_ =	sdelay $0x4  }
0x21b: {  	v11 =	vld.idx.msk [tilespmem:v11+s12+$0x0], $0xffff;
	_ =	sdelay $0x4  }
0x21c: {  	vm6 =	vlt.f32 v11, v7  }
0x21d: {  	v29 =	vadd.s32 $0x1, v10;
	v8 =	vsel vm6, v8, v10  }
0x21e: {  	v9 =	vsel vm6, v29, v9;
	v10 =	vadd.s32 $0xFFFFFFFF, v8  }
0x21f: {  	v11 =	vxor.u32 v10, v9  }
0x220: {  	v10 =	vor.u32 v10, v9;
	v11 =	vshrl.u32 v11, $0x1  }
0x221: {  	v10 =	vsub.s32 v10, v11  }
0x222: {  	v11 =	vshll.u32 v10, $0x7  }
0x223: {  	v11 =	vor.u32 v0, v11;
	_ =	sdelay $0x4  }
0x224: {  	v11 =	vld.idx.msk [tilespmem:v11+s12+$0x0], $0xffff;
	_ =	sdelay $0x4  }
0x225: {  	v30 =	vadd.s32 $0x1, v10;
	vm7 =	vlt.f32 v11, v7  }
0x226: {  	v9 =	vsel vm7, v30, v9;
	v8 =	vsel vm7, v8, v10  }
0x227: {  	v10 =	vadd.s32 v8, v9  }
0x228: {  	v10 =	vshrl.u32 v10, $0x1  }
0x229: {  	v31 =	vshll.u32 v10, $0x7  }
0x22a: {  	v11 =	vor.u32 v0, v31;
	_ =	sdelay $0x4  }
0x22b: {  	v11 =	vld.idx.msk [tilespmem:v11+s12+$0x0], $0xffff;
	_ =	sdelay $0x4  }
0x22c: {  	v32 =	vadd.s32 $0x1, v10;
	vm8 =	vlt.f32 v11, v7  }
0x22d: {  	v9 =	vsel vm8, v32, v9;
	v8 =	vsel vm8, v8, v10  }
0x22e: {  	v10 =	vadd.s32 v8, v9  }
0x22f: {  	v10 =	vshrl.u32 v10, $0x1  }
0x230: {  	v33 =	vshll.u32 v10, $0x7  }
0x231: {  	v11 =	vor.u32 v0, v33;
	_ =	sdelay $0x4  }
0x232: {  	v11 =	vld.idx.msk [tilespmem:v11+s12+$0x0], $0xffff;
	_ =	sdelay $0x4  }
0x233: {  	v34 =	vadd.s32 $0x1, v10;
	vm9 =	vlt.f32 v11, v7  }
0x234: {  	v9 =	vsel vm9, v34, v9;
	v8 =	vsel vm9, v8, v10  }
0x235: {  	v8 =	vadd.s32 v8, v9  }
0x236: {  	v8 =	vshrl.u32 v8, $0x1  }
0x237: {  	v35 =	vshll.u32 v8, $0x7  }
0x238: {  	v10 =	vor.u32 v0, v35;
	_ =	sdelay $0x4  }
0x239: {  	v10 =	vld.idx.msk [tilespmem:v10+s12+$0x0], $0xffff;
	_ =	sdelay $0x4  }
0x23a: {  	v8 =	vadd.s32 $0x1, v8;
	vm10 =	vlt.f32 v10, v7  }
0x23b: {  	v8 =	vsel vm10, v8, v9  }
0x23c: {  	v9 =	vmax.u32 v8, $0x1;
	v8 =	vmin.u32 v8, $0x7E  }
0x23d: {  	v9 =	vsub.s32 v9, v6;
	v37 =	vshll.u32 v8, $0x7  }
0x23e: {  	v36 =	vshll.u32 v9, $0x7;
	v11 =	vor.u32 v0, v37  }
0x23f: {  	v10 =	vor.u32 v0, v36;
	_ =	sdelay $0x3  }
0x240: {  	v11 =	vld.idx.msk [tilespmem:v11+s12+$0x0], $0xffff  }
0x241: {  	v10 =	vld.idx.msk [tilespmem:v10+s12+$0x0], $0xffff;
	_ =	sdelay $0x4  }
0x242: {  	v11 =	vsub.f32 v11, v10;
	_ =	sdelay $0x1  }
0x243: {  	vm11 =	vlt.f32 v11, $9.999999740e-06  }
0x244: {  	v8 =	vor.u32 v1, v8;
	v11 =	vsel vm11, $0x3F800000, v11  }
0x245: {  	v9 =	vor.u32 v1, v9;
	(erf) = vrcp.f32 v11;
	_ =	sdelay $0x3  }
0x246: {  	v8 =	vld.idx.msk [tilespmem:v8+s4+$0x0], $0xffff  }
0x247: {  	v9 =	vld.idx.msk [tilespmem:v9+s4+$0x0], $0xffff;
	_ =	sdelay $0x2  }
0x248: {  	v7 =	vsub.f32 v7, v10  }
0x249: {  	v38 =	vpop (erf)  }
0x24a: {  	v8 =	vsub.f32 v8, v9;
	v7 =	vmul.f32 v38, v7  }
0x24b: {  	s24 =	sadd.s32 $0xFFFFFFF9, s17;
	v39 =	vor.u32 s23, v1  }
0x24c: {  	v7 =	vmul.f32 v7, v8;
	v8 =	vmov s24;
	_ =	sdelay $0x1  }
0x24d: {  	v7 =	vadd.f32 v7, v9;
	_ =	sdelay $0x1  }
0x24e: {  	[tilespmem:v39+s13+$0x0] =	vst.idx.msk $0xffff, v7  }
0x24f: {  	v7 =	vld.idx.msk [tilespmem:v8+s9+$0x0], $0xffff  }
0x250: {  	v8 =	vld.idx.msk [tilespmem:v2+s12+$0x0], $0xffff;
	_ =	sdelay $0x4  }
0x251: {  	vm12 =	vlt.f32 v8, v7  }
0x252: {  	v8 =	vsel vm12, $0x5F, v5  }
0x253: {  	v40 =	vshll.u32 v8, $0x7  }
0x254: {  	v9 =	vor.u32 v0, v40;
	_ =	sdelay $0x4  }
0x255: {  	v9 =	vld.idx.msk [tilespmem:v9+s12+$0x0], $0xffff;
	_ =	sdelay $0x4  }
0x256: {  	v41 =	vsel vm12, $0x7F, v4;
	vm13 =	vlt.f32 v9, v7  }
0x257: {  	v42 =	vsel vm12, $0x40, v3;
	v43 =	vadd.s32 $0x1, v8;
	v8 =	vsel vm13, v41, v8  }
0x258: {  	v9 =	vsel vm13, v43, v42;
	v10 =	vadd.s32 $0xFFFFFFFF, v8  }
0x259: {  	v10 =	vadd.s32 v10, v9  }
0x25a: {  	v10 =	vshrl.u32 v10, $0x1  }
0x25b: {  	v44 =	vshll.u32 v10, $0x7  }
0x25c: {  	v11 =	vor.u32 v0, v44;
	_ =	sdelay $0x4  }
0x25d: {  	v11 =	vld.idx.msk [tilespmem:v11+s12+$0x0], $0xffff;
	_ =	sdelay $0x4  }
0x25e: {  	vm14 =	vlt.f32 v11, v7  }
0x25f: {  	v45 =	vadd.s32 $0x1, v10;
	v8 =	vsel vm14, v8, v10  }
0x260: {  	v9 =	vsel vm14, v45, v9;
	v10 =	vadd.s32 $0xFFFFFFFF, v8  }
0x261: {  	v11 =	vxor.u32 v10, v9  }
0x262: {  	v10 =	vor.u32 v10, v9;
	v11 =	vshrl.u32 v11, $0x1  }
0x263: {  	v10 =	vsub.s32 v10, v11  }
0x264: {  	v11 =	vshll.u32 v10, $0x7  }
0x265: {  	v11 =	vor.u32 v0, v11;
	_ =	sdelay $0x4  }
0x266: {  	v11 =	vld.idx.msk [tilespmem:v11+s12+$0x0], $0xffff;
	_ =	sdelay $0x4  }
0x267: {  	v46 =	vadd.s32 $0x1, v10;
	vm15 =	vlt.f32 v11, v7  }
0x268: {  	v9 =	vsel vm15, v46, v9;
	v8 =	vsel vm15, v8, v10  }
0x269: {  	v10 =	vadd.s32 v8, v9  }
0x26a: {  	v10 =	vshrl.u32 v10, $0x1  }
0x26b: {  	v47 =	vshll.u32 v10, $0x7  }
0x26c: {  	v11 =	vor.u32 v0, v47;
	_ =	sdelay $0x4  }
0x26d: {  	v11 =	vld.idx.msk [tilespmem:v11+s12+$0x0], $0xffff;
	_ =	sdelay $0x4  }
0x26e: {  	v48 =	vadd.s32 $0x1, v10;
	vm4 =	vlt.f32 v11, v7  }
0x26f: {  	v9 =	vsel vm4, v48, v9;
	v8 =	vsel vm4, v8, v10  }
0x270: {  	v10 =	vadd.s32 v8, v9  }
0x271: {  	v10 =	vshrl.u32 v10, $0x1  }
0x272: {  	v49 =	vshll.u32 v10, $0x7  }
0x273: {  	v11 =	vor.u32 v0, v49;
	_ =	sdelay $0x4  }
0x274: {  	v11 =	vld.idx.msk [tilespmem:v11+s12+$0x0], $0xffff;
	_ =	sdelay $0x4  }
0x275: {  	v50 =	vadd.s32 $0x1, v10;
	vm5 =	vlt.f32 v11, v7  }
0x276: {  	v9 =	vsel vm5, v50, v9;
	v8 =	vsel vm5, v8, v10  }
0x277: {  	v8 =	vadd.s32 v8, v9  }
0x278: {  	v8 =	vshrl.u32 v8, $0x1  }
0x279: {  	v51 =	vshll.u32 v8, $0x7  }
0x27a: {  	v10 =	vor.u32 v0, v51;
	_ =	sdelay $0x4  }
0x27b: {  	v10 =	vld.idx.msk [tilespmem:v10+s12+$0x0], $0xffff;
	_ =	sdelay $0x4  }
0x27c: {  	v8 =	vadd.s32 $0x1, v8;
	vm6 =	vlt.f32 v10, v7  }
0x27d: {  	v8 =	vsel vm6, v8, v9  }
0x27e: {  	v9 =	vmax.u32 v8, $0x1;
	v8 =	vmin.u32 v8, $0x7E  }
0x27f: {  	v9 =	vsub.s32 v9, v6;
	v53 =	vshll.u32 v8, $0x7  }
0x280: {  	v52 =	vshll.u32 v9, $0x7;
	v11 =	vor.u32 v0, v53  }
0x281: {  	v10 =	vor.u32 v0, v52;
	_ =	sdelay $0x3  }
0x282: {  	v11 =	vld.idx.msk [tilespmem:v11+s12+$0x0], $0xffff  }
0x283: {  	v10 =	vld.idx.msk [tilespmem:v10+s12+$0x0], $0xffff;
	_ =	sdelay $0x4  }
0x284: {  	v11 =	vsub.f32 v11, v10;
	_ =	sdelay $0x1  }
0x285: {  	vm7 =	vlt.f32 v11, $9.999999740e-06  }
0x286: {  	v8 =	vor.u32 v1, v8;
	v11 =	vsel vm7, $0x3F800000, v11  }
0x287: {  	v9 =	vor.u32 v1, v9;
	(erf) = vrcp.f32 v11;
	_ =	sdelay $0x3  }
0x288: {  	v8 =	vld.idx.msk [tilespmem:v8+s4+$0x0], $0xffff  }
0x289: {  	v9 =	vld.idx.msk [tilespmem:v9+s4+$0x0], $0xffff;
	_ =	sdelay $0x2  }
0x28a: {  	v7 =	vsub.f32 v7, v10  }
0x28b: {  	v54 =	vpop (erf)  }
0x28c: {  	v8 =	vsub.f32 v8, v9;
	v7 =	vmul.f32 v54, v7  }
0x28d: {  	s25 =	sadd.s32 $0xFFFFFFFA, s17;
	v55 =	vor.u32 s24, v1  }
0x28e: {  	v7 =	vmul.f32 v7, v8;
	v8 =	vmov s25;
	_ =	sdelay $0x1  }
0x28f: {  	v7 =	vadd.f32 v7, v9;
	_ =	sdelay $0x1  }
0x290: {  	[tilespmem:v55+s13+$0x0] =	vst.idx.msk $0xffff, v7  }
0x291: {  	v7 =	vld.idx.msk [tilespmem:v8+s9+$0x0], $0xffff  }
0x292: {  	v8 =	vld.idx.msk [tilespmem:v2+s12+$0x0], $0xffff;
	_ =	sdelay $0x4  }
0x293: {  	vm8 =	vlt.f32 v8, v7  }
0x294: {  	v8 =	vsel vm8, $0x5F, v5  }
0x295: {  	v56 =	vshll.u32 v8, $0x7  }
0x296: {  	v9 =	vor.u32 v0, v56;
	_ =	sdelay $0x4  }
0x297: {  	v9 =	vld.idx.msk [tilespmem:v9+s12+$0x0], $0xffff;
	_ =	sdelay $0x4  }
0x298: {  	v57 =	vsel vm8, $0x7F, v4;
	vm9 =	vlt.f32 v9, v7  }
0x299: {  	v58 =	vsel vm8, $0x40, v3;
	v59 =	vadd.s32 $0x1, v8;
	v8 =	vsel vm9, v57, v8  }
0x29a: {  	v9 =	vsel vm9, v59, v58;
	v10 =	vadd.s32 $0xFFFFFFFF, v8  }
0x29b: {  	v10 =	vadd.s32 v10, v9  }
0x29c: {  	v10 =	vshrl.u32 v10, $0x1  }
0x29d: {  	v60 =	vshll.u32 v10, $0x7  }
0x29e: {  	v11 =	vor.u32 v0, v60;
	_ =	sdelay $0x4  }
0x29f: {  	v11 =	vld.idx.msk [tilespmem:v11+s12+$0x0], $0xffff;
	_ =	sdelay $0x4  }
0x2a0: {  	vm10 =	vlt.f32 v11, v7  }
0x2a1: {  	v61 =	vadd.s32 $0x1, v10;
	v8 =	vsel vm10, v8, v10  }
0x2a2: {  	v9 =	vsel vm10, v61, v9;
	v10 =	vadd.s32 $0xFFFFFFFF, v8  }
0x2a3: {  	v11 =	vxor.u32 v10, v9  }
0x2a4: {  	v10 =	vor.u32 v10, v9;
	v11 =	vshrl.u32 v11, $0x1  }
0x2a5: {  	v10 =	vsub.s32 v10, v11  }
0x2a6: {  	v11 =	vshll.u32 v10, $0x7  }
0x2a7: {  	v11 =	vor.u32 v0, v11;
	_ =	sdelay $0x4  }
0x2a8: {  	v11 =	vld.idx.msk [tilespmem:v11+s12+$0x0], $0xffff;
	_ =	sdelay $0x4  }
0x2a9: {  	v62 =	vadd.s32 $0x1, v10;
	vm11 =	vlt.f32 v11, v7  }
0x2aa: {  	v9 =	vsel vm11, v62, v9;
	v8 =	vsel vm11, v8, v10  }
0x2ab: {  	v10 =	vadd.s32 v8, v9  }
0x2ac: {  	v10 =	vshrl.u32 v10, $0x1  }
0x2ad: {  	v63 =	vshll.u32 v10, $0x7  }
0x2ae: {  	v11 =	vor.u32 v0, v63;
	_ =	sdelay $0x4  }
0x2af: {  	v11 =	vld.idx.msk [tilespmem:v11+s12+$0x0], $0xffff;
	_ =	sdelay $0x4  }
0x2b0: {  	v12 =	vadd.s32 $0x1, v10;
	vm12 =	vlt.f32 v11, v7  }
0x2b1: {  	v9 =	vsel vm12, v12, v9;
	v8 =	vsel vm12, v8, v10  }
0x2b2: {  	v10 =	vadd.s32 v8, v9  }
0x2b3: {  	v10 =	vshrl.u32 v10, $0x1  }
0x2b4: {  	v13 =	vshll.u32 v10, $0x7  }
0x2b5: {  	v11 =	vor.u32 v0, v13;
	_ =	sdelay $0x4  }
0x2b6: {  	v11 =	vld.idx.msk [tilespmem:v11+s12+$0x0], $0xffff;
	_ =	sdelay $0x4  }
0x2b7: {  	v14 =	vadd.s32 $0x1, v10;
	vm13 =	vlt.f32 v11, v7  }
0x2b8: {  	v9 =	vsel vm13, v14, v9;
	v8 =	vsel vm13, v8, v10  }
0x2b9: {  	v8 =	vadd.s32 v8, v9  }
0x2ba: {  	v8 =	vshrl.u32 v8, $0x1  }
0x2bb: {  	v15 =	vshll.u32 v8, $0x7  }
0x2bc: {  	v10 =	vor.u32 v0, v15;
	_ =	sdelay $0x4  }
0x2bd: {  	v10 =	vld.idx.msk [tilespmem:v10+s12+$0x0], $0xffff;
	_ =	sdelay $0x4  }
0x2be: {  	v8 =	vadd.s32 $0x1, v8;
	vm14 =	vlt.f32 v10, v7  }
0x2bf: {  	v8 =	vsel vm14, v8, v9  }
0x2c0: {  	v9 =	vmax.u32 v8, $0x1;
	v8 =	vmin.u32 v8, $0x7E  }
0x2c1: {  	v9 =	vsub.s32 v9, v6;
	v17 =	vshll.u32 v8, $0x7  }
0x2c2: {  	v16 =	vshll.u32 v9, $0x7;
	v11 =	vor.u32 v0, v17  }
0x2c3: {  	v10 =	vor.u32 v0, v16;
	_ =	sdelay $0x3  }
0x2c4: {  	v11 =	vld.idx.msk [tilespmem:v11+s12+$0x0], $0xffff  }
0x2c5: {  	v10 =	vld.idx.msk [tilespmem:v10+s12+$0x0], $0xffff;
	_ =	sdelay $0x4  }
0x2c6: {  	v11 =	vsub.f32 v11, v10;
	_ =	sdelay $0x1  }
0x2c7: {  	vm15 =	vlt.f32 v11, $9.999999740e-06  }
0x2c8: {  	v8 =	vor.u32 v1, v8;
	v11 =	vsel vm15, $0x3F800000, v11  }
0x2c9: {  	v9 =	vor.u32 v1, v9;
	(erf) = vrcp.f32 v11;
	_ =	sdelay $0x3  }
0x2ca: {  	v8 =	vld.idx.msk [tilespmem:v8+s4+$0x0], $0xffff  }
0x2cb: {  	v9 =	vld.idx.msk [tilespmem:v9+s4+$0x0], $0xffff;
	_ =	sdelay $0x2  }
0x2cc: {  	v7 =	vsub.f32 v7, v10  }
0x2cd: {  	v18 =	vpop (erf)  }
0x2ce: {  	v8 =	vsub.f32 v8, v9;
	v7 =	vmul.f32 v18, v7  }
0x2cf: {  	s26 =	sadd.s32 $0xFFFFFFFB, s17;
	v19 =	vor.u32 s25, v1  }
0x2d0: {  	v7 =	vmul.f32 v7, v8;
	v8 =	vmov s26;
	_ =	sdelay $0x1  }
0x2d1: {  	v7 =	vadd.f32 v7, v9;
	_ =	sdelay $0x1  }
0x2d2: {  	[tilespmem:v19+s13+$0x0] =	vst.idx.msk $0xffff, v7  }
0x2d3: {  	v7 =	vld.idx.msk [tilespmem:v8+s9+$0x0], $0xffff  }
0x2d4: {  	v8 =	vld.idx.msk [tilespmem:v2+s12+$0x0], $0xffff;
	_ =	sdelay $0x4  }
0x2d5: {  	vm4 =	vlt.f32 v8, v7  }
0x2d6: {  	v8 =	vsel vm4, $0x5F, v5  }
0x2d7: {  	v20 =	vshll.u32 v8, $0x7  }
0x2d8: {  	v9 =	vor.u32 v0, v20;
	_ =	sdelay $0x4  }
0x2d9: {  	v9 =	vld.idx.msk [tilespmem:v9+s12+$0x0], $0xffff;
	_ =	sdelay $0x4  }
0x2da: {  	v21 =	vsel vm4, $0x7F, v4;
	vm5 =	vlt.f32 v9, v7  }
0x2db: {  	v22 =	vsel vm4, $0x40, v3;
	v23 =	vadd.s32 $0x1, v8;
	v8 =	vsel vm5, v21, v8  }
0x2dc: {  	v9 =	vsel vm5, v23, v22;
	v10 =	vadd.s32 $0xFFFFFFFF, v8  }
0x2dd: {  	v10 =	vadd.s32 v10, v9  }
0x2de: {  	v10 =	vshrl.u32 v10, $0x1  }
0x2df: {  	v24 =	vshll.u32 v10, $0x7  }
0x2e0: {  	v11 =	vor.u32 v0, v24;
	_ =	sdelay $0x4  }
0x2e1: {  	v11 =	vld.idx.msk [tilespmem:v11+s12+$0x0], $0xffff;
	_ =	sdelay $0x4  }
0x2e2: {  	vm6 =	vlt.f32 v11, v7  }
0x2e3: {  	v25 =	vadd.s32 $0x1, v10;
	v8 =	vsel vm6, v8, v10  }
0x2e4: {  	v9 =	vsel vm6, v25, v9;
	v10 =	vadd.s32 $0xFFFFFFFF, v8  }
0x2e5: {  	v11 =	vxor.u32 v10, v9  }
0x2e6: {  	v10 =	vor.u32 v10, v9;
	v11 =	vshrl.u32 v11, $0x1  }
0x2e7: {  	v10 =	vsub.s32 v10, v11  }
0x2e8: {  	v11 =	vshll.u32 v10, $0x7  }
0x2e9: {  	v11 =	vor.u32 v0, v11;
	_ =	sdelay $0x4  }
0x2ea: {  	v11 =	vld.idx.msk [tilespmem:v11+s12+$0x0], $0xffff;
	_ =	sdelay $0x4  }
0x2eb: {  	v26 =	vadd.s32 $0x1, v10;
	vm7 =	vlt.f32 v11, v7  }
0x2ec: {  	v9 =	vsel vm7, v26, v9;
	v8 =	vsel vm7, v8, v10  }
0x2ed: {  	v10 =	vadd.s32 v8, v9  }
0x2ee: {  	v10 =	vshrl.u32 v10, $0x1  }
0x2ef: {  	v27 =	vshll.u32 v10, $0x7  }
0x2f0: {  	v11 =	vor.u32 v0, v27;
	_ =	sdelay $0x4  }
0x2f1: {  	v11 =	vld.idx.msk [tilespmem:v11+s12+$0x0], $0xffff;
	_ =	sdelay $0x4  }
0x2f2: {  	v28 =	vadd.s32 $0x1, v10;
	vm8 =	vlt.f32 v11, v7  }
0x2f3: {  	v9 =	vsel vm8, v28, v9;
	v8 =	vsel vm8, v8, v10  }
0x2f4: {  	v10 =	vadd.s32 v8, v9  }
0x2f5: {  	v10 =	vshrl.u32 v10, $0x1  }
0x2f6: {  	v29 =	vshll.u32 v10, $0x7  }
0x2f7: {  	v11 =	vor.u32 v0, v29;
	_ =	sdelay $0x4  }
0x2f8: {  	v11 =	vld.idx.msk [tilespmem:v11+s12+$0x0], $0xffff;
	_ =	sdelay $0x4  }
0x2f9: {  	v30 =	vadd.s32 $0x1, v10;
	vm9 =	vlt.f32 v11, v7  }
0x2fa: {  	v9 =	vsel vm9, v30, v9;
	v8 =	vsel vm9, v8, v10  }
0x2fb: {  	v8 =	vadd.s32 v8, v9  }
0x2fc: {  	v8 =	vshrl.u32 v8, $0x1  }
0x2fd: {  	v31 =	vshll.u32 v8, $0x7  }
0x2fe: {  	v10 =	vor.u32 v0, v31;
	_ =	sdelay $0x4  }
0x2ff: {  	v10 =	vld.idx.msk [tilespmem:v10+s12+$0x0], $0xffff;
	_ =	sdelay $0x4  }
0x300: {  	v8 =	vadd.s32 $0x1, v8;
	vm10 =	vlt.f32 v10, v7  }
0x301: {  	v8 =	vsel vm10, v8, v9  }
0x302: {  	v9 =	vmax.u32 v8, $0x1;
	v8 =	vmin.u32 v8, $0x7E  }
0x303: {  	v9 =	vsub.s32 v9, v6;
	v33 =	vshll.u32 v8, $0x7  }
0x304: {  	v32 =	vshll.u32 v9, $0x7;
	v11 =	vor.u32 v0, v33  }
0x305: {  	v10 =	vor.u32 v0, v32;
	_ =	sdelay $0x3  }
0x306: {  	v11 =	vld.idx.msk [tilespmem:v11+s12+$0x0], $0xffff  }
0x307: {  	v10 =	vld.idx.msk [tilespmem:v10+s12+$0x0], $0xffff;
	_ =	sdelay $0x4  }
0x308: {  	v11 =	vsub.f32 v11, v10;
	_ =	sdelay $0x1  }
0x309: {  	vm11 =	vlt.f32 v11, $9.999999740e-06  }
0x30a: {  	v8 =	vor.u32 v1, v8;
	v11 =	vsel vm11, $0x3F800000, v11  }
0x30b: {  	v9 =	vor.u32 v1, v9;
	(erf) = vrcp.f32 v11;
	_ =	sdelay $0x3  }
0x30c: {  	v8 =	vld.idx.msk [tilespmem:v8+s4+$0x0], $0xffff  }
0x30d: {  	v9 =	vld.idx.msk [tilespmem:v9+s4+$0x0], $0xffff;
	_ =	sdelay $0x2  }
0x30e: {  	v7 =	vsub.f32 v7, v10  }
0x30f: {  	v34 =	vpop (erf)  }
0x310: {  	v8 =	vsub.f32 v8, v9;
	v7 =	vmul.f32 v34, v7  }
0x311: {  	s28 =	sadd.s32 $0xFFFFFFFC, s17;
	v35 =	vor.u32 s26, v1  }
0x312: {  	v7 =	vmul.f32 v7, v8;
	v8 =	vmov s28;
	_ =	sdelay $0x1  }
0x313: {  	v7 =	vadd.f32 v7, v9;
	_ =	sdelay $0x1  }
0x314: {  	[tilespmem:v35+s13+$0x0] =	vst.idx.msk $0xffff, v7  }
0x315: {  	v7 =	vld.idx.msk [tilespmem:v8+s9+$0x0], $0xffff  }
0x316: {  	v8 =	vld.idx.msk [tilespmem:v2+s12+$0x0], $0xffff;
	_ =	sdelay $0x4  }
0x317: {  	vm12 =	vlt.f32 v8, v7  }
0x318: {  	v8 =	vsel vm12, $0x5F, v5  }
0x319: {  	v36 =	vshll.u32 v8, $0x7  }
0x31a: {  	v9 =	vor.u32 v0, v36;
	_ =	sdelay $0x4  }
0x31b: {  	v9 =	vld.idx.msk [tilespmem:v9+s12+$0x0], $0xffff;
	_ =	sdelay $0x4  }
0x31c: {  	v37 =	vsel vm12, $0x7F, v4;
	vm13 =	vlt.f32 v9, v7  }
0x31d: {  	v38 =	vsel vm12, $0x40, v3;
	v39 =	vadd.s32 $0x1, v8;
	v8 =	vsel vm13, v37, v8  }
0x31e: {  	v9 =	vsel vm13, v39, v38;
	v10 =	vadd.s32 $0xFFFFFFFF, v8  }
0x31f: {  	v10 =	vadd.s32 v10, v9  }
0x320: {  	v10 =	vshrl.u32 v10, $0x1  }
0x321: {  	v40 =	vshll.u32 v10, $0x7  }
0x322: {  	v11 =	vor.u32 v0, v40;
	_ =	sdelay $0x4  }
0x323: {  	v11 =	vld.idx.msk [tilespmem:v11+s12+$0x0], $0xffff;
	_ =	sdelay $0x4  }
0x324: {  	vm14 =	vlt.f32 v11, v7  }
0x325: {  	v41 =	vadd.s32 $0x1, v10;
	v8 =	vsel vm14, v8, v10  }
0x326: {  	v9 =	vsel vm14, v41, v9;
	v10 =	vadd.s32 $0xFFFFFFFF, v8  }
0x327: {  	v11 =	vxor.u32 v10, v9  }
0x328: {  	v10 =	vor.u32 v10, v9;
	v11 =	vshrl.u32 v11, $0x1  }
0x329: {  	v10 =	vsub.s32 v10, v11  }
0x32a: {  	v11 =	vshll.u32 v10, $0x7  }
0x32b: {  	v11 =	vor.u32 v0, v11;
	_ =	sdelay $0x4  }
0x32c: {  	v11 =	vld.idx.msk [tilespmem:v11+s12+$0x0], $0xffff;
	_ =	sdelay $0x4  }
0x32d: {  	v42 =	vadd.s32 $0x1, v10;
	vm15 =	vlt.f32 v11, v7  }
0x32e: {  	v9 =	vsel vm15, v42, v9;
	v8 =	vsel vm15, v8, v10  }
0x32f: {  	v10 =	vadd.s32 v8, v9  }
0x330: {  	v10 =	vshrl.u32 v10, $0x1  }
0x331: {  	v43 =	vshll.u32 v10, $0x7  }
0x332: {  	v11 =	vor.u32 v0, v43;
	_ =	sdelay $0x4  }
0x333: {  	v11 =	vld.idx.msk [tilespmem:v11+s12+$0x0], $0xffff;
	_ =	sdelay $0x4  }
0x334: {  	v44 =	vadd.s32 $0x1, v10;
	vm4 =	vlt.f32 v11, v7  }
0x335: {  	v9 =	vsel vm4, v44, v9;
	v8 =	vsel vm4, v8, v10  }
0x336: {  	v10 =	vadd.s32 v8, v9  }
0x337: {  	v10 =	vshrl.u32 v10, $0x1  }
0x338: {  	v45 =	vshll.u32 v10, $0x7  }
0x339: {  	v11 =	vor.u32 v0, v45;
	_ =	sdelay $0x4  }
0x33a: {  	v11 =	vld.idx.msk [tilespmem:v11+s12+$0x0], $0xffff;
	_ =	sdelay $0x4  }
0x33b: {  	v46 =	vadd.s32 $0x1, v10;
	vm5 =	vlt.f32 v11, v7  }
0x33c: {  	v9 =	vsel vm5, v46, v9;
	v8 =	vsel vm5, v8, v10  }
0x33d: {  	v8 =	vadd.s32 v8, v9  }
0x33e: {  	v8 =	vshrl.u32 v8, $0x1  }
0x33f: {  	v47 =	vshll.u32 v8, $0x7  }
0x340: {  	v10 =	vor.u32 v0, v47;
	_ =	sdelay $0x4  }
0x341: {  	v10 =	vld.idx.msk [tilespmem:v10+s12+$0x0], $0xffff;
	_ =	sdelay $0x4  }
0x342: {  	v8 =	vadd.s32 $0x1, v8;
	vm6 =	vlt.f32 v10, v7  }
0x343: {  	v8 =	vsel vm6, v8, v9  }
0x344: {  	v9 =	vmax.u32 v8, $0x1;
	v8 =	vmin.u32 v8, $0x7E  }
0x345: {  	v9 =	vsub.s32 v9, v6;
	v49 =	vshll.u32 v8, $0x7  }
0x346: {  	v48 =	vshll.u32 v9, $0x7;
	v11 =	vor.u32 v0, v49  }
0x347: {  	v10 =	vor.u32 v0, v48;
	_ =	sdelay $0x3  }
0x348: {  	v11 =	vld.idx.msk [tilespmem:v11+s12+$0x0], $0xffff  }
0x349: {  	v10 =	vld.idx.msk [tilespmem:v10+s12+$0x0], $0xffff;
	_ =	sdelay $0x4  }
0x34a: {  	v11 =	vsub.f32 v11, v10;
	_ =	sdelay $0x1  }
0x34b: {  	vm7 =	vlt.f32 v11, $9.999999740e-06  }
0x34c: {  	v8 =	vor.u32 v1, v8;
	v11 =	vsel vm7, $0x3F800000, v11  }
0x34d: {  	v9 =	vor.u32 v1, v9;
	(erf) = vrcp.f32 v11;
	_ =	sdelay $0x3  }
0x34e: {  	v8 =	vld.idx.msk [tilespmem:v8+s4+$0x0], $0xffff  }
0x34f: {  	v9 =	vld.idx.msk [tilespmem:v9+s4+$0x0], $0xffff;
	_ =	sdelay $0x2  }
0x350: {  	v7 =	vsub.f32 v7, v10  }
0x351: {  	v50 =	vpop (erf)  }
0x352: {  	v8 =	vsub.f32 v8, v9;
	v7 =	vmul.f32 v50, v7  }
0x353: {  	s29 =	sadd.s32 $0xFFFFFFFD, s17;
	v51 =	vor.u32 s28, v1  }
0x354: {  	v7 =	vmul.f32 v7, v8;
	v8 =	vmov s29;
	_ =	sdelay $0x1  }
0x355: {  	v7 =	vadd.f32 v7, v9;
	_ =	sdelay $0x1  }
0x356: {  	[tilespmem:v51+s13+$0x0] =	vst.idx.msk $0xffff, v7  }
0x357: {  	v7 =	vld.idx.msk [tilespmem:v8+s9+$0x0], $0xffff  }
0x358: {  	v8 =	vld.idx.msk [tilespmem:v2+s12+$0x0], $0xffff;
	_ =	sdelay $0x4  }
0x359: {  	vm8 =	vlt.f32 v8, v7  }
0x35a: {  	v8 =	vsel vm8, $0x5F, v5  }
0x35b: {  	v52 =	vshll.u32 v8, $0x7  }
0x35c: {  	v9 =	vor.u32 v0, v52;
	_ =	sdelay $0x4  }
0x35d: {  	v9 =	vld.idx.msk [tilespmem:v9+s12+$0x0], $0xffff;
	_ =	sdelay $0x4  }
0x35e: {  	v53 =	vsel vm8, $0x7F, v4;
	vm9 =	vlt.f32 v9, v7  }
0x35f: {  	v54 =	vsel vm8, $0x40, v3;
	v55 =	vadd.s32 $0x1, v8;
	v8 =	vsel vm9, v53, v8  }
0x360: {  	v9 =	vsel vm9, v55, v54;
	v10 =	vadd.s32 $0xFFFFFFFF, v8  }
0x361: {  	v10 =	vadd.s32 v10, v9  }
0x362: {  	v10 =	vshrl.u32 v10, $0x1  }
0x363: {  	v56 =	vshll.u32 v10, $0x7  }
0x364: {  	v11 =	vor.u32 v0, v56;
	_ =	sdelay $0x4  }
0x365: {  	v11 =	vld.idx.msk [tilespmem:v11+s12+$0x0], $0xffff;
	_ =	sdelay $0x4  }
0x366: {  	vm10 =	vlt.f32 v11, v7  }
0x367: {  	v57 =	vadd.s32 $0x1, v10;
	v8 =	vsel vm10, v8, v10  }
0x368: {  	v9 =	vsel vm10, v57, v9;
	v10 =	vadd.s32 $0xFFFFFFFF, v8  }
0x369: {  	v11 =	vxor.u32 v10, v9  }
0x36a: {  	v10 =	vor.u32 v10, v9;
	v11 =	vshrl.u32 v11, $0x1  }
0x36b: {  	v10 =	vsub.s32 v10, v11  }
0x36c: {  	v11 =	vshll.u32 v10, $0x7  }
0x36d: {  	v11 =	vor.u32 v0, v11;
	_ =	sdelay $0x4  }
0x36e: {  	v11 =	vld.idx.msk [tilespmem:v11+s12+$0x0], $0xffff;
	_ =	sdelay $0x4  }
0x36f: {  	v58 =	vadd.s32 $0x1, v10;
	vm11 =	vlt.f32 v11, v7  }
0x370: {  	v9 =	vsel vm11, v58, v9;
	v8 =	vsel vm11, v8, v10  }
0x371: {  	v10 =	vadd.s32 v8, v9  }
0x372: {  	v10 =	vshrl.u32 v10, $0x1  }
0x373: {  	v59 =	vshll.u32 v10, $0x7  }
0x374: {  	v11 =	vor.u32 v0, v59;
	_ =	sdelay $0x4  }
0x375: {  	v11 =	vld.idx.msk [tilespmem:v11+s12+$0x0], $0xffff;
	_ =	sdelay $0x4  }
0x376: {  	v60 =	vadd.s32 $0x1, v10;
	vm12 =	vlt.f32 v11, v7  }
0x377: {  	v9 =	vsel vm12, v60, v9;
	v8 =	vsel vm12, v8, v10  }
0x378: {  	v10 =	vadd.s32 v8, v9  }
0x379: {  	v10 =	vshrl.u32 v10, $0x1  }
0x37a: {  	v61 =	vshll.u32 v10, $0x7  }
0x37b: {  	v11 =	vor.u32 v0, v61;
	_ =	sdelay $0x4  }
0x37c: {  	v11 =	vld.idx.msk [tilespmem:v11+s12+$0x0], $0xffff;
	_ =	sdelay $0x4  }
0x37d: {  	v62 =	vadd.s32 $0x1, v10;
	vm13 =	vlt.f32 v11, v7  }
0x37e: {  	v9 =	vsel vm13, v62, v9;
	v8 =	vsel vm13, v8, v10  }
0x37f: {  	v8 =	vadd.s32 v8, v9  }
0x380: {  	v8 =	vshrl.u32 v8, $0x1  }
0x381: {  	v63 =	vshll.u32 v8, $0x7  }
0x382: {  	v10 =	vor.u32 v0, v63;
	_ =	sdelay $0x4  }
0x383: {  	v10 =	vld.idx.msk [tilespmem:v10+s12+$0x0], $0xffff;
	_ =	sdelay $0x4  }
0x384: {  	v8 =	vadd.s32 $0x1, v8;
	vm14 =	vlt.f32 v10, v7  }
0x385: {  	v8 =	vsel vm14, v8, v9  }
0x386: {  	v9 =	vmax.u32 v8, $0x1;
	v8 =	vmin.u32 v8, $0x7E  }
0x387: {  	v9 =	vsub.s32 v9, v6;
	v13 =	vshll.u32 v8, $0x7  }
0x388: {  	v12 =	vshll.u32 v9, $0x7;
	v11 =	vor.u32 v0, v13  }
0x389: {  	v10 =	vor.u32 v0, v12;
	_ =	sdelay $0x3  }
0x38a: {  	v11 =	vld.idx.msk [tilespmem:v11+s12+$0x0], $0xffff  }
0x38b: {  	v10 =	vld.idx.msk [tilespmem:v10+s12+$0x0], $0xffff;
	_ =	sdelay $0x4  }
0x38c: {  	v11 =	vsub.f32 v11, v10;
	_ =	sdelay $0x1  }
0x38d: {  	vm15 =	vlt.f32 v11, $9.999999740e-06  }
0x38e: {  	v8 =	vor.u32 v1, v8;
	v11 =	vsel vm15, $0x3F800000, v11  }
0x38f: {  	v9 =	vor.u32 v1, v9;
	(erf) = vrcp.f32 v11;
	_ =	sdelay $0x3  }
0x390: {  	v8 =	vld.idx.msk [tilespmem:v8+s4+$0x0], $0xffff  }
0x391: {  	v9 =	vld.idx.msk [tilespmem:v9+s4+$0x0], $0xffff;
	_ =	sdelay $0x2  }
0x392: {  	v7 =	vsub.f32 v7, v10  }
0x393: {  	v14 =	vpop (erf)  }
0x394: {  	v8 =	vsub.f32 v8, v9;
	v7 =	vmul.f32 v14, v7  }
0x395: {  	s30 =	sadd.s32 $0xFFFFFFFE, s17;
	v15 =	vor.u32 s29, v1  }
0x396: {  	v7 =	vmul.f32 v7, v8;
	v8 =	vmov s30;
	_ =	sdelay $0x1  }
0x397: {  	v7 =	vadd.f32 v7, v9;
	_ =	sdelay $0x1  }
0x398: {  	[tilespmem:v15+s13+$0x0] =	vst.idx.msk $0xffff, v7  }
0x399: {  	v7 =	vld.idx.msk [tilespmem:v8+s9+$0x0], $0xffff  }
0x39a: {  	v8 =	vld.idx.msk [tilespmem:v2+s12+$0x0], $0xffff;
	_ =	sdelay $0x4  }
0x39b: {  	vm4 =	vlt.f32 v8, v7  }
0x39c: {  	v8 =	vsel vm4, $0x5F, v5  }
0x39d: {  	v16 =	vshll.u32 v8, $0x7  }
0x39e: {  	v9 =	vor.u32 v0, v16;
	_ =	sdelay $0x4  }
0x39f: {  	v9 =	vld.idx.msk [tilespmem:v9+s12+$0x0], $0xffff;
	_ =	sdelay $0x4  }
0x3a0: {  	v17 =	vsel vm4, $0x7F, v4;
	vm5 =	vlt.f32 v9, v7  }
0x3a1: {  	v18 =	vsel vm4, $0x40, v3;
	v19 =	vadd.s32 $0x1, v8;
	v8 =	vsel vm5, v17, v8  }
0x3a2: {  	v9 =	vsel vm5, v19, v18;
	v10 =	vadd.s32 $0xFFFFFFFF, v8  }
0x3a3: {  	v10 =	vadd.s32 v10, v9  }
0x3a4: {  	v10 =	vshrl.u32 v10, $0x1  }
0x3a5: {  	v20 =	vshll.u32 v10, $0x7  }
0x3a6: {  	v11 =	vor.u32 v0, v20;
	_ =	sdelay $0x4  }
0x3a7: {  	v11 =	vld.idx.msk [tilespmem:v11+s12+$0x0], $0xffff;
	_ =	sdelay $0x4  }
0x3a8: {  	vm6 =	vlt.f32 v11, v7  }
0x3a9: {  	v21 =	vadd.s32 $0x1, v10;
	v8 =	vsel vm6, v8, v10  }
0x3aa: {  	v9 =	vsel vm6, v21, v9;
	v10 =	vadd.s32 $0xFFFFFFFF, v8  }
0x3ab: {  	v11 =	vxor.u32 v10, v9  }
0x3ac: {  	v10 =	vor.u32 v10, v9;
	v11 =	vshrl.u32 v11, $0x1  }
0x3ad: {  	v10 =	vsub.s32 v10, v11  }
0x3ae: {  	v11 =	vshll.u32 v10, $0x7  }
0x3af: {  	v11 =	vor.u32 v0, v11;
	_ =	sdelay $0x4  }
0x3b0: {  	v11 =	vld.idx.msk [tilespmem:v11+s12+$0x0], $0xffff;
	_ =	sdelay $0x4  }
0x3b1: {  	v22 =	vadd.s32 $0x1, v10;
	vm7 =	vlt.f32 v11, v7  }
0x3b2: {  	v9 =	vsel vm7, v22, v9;
	v8 =	vsel vm7, v8, v10  }
0x3b3: {  	v10 =	vadd.s32 v8, v9  }
0x3b4: {  	v10 =	vshrl.u32 v10, $0x1  }
0x3b5: {  	v23 =	vshll.u32 v10, $0x7  }
0x3b6: {  	v11 =	vor.u32 v0, v23;
	_ =	sdelay $0x4  }
0x3b7: {  	v11 =	vld.idx.msk [tilespmem:v11+s12+$0x0], $0xffff;
	_ =	sdelay $0x4  }
0x3b8: {  	v24 =	vadd.s32 $0x1, v10;
	vm8 =	vlt.f32 v11, v7  }
0x3b9: {  	v9 =	vsel vm8, v24, v9;
	v8 =	vsel vm8, v8, v10  }
0x3ba: {  	v10 =	vadd.s32 v8, v9  }
0x3bb: {  	v10 =	vshrl.u32 v10, $0x1  }
0x3bc: {  	v25 =	vshll.u32 v10, $0x7  }
0x3bd: {  	v11 =	vor.u32 v0, v25;
	_ =	sdelay $0x4  }
0x3be: {  	v11 =	vld.idx.msk [tilespmem:v11+s12+$0x0], $0xffff;
	_ =	sdelay $0x4  }
0x3bf: {  	v26 =	vadd.s32 $0x1, v10;
	vm9 =	vlt.f32 v11, v7  }
0x3c0: {  	v9 =	vsel vm9, v26, v9;
	v8 =	vsel vm9, v8, v10  }
0x3c1: {  	v8 =	vadd.s32 v8, v9  }
0x3c2: {  	v8 =	vshrl.u32 v8, $0x1  }
0x3c3: {  	v27 =	vshll.u32 v8, $0x7  }
0x3c4: {  	v10 =	vor.u32 v0, v27;
	_ =	sdelay $0x4  }
0x3c5: {  	v10 =	vld.idx.msk [tilespmem:v10+s12+$0x0], $0xffff;
	_ =	sdelay $0x4  }
0x3c6: {  	v8 =	vadd.s32 $0x1, v8;
	vm10 =	vlt.f32 v10, v7  }
0x3c7: {  	v8 =	vsel vm10, v8, v9  }
0x3c8: {  	v9 =	vmax.u32 v8, $0x1;
	v8 =	vmin.u32 v8, $0x7E  }
0x3c9: {  	v9 =	vsub.s32 v9, v6;
	v29 =	vshll.u32 v8, $0x7  }
0x3ca: {  	v28 =	vshll.u32 v9, $0x7;
	v11 =	vor.u32 v0, v29  }
0x3cb: {  	v10 =	vor.u32 v0, v28;
	_ =	sdelay $0x3  }
0x3cc: {  	v11 =	vld.idx.msk [tilespmem:v11+s12+$0x0], $0xffff  }
0x3cd: {  	v10 =	vld.idx.msk [tilespmem:v10+s12+$0x0], $0xffff;
	_ =	sdelay $0x4  }
0x3ce: {  	v11 =	vsub.f32 v11, v10;
	_ =	sdelay $0x1  }
0x3cf: {  	vm11 =	vlt.f32 v11, $9.999999740e-06  }
0x3d0: {  	v8 =	vor.u32 v1, v8;
	v11 =	vsel vm11, $0x3F800000, v11  }
0x3d1: {  	v9 =	vor.u32 v1, v9;
	(erf) = vrcp.f32 v11;
	_ =	sdelay $0x3  }
0x3d2: {  	v8 =	vld.idx.msk [tilespmem:v8+s4+$0x0], $0xffff  }
0x3d3: {  	v9 =	vld.idx.msk [tilespmem:v9+s4+$0x0], $0xffff;
	_ =	sdelay $0x2  }
0x3d4: {  	v7 =	vsub.f32 v7, v10  }
0x3d5: {  	v30 =	vpop (erf)  }
0x3d6: {  	v8 =	vsub.f32 v8, v9;
	v7 =	vmul.f32 v30, v7  }
0x3d7: {  	s31 =	sadd.s32 $0xFFFFFFFF, s17;
	v31 =	vor.u32 s30, v1  }
0x3d8: {  	v7 =	vmul.f32 v7, v8;
	v8 =	vmov s31;
	_ =	sdelay $0x1  }
0x3d9: {  	v7 =	vadd.f32 v7, v9;
	_ =	sdelay $0x1  }
0x3da: {  	[tilespmem:v31+s13+$0x0] =	vst.idx.msk $0xffff, v7  }
0x3db: {  	v7 =	vld.idx.msk [tilespmem:v8+s9+$0x0], $0xffff  }
0x3dc: {  	v8 =	vld.idx.msk [tilespmem:v2+s12+$0x0], $0xffff;
	_ =	sdelay $0x4  }
0x3dd: {  	vm12 =	vlt.f32 v8, v7  }
0x3de: {  	v8 =	vsel vm12, $0x5F, v5  }
0x3df: {  	v32 =	vshll.u32 v8, $0x7  }
0x3e0: {  	v9 =	vor.u32 v0, v32;
	_ =	sdelay $0x4  }
0x3e1: {  	v9 =	vld.idx.msk [tilespmem:v9+s12+$0x0], $0xffff;
	_ =	sdelay $0x4  }
0x3e2: {  	v33 =	vsel vm12, $0x7F, v4;
	vm13 =	vlt.f32 v9, v7  }
0x3e3: {  	v34 =	vsel vm12, $0x40, v3;
	v35 =	vadd.s32 $0x1, v8;
	v8 =	vsel vm13, v33, v8  }
0x3e4: {  	v9 =	vsel vm13, v35, v34;
	v10 =	vadd.s32 $0xFFFFFFFF, v8  }
0x3e5: {  	v10 =	vadd.s32 v10, v9  }
0x3e6: {  	v10 =	vshrl.u32 v10, $0x1  }
0x3e7: {  	v36 =	vshll.u32 v10, $0x7  }
0x3e8: {  	v11 =	vor.u32 v0, v36;
	_ =	sdelay $0x4  }
0x3e9: {  	v11 =	vld.idx.msk [tilespmem:v11+s12+$0x0], $0xffff;
	_ =	sdelay $0x4  }
0x3ea: {  	vm14 =	vlt.f32 v11, v7  }
0x3eb: {  	v37 =	vadd.s32 $0x1, v10;
	v8 =	vsel vm14, v8, v10  }
0x3ec: {  	v9 =	vsel vm14, v37, v9;
	v10 =	vadd.s32 $0xFFFFFFFF, v8  }
0x3ed: {  	v11 =	vxor.u32 v10, v9  }
0x3ee: {  	v10 =	vor.u32 v10, v9;
	v11 =	vshrl.u32 v11, $0x1  }
0x3ef: {  	v10 =	vsub.s32 v10, v11  }
0x3f0: {  	v11 =	vshll.u32 v10, $0x7  }
0x3f1: {  	v11 =	vor.u32 v0, v11;
	_ =	sdelay $0x4  }
0x3f2: {  	v11 =	vld.idx.msk [tilespmem:v11+s12+$0x0], $0xffff;
	_ =	sdelay $0x4  }
0x3f3: {  	v38 =	vadd.s32 $0x1, v10;
	vm15 =	vlt.f32 v11, v7  }
0x3f4: {  	v9 =	vsel vm15, v38, v9;
	v8 =	vsel vm15, v8, v10  }
0x3f5: {  	v10 =	vadd.s32 v8, v9  }
0x3f6: {  	v10 =	vshrl.u32 v10, $0x1  }
0x3f7: {  	v39 =	vshll.u32 v10, $0x7  }
0x3f8: {  	v11 =	vor.u32 v0, v39;
	_ =	sdelay $0x4  }
0x3f9: {  	v11 =	vld.idx.msk [tilespmem:v11+s12+$0x0], $0xffff;
	_ =	sdelay $0x4  }
0x3fa: {  	v40 =	vadd.s32 $0x1, v10;
	vm4 =	vlt.f32 v11, v7  }
0x3fb: {  	v9 =	vsel vm4, v40, v9;
	v8 =	vsel vm4, v8, v10  }
0x3fc: {  	v10 =	vadd.s32 v8, v9  }
0x3fd: {  	v10 =	vshrl.u32 v10, $0x1  }
0x3fe: {  	v41 =	vshll.u32 v10, $0x7  }
0x3ff: {  	v11 =	vor.u32 v0, v41;
	_ =	sdelay $0x4  }
0x400: {  	v11 =	vld.idx.msk [tilespmem:v11+s12+$0x0], $0xffff;
	_ =	sdelay $0x4  }
0x401: {  	v42 =	vadd.s32 $0x1, v10;
	vm5 =	vlt.f32 v11, v7  }
0x402: {  	v9 =	vsel vm5, v42, v9;
	v8 =	vsel vm5, v8, v10  }
0x403: {  	v8 =	vadd.s32 v8, v9  }
0x404: {  	v8 =	vshrl.u32 v8, $0x1  }
0x405: {  	v43 =	vshll.u32 v8, $0x7  }
0x406: {  	v10 =	vor.u32 v0, v43;
	_ =	sdelay $0x4  }
0x407: {  	v10 =	vld.idx.msk [tilespmem:v10+s12+$0x0], $0xffff;
	_ =	sdelay $0x4  }
0x408: {  	v8 =	vadd.s32 $0x1, v8;
	vm6 =	vlt.f32 v10, v7  }
0x409: {  	v8 =	vsel vm6, v8, v9  }
0x40a: {  	v9 =	vmax.u32 v8, $0x1;
	v8 =	vmin.u32 v8, $0x7E  }
0x40b: {  	v9 =	vsub.s32 v9, v6;
	v45 =	vshll.u32 v8, $0x7  }
0x40c: {  	v44 =	vshll.u32 v9, $0x7;
	v11 =	vor.u32 v0, v45  }
0x40d: {  	v10 =	vor.u32 v0, v44;
	_ =	sdelay $0x3  }
0x40e: {  	v11 =	vld.idx.msk [tilespmem:v11+s12+$0x0], $0xffff  }
0x40f: {  	v10 =	vld.idx.msk [tilespmem:v10+s12+$0x0], $0xffff;
	_ =	sdelay $0x4  }
0x410: {  	v11 =	vsub.f32 v11, v10;
	_ =	sdelay $0x1  }
0x411: {  	vm7 =	vlt.f32 v11, $9.999999740e-06  }
0x412: {  	v8 =	vor.u32 v1, v8;
	v11 =	vsel vm7, $0x3F800000, v11  }
0x413: {  	v9 =	vor.u32 v1, v9;
	(erf) = vrcp.f32 v11;
	_ =	sdelay $0x3  }
0x414: {  	v8 =	vld.idx.msk [tilespmem:v8+s4+$0x0], $0xffff  }
0x415: {  	v9 =	vld.idx.msk [tilespmem:v9+s4+$0x0], $0xffff;
	_ =	sdelay $0x2  }
0x416: {  	v7 =	vsub.f32 v7, v10  }
0x417: {  	v46 =	vpop (erf)  }
0x418: {  	v8 =	vsub.f32 v8, v9;
	v7 =	vmul.f32 v46, v7  }
0x419: {  	v47 =	vor.u32 s31, v1  }
0x41a: {  	v7 =	vmul.f32 v7, v8;
	v8 =	vmov s17;
	_ =	sdelay $0x1  }
0x41b: {  	v7 =	vadd.f32 v7, v9;
	_ =	sdelay $0x1  }
0x41c: {  	[tilespmem:v47+s13+$0x0] =	vst.idx.msk $0xffff, v7  }
0x41d: {  	v7 =	vld.idx.msk [tilespmem:v8+s9+$0x0], $0xffff  }
0x41e: {  	v8 =	vld.idx.msk [tilespmem:v2+s12+$0x0], $0xffff;
	_ =	sdelay $0x4  }
0x41f: {  	vm8 =	vlt.f32 v8, v7  }
0x420: {  	v8 =	vsel vm8, $0x5F, v5  }
0x421: {  	v48 =	vshll.u32 v8, $0x7  }
0x422: {  	v9 =	vor.u32 v0, v48;
	_ =	sdelay $0x4  }
0x423: {  	v9 =	vld.idx.msk [tilespmem:v9+s12+$0x0], $0xffff;
	_ =	sdelay $0x4  }
0x424: {  	v49 =	vsel vm8, $0x7F, v4;
	vm9 =	vlt.f32 v9, v7  }
0x425: {  	v50 =	vsel vm8, $0x40, v3;
	v51 =	vadd.s32 $0x1, v8;
	v8 =	vsel vm9, v49, v8  }
0x426: {  	v9 =	vsel vm9, v51, v50;
	v10 =	vadd.s32 $0xFFFFFFFF, v8  }
0x427: {  	v10 =	vadd.s32 v10, v9  }
0x428: {  	v10 =	vshrl.u32 v10, $0x1  }
0x429: {  	v52 =	vshll.u32 v10, $0x7  }
0x42a: {  	v11 =	vor.u32 v0, v52;
	_ =	sdelay $0x4  }
0x42b: {  	v11 =	vld.idx.msk [tilespmem:v11+s12+$0x0], $0xffff;
	_ =	sdelay $0x4  }
0x42c: {  	vm10 =	vlt.f32 v11, v7  }
0x42d: {  	v53 =	vadd.s32 $0x1, v10;
	v8 =	vsel vm10, v8, v10  }
0x42e: {  	v9 =	vsel vm10, v53, v9;
	v10 =	vadd.s32 $0xFFFFFFFF, v8  }
0x42f: {  	v11 =	vxor.u32 v10, v9  }
0x430: {  	v10 =	vor.u32 v10, v9;
	v11 =	vshrl.u32 v11, $0x1  }
0x431: {  	v10 =	vsub.s32 v10, v11  }
0x432: {  	v11 =	vshll.u32 v10, $0x7  }
0x433: {  	v11 =	vor.u32 v0, v11;
	_ =	sdelay $0x4  }
0x434: {  	v11 =	vld.idx.msk [tilespmem:v11+s12+$0x0], $0xffff;
	_ =	sdelay $0x4  }
0x435: {  	v54 =	vadd.s32 $0x1, v10;
	vm11 =	vlt.f32 v11, v7  }
0x436: {  	v9 =	vsel vm11, v54, v9;
	v8 =	vsel vm11, v8, v10  }
0x437: {  	v10 =	vadd.s32 v8, v9  }
0x438: {  	v10 =	vshrl.u32 v10, $0x1  }
0x439: {  	v55 =	vshll.u32 v10, $0x7  }
0x43a: {  	v11 =	vor.u32 v0, v55;
	_ =	sdelay $0x4  }
0x43b: {  	v11 =	vld.idx.msk [tilespmem:v11+s12+$0x0], $0xffff;
	_ =	sdelay $0x4  }
0x43c: {  	v56 =	vadd.s32 $0x1, v10;
	vm12 =	vlt.f32 v11, v7  }
0x43d: {  	v9 =	vsel vm12, v56, v9;
	v8 =	vsel vm12, v8, v10  }
0x43e: {  	v10 =	vadd.s32 v8, v9  }
0x43f: {  	v10 =	vshrl.u32 v10, $0x1  }
0x440: {  	v57 =	vshll.u32 v10, $0x7  }
0x441: {  	v11 =	vor.u32 v0, v57;
	_ =	sdelay $0x4  }
0x442: {  	v11 =	vld.idx.msk [tilespmem:v11+s12+$0x0], $0xffff;
	_ =	sdelay $0x4  }
0x443: {  	v58 =	vadd.s32 $0x1, v10;
	vm13 =	vlt.f32 v11, v7  }
0x444: {  	v9 =	vsel vm13, v58, v9;
	v8 =	vsel vm13, v8, v10  }
0x445: {  	v8 =	vadd.s32 v8, v9  }
0x446: {  	v8 =	vshrl.u32 v8, $0x1  }
0x447: {  	v59 =	vshll.u32 v8, $0x7  }
0x448: {  	v10 =	vor.u32 v0, v59;
	_ =	sdelay $0x4  }
0x449: {  	v10 =	vld.idx.msk [tilespmem:v10+s12+$0x0], $0xffff;
	_ =	sdelay $0x4  }
0x44a: {  	v8 =	vadd.s32 $0x1, v8;
	vm14 =	vlt.f32 v10, v7  }
0x44b: {  	v8 =	vsel vm14, v8, v9  }
0x44c: {  	v9 =	vmax.u32 v8, $0x1;
	v8 =	vmin.u32 v8, $0x7E  }
0x44d: {  	v9 =	vsub.s32 v9, v6;
	v61 =	vshll.u32 v8, $0x7  }
0x44e: {  	v60 =	vshll.u32 v9, $0x7;
	v11 =	vor.u32 v0, v61  }
0x44f: {  	v10 =	vor.u32 v0, v60;
	_ =	sdelay $0x3  }
0x450: {  	v11 =	vld.idx.msk [tilespmem:v11+s12+$0x0], $0xffff  }
0x451: {  	v10 =	vld.idx.msk [tilespmem:v10+s12+$0x0], $0xffff;
	_ =	sdelay $0x4  }
0x452: {  	v11 =	vsub.f32 v11, v10;
	_ =	sdelay $0x1  }
0x453: {  	vm15 =	vlt.f32 v11, $9.999999740e-06  }
0x454: {  	v8 =	vor.u32 v1, v8;
	v11 =	vsel vm15, $0x3F800000, v11  }
0x455: {  	v9 =	vor.u32 v1, v9;
	(erf) = vrcp.f32 v11;
	_ =	sdelay $0x3  }
0x456: {  	v8 =	vld.idx.msk [tilespmem:v8+s4+$0x0], $0xffff  }
0x457: {  	v9 =	vld.idx.msk [tilespmem:v9+s4+$0x0], $0xffff;
	_ =	sdelay $0x2  }
0x458: {  	v7 =	vsub.f32 v7, v10  }
0x459: {  	v62 =	vpop (erf)  }
0x45a: {  	v8 =	vsub.f32 v8, v9;
	v7 =	vmul.f32 v62, v7  }
0x45b: {  	p0 =	sne.s32 s17, $0x3F;
	v63 =	vor.u32 s17, v1  }
.Ltmp1:
0x45c: {  	v7 =	vmul.f32 v7, v8;
	(pc) =	sbr.rel @p0 .LBB2_5-.Ltmp1, $3  }
0x45d: {  	_ = 	snop  }
0x45e: {  	v7 =	vadd.f32 v7, v9;
	_ =	sdelay $0x1  }
0x45f: {  	s17 =	sadd.s32 $0x10, s17;
	[tilespmem:v63+s13+$0x0] =	vst.idx.msk $0xffff, v7  }
0x460: {  	s15 =	sadd.s32 $0x1, s15  }
0x461: {  	p0 =	sne.s32 s15, $0x80  }
.Ltmp2:
0x462: {  	s16 =	sadd.s32 s6, s16;
	(pc) =	sbr.rel @p0 .LBB2_2-.Ltmp2, $4  }
0x463: {  	[hbm4b:s16+s4] =	stream.linear.scatter [tilespmem:s13], [sflag:$0x1], $0x800, $0x38;
	[tilespmem:$0x5880] =	vst v63  }
0x464: {  	_ =	swait.ge [sflag:s10], $0x800  }
0x465: {  	[sflag:s10] =	ssyncset.done $0x0  }
0x466: {  	[sflag:s10] =	ssyncadd.s32 $0xFFFFF800  }
0x467: {  	s14 =	sadd.s32 $0x1, s14  }
0x468: {  	p0 =	sne.s32 s14, s8  }
.Ltmp3:
0x469: {  	_ = 	snop;
	(pc) =	sbr.rel @p0 .LBB2_1-.Ltmp3, $1  }
0x46a: {  	_ =	sdelay $0x3  }
0x46b: {  	_ =	sfence.sel $0x180000  }
0x46c: {  	[bflag:$0x0] =	sbarrier.arrive $0xFFFF  }
0x46d: {  	p0 =	sne.s32 s5, $0x0;
	_ =	strace $0x90000047  }
0x46e: {  	s0 =	sadd.s32 @!p0 $0x100000, s0;
	[bflag:$0x2] =	sbarrier.arrive $0xFFFF  }
0x46f: {  	[sflag:s0] =	ssyncadd.tile.s32 @!p0 $0x1;
	_ =	shalt  }
.Lfunc_end2:
_tile_overlayer_lowered:
.L_overlay_start_2:
0x470: {  	(tag) =	ssettag $0x2  }
0x471: {  	s0 =	rddreg [dreg:$0x0];
	s2 =	stileid.u32  }
0x472: {  	s1 =	rddreg [dreg:$0x1];
	p0 =	sne.s32 s2, $0x0  }
0x473: {  	s3 =	rddreg [dreg:$0x2];
	[bflag:$0x3] =	sbarrier.arrive $0xFFFF;
	s2 =	simm.s32 @!p0 $0x1C01  }
0x474: {  	[timem:s3], [sflag:s2] =	dma.local @!p0 [hbm:s0], s1  }
0x475: {  	s0 =	simm.s32 @!p0 $0x1  }
0x476: {  	_ =	swait.ge @!p0 [sflag:s0], s1  }
0x477: {  	s1 =	ssub.s32 @!p0 $0x0, s1;
	[sflag:s0] =	ssyncset.done @!p0 $0x0  }
0x478: {  	[sflag:s0] =	ssyncadd.s32 @!p0 s1  }
0x479: {  	[bflag:$0x3] =	sbarrier.arrive $0xFFFF  }
0x47a: {  	_ =	shalt  }

</sc_bundles>
